<compile_context>
chip_gen: v7x
topology: tpu7x:2x2x1
jax: 0.10.2.dev20260603
libtpu: 0.0.44.dev20260713+nightly
codegen_flags: <defaults>
</compile_context>

<pallas_src>
import functools

import jax
import jax.numpy as jnp
from jax import lax
from jax.experimental import pallas as pl
from jax.experimental.pallas import tpu as pltpu
from jax.experimental.pallas import tpu_sc as plsc

_NUM_CORES = 2
_NUM_SUBCORES = 16
_NW = _NUM_CORES * _NUM_SUBCORES
_LANES = 16

_CHUNK = 128


def _proj_body(xt_ref, w_ref, b_ref, o_ref):
    o_ref[...] = (
        jax.lax.dot_general(
            xt_ref[...],
            w_ref[...],
            dimension_numbers=(((0,), (0,)), ((), ())),
            preferred_element_type=jnp.float32,
        )
        + b_ref[...]
    )


def _precompute_tables(embed_table, proj_w, proj_b, row_tile, v_pad):
    v, d = embed_table.shape
    s = proj_w.shape[1] // d
    half = s // 2
    wt = proj_w.reshape(d, s, d).transpose(1, 2, 0)
    w2 = jnp.concatenate([wt[:half], wt[half:]], axis=2).reshape(half * d, 2 * d)
    bias = jnp.tile((proj_b / s).astype(jnp.float32), 2).reshape(1, 2 * d)
    n_row_tiles = v_pad // row_tile
    return pl.pallas_call(
        _proj_body,
        grid=(n_row_tiles, half),
        in_specs=[
            pl.BlockSpec((d, row_tile), lambda k, a: (0, k)),
            pl.BlockSpec((d, 2 * d), lambda k, a: (a, 0)),
            pl.BlockSpec((1, 2 * d), lambda k, a: (0, 0)),
        ],
        out_specs=pl.BlockSpec(
            (row_tile, 2 * d), lambda k, a: (a * n_row_tiles + k, 0)
        ),
        out_shape=jax.ShapeDtypeStruct((half * v_pad, 2 * d), jnp.float32),
    )(embed_table.T, w2, bias)


def _gather_sum(flat_idx, tables, n_tokens, s, d):
    per_w = n_tokens // _NW
    n_chunks = per_w // _CHUNK
    assert n_chunks % 2 == 0

    mesh = plsc.VectorSubcoreMesh(
        core_axis_name="c",
        subcore_axis_name="s",
        num_cores=_NUM_CORES,
        num_subcores=_NUM_SUBCORES,
    )

    @functools.partial(
        pl.kernel,
        mesh=mesh,
        compiler_params=pltpu.CompilerParams(use_tc_tiling_on_sc=False),
        out_type=jax.ShapeDtypeStruct((n_tokens // 2, 2 * d), jnp.float32),
        scratch_types=[
            pltpu.VMEM((s, per_w), jnp.int32),
            pltpu.VMEM((2, s, _CHUNK, d), jnp.float32),
            pltpu.VMEM((2, _CHUNK // 2, 2 * d), jnp.float32),
            pltpu.SemaphoreType.DMA((2,)),
            pltpu.SemaphoreType.DMA((2,)),
        ],
    )
    def sc_kernel(idx_hbm, tab_hbm, out_hbm, idx_all, rows_v, out_v, gsem, osem):
        wid = lax.axis_index("s") * _NUM_CORES + lax.axis_index("c")
        base0 = wid * per_w
        pltpu.sync_copy(idx_hbm.at[:, pl.ds(base0, per_w)], idx_all)

        def gather_copy(buf, g, j):
            return pltpu.make_async_copy(
                tab_hbm.at[idx_all.at[j, pl.ds(g * _CHUNK, _CHUNK)]],
                rows_v.at[buf, j],
                gsem.at[buf],
            )

        def out_copy(buf, g):
            return pltpu.make_async_copy(
                out_v.at[buf],
                out_hbm.at[pl.ds((base0 + g * _CHUNK) // 2, _CHUNK // 2), :],
                osem.at[buf],
            )

        def fire(buf, g):
            for j in range(s):
                gather_copy(buf, g, j).start()

        def compute(buf):
            def pair_body(p, carry):
                for parity in range(2):
                    t = 2 * p + parity
                    for k in range(d // _LANES):
                        col = pl.ds(k * _LANES, _LANES)
                        ocol = pl.ds(parity * d + k * _LANES, _LANES)
                        acc = rows_v[buf, 0, t, col] + rows_v[buf, 1, t, col]
                        for j in range(2, s):
                            acc = acc + rows_v[buf, j, t, col]
                        out_v[buf, p, ocol] = acc
                return carry

            lax.fori_loop(0, _CHUNK // 2, pair_body, 0, unroll=2)

        fire(0, 0)

        def outer(i, carry):
            for buf in range(2):
                g = i * 2 + buf

                @pl.when(g + 1 < n_chunks)
                def _():
                    fire(1 - buf, g + 1)

                for j in range(s):
                    gather_copy(buf, g, j).wait()

                @pl.when(g >= 2)
                def _():
                    out_copy(buf, g - 2).wait()

                compute(buf)
                out_copy(buf, g).start()
            return carry

        lax.fori_loop(0, n_chunks // 2, outer, 0)
        out_copy(0, n_chunks - 2).wait()
        out_copy(1, n_chunks - 1).wait()

    return sc_kernel(flat_idx, tables)


def kernel(ctrl_tokens, embed_table, proj_w, proj_b):
    b, t, s = ctrl_tokens.shape
    v, d = embed_table.shape
    n = b * t

    v_pad = 12800 * ((v + 12799) // 12800)
    tab2 = _precompute_tables(embed_table, proj_w, proj_b, 12800, v_pad)
    tables = tab2.reshape(s * v_pad, d)

    idx = ctrl_tokens.reshape(n, s).astype(jnp.int32)
    j = jnp.arange(s, dtype=jnp.int32)
    flat_idx = (2 * ((j % 2)[None, :] * v_pad + idx) + (j // 2)[None, :]).T

    packed = _gather_sum(flat_idx, tables, n, s, d)
    return packed.reshape(b, t, d)

# --- scband reference (transcript-rebuilt; emitter-appended) ---
"""Pipeline reference for scband-control-encoder-temporal-44753559224677 (READ-ONLY COPY).

The authoritative reference and input builder live on the scoring server;
editing this copy changes nothing except your own understanding.
"""

import jax, jax.numpy as jnp
import numpy as np

VOCAB = 100000
D_MODEL = 64
B, T = 1024, 200

def setup_inputs(seed: int = 0) -> dict:
    key = jax.random.key(seed)
    k1, k2, k3, k4 = jax.random.split(key, 4)
    ctrl_tokens = jax.random.randint(k1, (B, T, 4), 0, VOCAB, dtype=jnp.int64 if jax.config.read('jax_enable_x64') else jnp.int32)
    embed_table = jax.random.normal(k2, (VOCAB, D_MODEL), dtype=jnp.float32)
    # torch Linear: weight [out, in] = [d_model, d_model*4]
    proj_w = jax.random.normal(k3, (D_MODEL, D_MODEL * 4), dtype=jnp.float32) * (1.0 / np.sqrt(D_MODEL * 4))
    proj_b = jax.random.normal(k4, (D_MODEL,), dtype=jnp.float32) * 0.01
    return {"ctrl_tokens": ctrl_tokens, "embed_table": embed_table, "proj_w": proj_w, "proj_b": proj_b}

def reference(ctrl_tokens, embed_table, proj_w, proj_b):
    Bv, Tv, _ = ctrl_tokens.shape
    e = jnp.take(embed_table, ctrl_tokens, axis=0)      # [B, T, 4, d_model]
    e = e.reshape(Bv, Tv, -1)                            # [B, T, 4*d_model]
    out = jnp.dot(e, proj_w.T) + proj_b                  # [B, T, d_model]
    return out

if __name__ == "__main__":
    import jax
    _d = setup_inputs()
    print(jax.jit(kernel)(*tuple(_d.values())))

</pallas_src>

<mosaic_0001>
#map = affine_map<(d0, d1) -> (0, 0)>
module attributes {stable_mosaic.version = 14 : i64} {
  func.func @sc_kernel(%arg0: i32, %arg1: i32, %arg2: memref<4x204800xi32, #tpu.memory_space<hbm>>, %arg3: memref<409600x64xf32, #tpu.memory_space<hbm>>, %arg4: memref<102400x128xf32, #tpu.memory_space<hbm>>, %arg5: memref<4x6400xi32, #tpu.memory_space<vmem>>, %arg6: memref<2x4x128x64xf32, #tpu.memory_space<vmem>>, %arg7: memref<2x64x128xf32, #tpu.memory_space<vmem>>, %arg8: memref<2x!tpu.dma_semaphore, #tpu.memory_space<semaphore_mem>>, %arg9: memref<2x!tpu.dma_semaphore, #tpu.memory_space<semaphore_mem>>) attributes {dimension_semantics = [#tpu.dimension_semantics<core_parallel>, #tpu.dimension_semantics<subcore_parallel>], iteration_bounds = array<i64: 2, 16>, scalar_prefetch = 0 : i64, scratch_operands = 5 : i64, tpu.core_type = #tpu.core_type<sc_vector_subcore>, window_params = [{transform_indices = #map}, {transform_indices = #map}, {transform_indices = #map}]} {
    %mul3A = arith.constant 2 : i32
    %mul3A_0 = arith.muli %arg1, %mul3A : i32
    %add3A = arith.addi %mul3A_0, %arg0 : i32
    %mul3A_1 = arith.constant 6400 : i32
    %mul3A_2 = arith.muli %add3A, %mul3A_1 : i32
    "tpu.region"() ({
      %run_scoped3A = tpu.sem_alloc : memref<!tpu.dma_semaphore, #tpu.memory_space<semaphore_mem>>
      %dma_start3A_146 = arith.constant 0 : i32
      %dma_start3A_147 = tpu.memref_slice %arg2[%dma_start3A_146, %mul3A_2] : memref<4x204800xi32, #tpu.memory_space<hbm>> -> memref<4x6400xi32, #tpu.memory_space<hbm>>
      %dma_start3A_148 = arith.constant 0 : i32
      %dma_start3A_149 = tpu.memref_slice %arg2[%dma_start3A_148, %mul3A_2] : memref<4x204800xi32, #tpu.memory_space<hbm>> -> memref<4x6400xi32, #tpu.memory_space<hbm>>
      tpu.enqueue_dma source(%dma_start3A_149 : memref<4x6400xi32, #tpu.memory_space<hbm>>) target(%arg5 : memref<4x6400xi32, #tpu.memory_space<vmem>>) target_semaphore(%run_scoped3A : memref<!tpu.dma_semaphore, #tpu.memory_space<semaphore_mem>>)
      %dma_wait3A_150 = arith.constant 0 : i32
      %dma_wait3A_151 = tpu.memref_slice %arg2[%dma_wait3A_150, %mul3A_2] : memref<4x204800xi32, #tpu.memory_space<hbm>> -> memref<4x6400xi32, #tpu.memory_space<hbm>>
      %dma_wait3A_152 = arith.constant 0 : i32
      %dma_wait3A_153 = tpu.memref_slice %arg2[%dma_wait3A_152, %mul3A_2] : memref<4x204800xi32, #tpu.memory_space<hbm>> -> memref<4x6400xi32, #tpu.memory_space<hbm>>
      tpu.wait_dma2 semaphore(%run_scoped3A : memref<!tpu.dma_semaphore, #tpu.memory_space<semaphore_mem>>) src(%dma_wait3A_153 : memref<4x6400xi32, #tpu.memory_space<hbm>>) dst(%arg5 : memref<4x6400xi32, #tpu.memory_space<vmem>>)
      tpu.yield
    }) : () -> ()
    %dma_start3A = arith.constant 0 : i32
    %dma_start3A_3 = arith.constant 0 : i32
    %dma_start3A_4 = arith.constant 0 : i32
    %dma_start3A_5 = arith.constant 0 : i32
    %dma_start3A_6 = arith.constant 0 : i32
    %dma_start3A_7 = arith.constant 0 : i32
    %dma_start3A_8 = tpu.memref_slice %arg6[%dma_start3A_3, %dma_start3A_4, %dma_start3A_6, %dma_start3A_7] : memref<2x4x128x64xf32, #tpu.memory_space<vmem>> -> memref<1x1x128x64xf32, #tpu.memory_space<vmem>>
    %dma_start3A_9 = tpu.memref_squeeze %dma_start3A_8 : memref<1x1x128x64xf32, #tpu.memory_space<vmem>> -> memref<128x64xf32, #tpu.memory_space<vmem>>
    %dma_start3A_10 = arith.constant 0 : i32
    %dma_start3A_11 = tpu.memref_slice %arg5[%dma_start3A, %dma_start3A_10] : memref<4x6400xi32, #tpu.memory_space<vmem>> -> memref<1x128xi32, #tpu.memory_space<vmem>>
    %dma_start3A_12 = tpu.memref_squeeze %dma_start3A_11 : memref<1x128xi32, #tpu.memory_space<vmem>> -> memref<128xi32, #tpu.memory_space<vmem>>
    %dma_start3A_13 = arith.constant 0 : i32
    %dma_start3A_14 = arith.constant 0 : i32
    %dma_start3A_15 = tpu.memref_slice %arg3[%dma_start3A_13, %dma_start3A_14] : memref<409600x64xf32, #tpu.memory_space<hbm>> -> memref<409600x64xf32, #tpu.memory_space<hbm>>
    %dma_start3A_16 = tpu.memref_slice %arg8[%dma_start3A_5] : memref<2x!tpu.dma_semaphore, #tpu.memory_space<semaphore_mem>> -> memref<1x!tpu.dma_semaphore, #tpu.memory_space<semaphore_mem>>
    %dma_start3A_17 = tpu.memref_squeeze %dma_start3A_16 : memref<1x!tpu.dma_semaphore, #tpu.memory_space<semaphore_mem>> -> memref<!tpu.dma_semaphore, #tpu.memory_space<semaphore_mem>>
    tpu.enqueue_indirect_dma source(%dma_start3A_15 : memref<409600x64xf32, #tpu.memory_space<hbm>>) target(%dma_start3A_9 : memref<128x64xf32, #tpu.memory_space<vmem>>) offsets(%dma_start3A_12 : memref<128xi32, #tpu.memory_space<vmem>>) semaphore(%dma_start3A_17 : memref<!tpu.dma_semaphore, #tpu.memory_space<semaphore_mem>>)
    %dma_start3A_18 = arith.constant 1 : i32
    %dma_start3A_19 = arith.constant 0 : i32
    %dma_start3A_20 = arith.constant 1 : i32
    %dma_start3A_21 = arith.constant 0 : i32
    %dma_start3A_22 = arith.constant 0 : i32
    %dma_start3A_23 = arith.constant 0 : i32
    %dma_start3A_24 = tpu.memref_slice %arg6[%dma_start3A_19, %dma_start3A_20, %dma_start3A_22, %dma_start3A_23] : memref<2x4x128x64xf32, #tpu.memory_space<vmem>> -> memref<1x1x128x64xf32, #tpu.memory_space<vmem>>
    %dma_start3A_25 = tpu.memref_squeeze %dma_start3A_24 : memref<1x1x128x64xf32, #tpu.memory_space<vmem>> -> memref<128x64xf32, #tpu.memory_space<vmem>>
    %dma_start3A_26 = arith.constant 0 : i32
    %dma_start3A_27 = tpu.memref_slice %arg5[%dma_start3A_18, %dma_start3A_26] : memref<4x6400xi32, #tpu.memory_space<vmem>> -> memref<1x128xi32, #tpu.memory_space<vmem>>
    %dma_start3A_28 = tpu.memref_squeeze %dma_start3A_27 : memref<1x128xi32, #tpu.memory_space<vmem>> -> memref<128xi32, #tpu.memory_space<vmem>>
    %dma_start3A_29 = arith.constant 0 : i32
    %dma_start3A_30 = arith.constant 0 : i32
    %dma_start3A_31 = tpu.memref_slice %arg3[%dma_start3A_29, %dma_start3A_30] : memref<409600x64xf32, #tpu.memory_space<hbm>> -> memref<409600x64xf32, #tpu.memory_space<hbm>>
    %dma_start3A_32 = tpu.memref_slice %arg8[%dma_start3A_21] : memref<2x!tpu.dma_semaphore, #tpu.memory_space<semaphore_mem>> -> memref<1x!tpu.dma_semaphore, #tpu.memory_space<semaphore_mem>>
    %dma_start3A_33 = tpu.memref_squeeze %dma_start3A_32 : memref<1x!tpu.dma_semaphore, #tpu.memory_space<semaphore_mem>> -> memref<!tpu.dma_semaphore, #tpu.memory_space<semaphore_mem>>
    tpu.enqueue_indirect_dma source(%dma_start3A_31 : memref<409600x64xf32, #tpu.memory_space<hbm>>) target(%dma_start3A_25 : memref<128x64xf32, #tpu.memory_space<vmem>>) offsets(%dma_start3A_28 : memref<128xi32, #tpu.memory_space<vmem>>) semaphore(%dma_start3A_33 : memref<!tpu.dma_semaphore, #tpu.memory_space<semaphore_mem>>)
    %dma_start3A_34 = arith.constant 2 : i32
    %dma_start3A_35 = arith.constant 0 : i32
    %dma_start3A_36 = arith.constant 2 : i32
    %dma_start3A_37 = arith.constant 0 : i32
    %dma_start3A_38 = arith.constant 0 : i32
    %dma_start3A_39 = arith.constant 0 : i32
    %dma_start3A_40 = tpu.memref_slice %arg6[%dma_start3A_35, %dma_start3A_36, %dma_start3A_38, %dma_start3A_39] : memref<2x4x128x64xf32, #tpu.memory_space<vmem>> -> memref<1x1x128x64xf32, #tpu.memory_space<vmem>>
    %dma_start3A_41 = tpu.memref_squeeze %dma_start3A_40 : memref<1x1x128x64xf32, #tpu.memory_space<vmem>> -> memref<128x64xf32, #tpu.memory_space<vmem>>
    %dma_start3A_42 = arith.constant 0 : i32
    %dma_start3A_43 = tpu.memref_slice %arg5[%dma_start3A_34, %dma_start3A_42] : memref<4x6400xi32, #tpu.memory_space<vmem>> -> memref<1x128xi32, #tpu.memory_space<vmem>>
    %dma_start3A_44 = tpu.memref_squeeze %dma_start3A_43 : memref<1x128xi32, #tpu.memory_space<vmem>> -> memref<128xi32, #tpu.memory_space<vmem>>
    %dma_start3A_45 = arith.constant 0 : i32
    %dma_start3A_46 = arith.constant 0 : i32
    %dma_start3A_47 = tpu.memref_slice %arg3[%dma_start3A_45, %dma_start3A_46] : memref<409600x64xf32, #tpu.memory_space<hbm>> -> memref<409600x64xf32, #tpu.memory_space<hbm>>
    %dma_start3A_48 = tpu.memref_slice %arg8[%dma_start3A_37] : memref<2x!tpu.dma_semaphore, #tpu.memory_space<semaphore_mem>> -> memref<1x!tpu.dma_semaphore, #tpu.memory_space<semaphore_mem>>
    %dma_start3A_49 = tpu.memref_squeeze %dma_start3A_48 : memref<1x!tpu.dma_semaphore, #tpu.memory_space<semaphore_mem>> -> memref<!tpu.dma_semaphore, #tpu.memory_space<semaphore_mem>>
    tpu.enqueue_indirect_dma source(%dma_start3A_47 : memref<409600x64xf32, #tpu.memory_space<hbm>>) target(%dma_start3A_41 : memref<128x64xf32, #tpu.memory_space<vmem>>) offsets(%dma_start3A_44 : memref<128xi32, #tpu.memory_space<vmem>>) semaphore(%dma_start3A_49 : memref<!tpu.dma_semaphore, #tpu.memory_space<semaphore_mem>>)
    %dma_start3A_50 = arith.constant 3 : i32
    %dma_start3A_51 = arith.constant 0 : i32
    %dma_start3A_52 = arith.constant 3 : i32
    %dma_start3A_53 = arith.constant 0 : i32
    %dma_start3A_54 = arith.constant 0 : i32
    %dma_start3A_55 = arith.constant 0 : i32
    %dma_start3A_56 = tpu.memref_slice %arg6[%dma_start3A_51, %dma_start3A_52, %dma_start3A_54, %dma_start3A_55] : memref<2x4x128x64xf32, #tpu.memory_space<vmem>> -> memref<1x1x128x64xf32, #tpu.memory_space<vmem>>
    %dma_start3A_57 = tpu.memref_squeeze %dma_start3A_56 : memref<1x1x128x64xf32, #tpu.memory_space<vmem>> -> memref<128x64xf32, #tpu.memory_space<vmem>>
    %dma_start3A_58 = arith.constant 0 : i32
    %dma_start3A_59 = tpu.memref_slice %arg5[%dma_start3A_50, %dma_start3A_58] : memref<4x6400xi32, #tpu.memory_space<vmem>> -> memref<1x128xi32, #tpu.memory_space<vmem>>
    %dma_start3A_60 = tpu.memref_squeeze %dma_start3A_59 : memref<1x128xi32, #tpu.memory_space<vmem>> -> memref<128xi32, #tpu.memory_space<vmem>>
    %dma_start3A_61 = arith.constant 0 : i32
    %dma_start3A_62 = arith.constant 0 : i32
    %dma_start3A_63 = tpu.memref_slice %arg3[%dma_start3A_61, %dma_start3A_62] : memref<409600x64xf32, #tpu.memory_space<hbm>> -> memref<409600x64xf32, #tpu.memory_space<hbm>>
    %dma_start3A_64 = tpu.memref_slice %arg8[%dma_start3A_53] : memref<2x!tpu.dma_semaphore, #tpu.memory_space<semaphore_mem>> -> memref<1x!tpu.dma_semaphore, #tpu.memory_space<semaphore_mem>>
    %dma_start3A_65 = tpu.memref_squeeze %dma_start3A_64 : memref<1x!tpu.dma_semaphore, #tpu.memory_space<semaphore_mem>> -> memref<!tpu.dma_semaphore, #tpu.memory_space<semaphore_mem>>
    tpu.enqueue_indirect_dma source(%dma_start3A_63 : memref<409600x64xf32, #tpu.memory_space<hbm>>) target(%dma_start3A_57 : memref<128x64xf32, #tpu.memory_space<vmem>>) offsets(%dma_start3A_60 : memref<128xi32, #tpu.memory_space<vmem>>) semaphore(%dma_start3A_65 : memref<!tpu.dma_semaphore, #tpu.memory_space<semaphore_mem>>)
    %scan3A = arith.constant 0 : i32
    %scan3A_66 = arith.constant 0 : i32
    %scan3A_67 = arith.constant 25 : i32
    %scan3A_68 = arith.addi %scan3A_66, %scan3A_67 : i32
    %scan3A_69 = arith.constant 1 : i32
    scf.for %scan3A_146 = %scan3A_66 to %scan3A_68 step %scan3A_69  : i32 {
      %mul3A_147 = arith.constant 2 : i32
      %mul3A_148 = arith.muli %scan3A_146, %mul3A_147 : i32
      %add3A_149 = arith.constant 0 : i32
      %add3A_150 = arith.addi %mul3A_148, %add3A_149 : i32
      %add3A_151 = arith.constant 1 : i32
      %add3A_152 = arith.addi %add3A_150, %add3A_151 : i32
      %lt3A = arith.constant 50 : i32
      %lt3A_153 = arith.cmpi slt, %add3A_152, %lt3A : i32
      %convert_element_type3A = arith.extui %lt3A_153 : i1 to i32
      %cond3A = arith.constant 0 : i32
      %cond3A_154 = arith.cmpi ne, %convert_element_type3A, %cond3A : i32
      scf.if %cond3A_154 {
        %add3A_409 = arith.constant 1 : i32
        %add3A_410 = arith.addi %add3A_150, %add3A_409 : i32
        %mul3A_411 = arith.constant 128 : i32
        %mul3A_412 = arith.muli %add3A_410, %mul3A_411 : i32
        %dma_start3A_413 = arith.constant 0 : i32
        %dma_start3A_414 = arith.constant 1 : i32
        %dma_start3A_415 = arith.constant 0 : i32
        %dma_start3A_416 = arith.constant 1 : i32
        %dma_start3A_417 = arith.constant 0 : i32
        %dma_start3A_418 = arith.constant 0 : i32
        %dma_start3A_419 = tpu.memref_slice %arg6[%dma_start3A_414, %dma_start3A_415, %dma_start3A_417, %dma_start3A_418] : memref<2x4x128x64xf32, #tpu.memory_space<vmem>> -> memref<1x1x128x64xf32, #tpu.memory_space<vmem>>
        %dma_start3A_420 = tpu.memref_squeeze %dma_start3A_419 : memref<1x1x128x64xf32, #tpu.memory_space<vmem>> -> memref<128x64xf32, #tpu.memory_space<vmem>>
        %dma_start3A_421 = tpu.memref_slice %arg5[%dma_start3A_413, %mul3A_412] : memref<4x6400xi32, #tpu.memory_space<vmem>> -> memref<1x128xi32, #tpu.memory_space<vmem>>
        %dma_start3A_422 = tpu.memref_squeeze %dma_start3A_421 : memref<1x128xi32, #tpu.memory_space<vmem>> -> memref<128xi32, #tpu.memory_space<vmem>>
        %dma_start3A_423 = arith.constant 0 : i32
        %dma_start3A_424 = arith.constant 0 : i32
        %dma_start3A_425 = tpu.memref_slice %arg3[%dma_start3A_423, %dma_start3A_424] : memref<409600x64xf32, #tpu.memory_space<hbm>> -> memref<409600x64xf32, #tpu.memory_space<hbm>>
        %dma_start3A_426 = tpu.memref_slice %arg8[%dma_start3A_416] : memref<2x!tpu.dma_semaphore, #tpu.memory_space<semaphore_mem>> -> memref<1x!tpu.dma_semaphore, #tpu.memory_space<semaphore_mem>>
        %dma_start3A_427 = tpu.memref_squeeze %dma_start3A_426 : memref<1x!tpu.dma_semaphore, #tpu.memory_space<semaphore_mem>> -> memref<!tpu.dma_semaphore, #tpu.memory_space<semaphore_mem>>
        tpu.enqueue_indirect_dma source(%dma_start3A_425 : memref<409600x64xf32, #tpu.memory_space<hbm>>) target(%dma_start3A_420 : memref<128x64xf32, #tpu.memory_space<vmem>>) offsets(%dma_start3A_422 : memref<128xi32, #tpu.memory_space<vmem>>) semaphore(%dma_start3A_427 : memref<!tpu.dma_semaphore, #tpu.memory_space<semaphore_mem>>)
        %mul3A_428 = arith.constant 128 : i32
        %mul3A_429 = arith.muli %add3A_410, %mul3A_428 : i32
        %dma_start3A_430 = arith.constant 1 : i32
        %dma_start3A_431 = arith.constant 1 : i32
        %dma_start3A_432 = arith.constant 1 : i32
        %dma_start3A_433 = arith.constant 1 : i32
        %dma_start3A_434 = arith.constant 0 : i32
        %dma_start3A_435 = arith.constant 0 : i32
        %dma_start3A_436 = tpu.memref_slice %arg6[%dma_start3A_431, %dma_start3A_432, %dma_start3A_434, %dma_start3A_435] : memref<2x4x128x64xf32, #tpu.memory_space<vmem>> -> memref<1x1x128x64xf32, #tpu.memory_space<vmem>>
        %dma_start3A_437 = tpu.memref_squeeze %dma_start3A_436 : memref<1x1x128x64xf32, #tpu.memory_space<vmem>> -> memref<128x64xf32, #tpu.memory_space<vmem>>
        %dma_start3A_438 = tpu.memref_slice %arg5[%dma_start3A_430, %mul3A_429] : memref<4x6400xi32, #tpu.memory_space<vmem>> -> memref<1x128xi32, #tpu.memory_space<vmem>>
        %dma_start3A_439 = tpu.memref_squeeze %dma_start3A_438 : memref<1x128xi32, #tpu.memory_space<vmem>> -> memref<128xi32, #tpu.memory_space<vmem>>
        %dma_start3A_440 = arith.constant 0 : i32
        %dma_start3A_441 = arith.constant 0 : i32
        %dma_start3A_442 = tpu.memref_slice %arg3[%dma_start3A_440, %dma_start3A_441] : memref<409600x64xf32, #tpu.memory_space<hbm>> -> memref<409600x64xf32, #tpu.memory_space<hbm>>
        %dma_start3A_443 = tpu.memref_slice %arg8[%dma_start3A_433] : memref<2x!tpu.dma_semaphore, #tpu.memory_space<semaphore_mem>> -> memref<1x!tpu.dma_semaphore, #tpu.memory_space<semaphore_mem>>
        %dma_start3A_444 = tpu.memref_squeeze %dma_start3A_443 : memref<1x!tpu.dma_semaphore, #tpu.memory_space<semaphore_mem>> -> memref<!tpu.dma_semaphore, #tpu.memory_space<semaphore_mem>>
        tpu.enqueue_indirect_dma source(%dma_start3A_442 : memref<409600x64xf32, #tpu.memory_space<hbm>>) target(%dma_start3A_437 : memref<128x64xf32, #tpu.memory_space<vmem>>) offsets(%dma_start3A_439 : memref<128xi32, #tpu.memory_space<vmem>>) semaphore(%dma_start3A_444 : memref<!tpu.dma_semaphore, #tpu.memory_space<semaphore_mem>>)
        %mul3A_445 = arith.constant 128 : i32
        %mul3A_446 = arith.muli %add3A_410, %mul3A_445 : i32
        %dma_start3A_447 = arith.constant 2 : i32
        %dma_start3A_448 = arith.constant 1 : i32
        %dma_start3A_449 = arith.constant 2 : i32
        %dma_start3A_450 = arith.constant 1 : i32
        %dma_start3A_451 = arith.constant 0 : i32
        %dma_start3A_452 = arith.constant 0 : i32
        %dma_start3A_453 = tpu.memref_slice %arg6[%dma_start3A_448, %dma_start3A_449, %dma_start3A_451, %dma_start3A_452] : memref<2x4x128x64xf32, #tpu.memory_space<vmem>> -> memref<1x1x128x64xf32, #tpu.memory_space<vmem>>
        %dma_start3A_454 = tpu.memref_squeeze %dma_start3A_453 : memref<1x1x128x64xf32, #tpu.memory_space<vmem>> -> memref<128x64xf32, #tpu.memory_space<vmem>>
        %dma_start3A_455 = tpu.memref_slice %arg5[%dma_start3A_447, %mul3A_446] : memref<4x6400xi32, #tpu.memory_space<vmem>> -> memref<1x128xi32, #tpu.memory_space<vmem>>
        %dma_start3A_456 = tpu.memref_squeeze %dma_start3A_455 : memref<1x128xi32, #tpu.memory_space<vmem>> -> memref<128xi32, #tpu.memory_space<vmem>>
        %dma_start3A_457 = arith.constant 0 : i32
        %dma_start3A_458 = arith.constant 0 : i32
        %dma_start3A_459 = tpu.memref_slice %arg3[%dma_start3A_457, %dma_start3A_458] : memref<409600x64xf32, #tpu.memory_space<hbm>> -> memref<409600x64xf32, #tpu.memory_space<hbm>>
        %dma_start3A_460 = tpu.memref_slice %arg8[%dma_start3A_450] : memref<2x!tpu.dma_semaphore, #tpu.memory_space<semaphore_mem>> -> memref<1x!tpu.dma_semaphore, #tpu.memory_space<semaphore_mem>>
        %dma_start3A_461 = tpu.memref_squeeze %dma_start3A_460 : memref<1x!tpu.dma_semaphore, #tpu.memory_space<semaphore_mem>> -> memref<!tpu.dma_semaphore, #tpu.memory_space<semaphore_mem>>
        tpu.enqueue_indirect_dma source(%dma_start3A_459 : memref<409600x64xf32, #tpu.memory_space<hbm>>) target(%dma_start3A_454 : memref<128x64xf32, #tpu.memory_space<vmem>>) offsets(%dma_start3A_456 : memref<128xi32, #tpu.memory_space<vmem>>) semaphore(%dma_start3A_461 : memref<!tpu.dma_semaphore, #tpu.memory_space<semaphore_mem>>)
        %mul3A_462 = arith.constant 128 : i32
        %mul3A_463 = arith.muli %add3A_410, %mul3A_462 : i32
        %dma_start3A_464 = arith.constant 3 : i32
        %dma_start3A_465 = arith.constant 1 : i32
        %dma_start3A_466 = arith.constant 3 : i32
        %dma_start3A_467 = arith.constant 1 : i32
        %dma_start3A_468 = arith.constant 0 : i32
        %dma_start3A_469 = arith.constant 0 : i32
        %dma_start3A_470 = tpu.memref_slice %arg6[%dma_start3A_465, %dma_start3A_466, %dma_start3A_468, %dma_start3A_469] : memref<2x4x128x64xf32, #tpu.memory_space<vmem>> -> memref<1x1x128x64xf32, #tpu.memory_space<vmem>>
        %dma_start3A_471 = tpu.memref_squeeze %dma_start3A_470 : memref<1x1x128x64xf32, #tpu.memory_space<vmem>> -> memref<128x64xf32, #tpu.memory_space<vmem>>
        %dma_start3A_472 = tpu.memref_slice %arg5[%dma_start3A_464, %mul3A_463] : memref<4x6400xi32, #tpu.memory_space<vmem>> -> memref<1x128xi32, #tpu.memory_space<vmem>>
        %dma_start3A_473 = tpu.memref_squeeze %dma_start3A_472 : memref<1x128xi32, #tpu.memory_space<vmem>> -> memref<128xi32, #tpu.memory_space<vmem>>
        %dma_start3A_474 = arith.constant 0 : i32
        %dma_start3A_475 = arith.constant 0 : i32
        %dma_start3A_476 = tpu.memref_slice %arg3[%dma_start3A_474, %dma_start3A_475] : memref<409600x64xf32, #tpu.memory_space<hbm>> -> memref<409600x64xf32, #tpu.memory_space<hbm>>
        %dma_start3A_477 = tpu.memref_slice %arg8[%dma_start3A_467] : memref<2x!tpu.dma_semaphore, #tpu.memory_space<semaphore_mem>> -> memref<1x!tpu.dma_semaphore, #tpu.memory_space<semaphore_mem>>
        %dma_start3A_478 = tpu.memref_squeeze %dma_start3A_477 : memref<1x!tpu.dma_semaphore, #tpu.memory_space<semaphore_mem>> -> memref<!tpu.dma_semaphore, #tpu.memory_space<semaphore_mem>>
        tpu.enqueue_indirect_dma source(%dma_start3A_476 : memref<409600x64xf32, #tpu.memory_space<hbm>>) target(%dma_start3A_471 : memref<128x64xf32, #tpu.memory_space<vmem>>) offsets(%dma_start3A_473 : memref<128xi32, #tpu.memory_space<vmem>>) semaphore(%dma_start3A_478 : memref<!tpu.dma_semaphore, #tpu.memory_space<semaphore_mem>>)
      } else {
      }
      %mul3A_155 = arith.constant 128 : i32
      %mul3A_156 = arith.muli %add3A_150, %mul3A_155 : i32
      %dma_wait3A_157 = arith.constant 0 : i32
      %dma_wait3A_158 = arith.constant 0 : i32
      %dma_wait3A_159 = arith.constant 0 : i32
      %dma_wait3A_160 = arith.constant 0 : i32
      %dma_wait3A_161 = arith.constant 0 : i32
      %dma_wait3A_162 = arith.constant 0 : i32
      %dma_wait3A_163 = tpu.memref_slice %arg6[%dma_wait3A_158, %dma_wait3A_159, %dma_wait3A_161, %dma_wait3A_162] : memref<2x4x128x64xf32, #tpu.memory_space<vmem>> -> memref<1x1x128x64xf32, #tpu.memory_space<vmem>>
      %dma_wait3A_164 = tpu.memref_squeeze %dma_wait3A_163 : memref<1x1x128x64xf32, #tpu.memory_space<vmem>> -> memref<128x64xf32, #tpu.memory_space<vmem>>
      %dma_wait3A_165 = tpu.memref_slice %arg5[%dma_wait3A_157, %mul3A_156] : memref<4x6400xi32, #tpu.memory_space<vmem>> -> memref<1x128xi32, #tpu.memory_space<vmem>>
      %dma_wait3A_166 = tpu.memref_squeeze %dma_wait3A_165 : memref<1x128xi32, #tpu.memory_space<vmem>> -> memref<128xi32, #tpu.memory_space<vmem>>
      %dma_wait3A_167 = arith.constant 0 : i32
      %dma_wait3A_168 = arith.constant 0 : i32
      %dma_wait3A_169 = tpu.memref_slice %arg3[%dma_wait3A_167, %dma_wait3A_168] : memref<409600x64xf32, #tpu.memory_space<hbm>> -> memref<409600x64xf32, #tpu.memory_space<hbm>>
      %dma_wait3A_170 = tpu.memref_slice %arg8[%dma_wait3A_160] : memref<2x!tpu.dma_semaphore, #tpu.memory_space<semaphore_mem>> -> memref<1x!tpu.dma_semaphore, #tpu.memory_space<semaphore_mem>>
      %dma_wait3A_171 = tpu.memref_squeeze %dma_wait3A_170 : memref<1x!tpu.dma_semaphore, #tpu.memory_space<semaphore_mem>> -> memref<!tpu.dma_semaphore, #tpu.memory_space<semaphore_mem>>
      tpu.wait_indirect_dma semaphore(%dma_wait3A_171 : memref<!tpu.dma_semaphore, #tpu.memory_space<semaphore_mem>>) src(%dma_wait3A_169 : memref<409600x64xf32, #tpu.memory_space<hbm>>) dst(%dma_wait3A_164 : memref<128x64xf32, #tpu.memory_space<vmem>>)
      %mul3A_172 = arith.constant 128 : i32
      %mul3A_173 = arith.muli %add3A_150, %mul3A_172 : i32
      %dma_wait3A_174 = arith.constant 1 : i32
      %dma_wait3A_175 = arith.constant 0 : i32
      %dma_wait3A_176 = arith.constant 1 : i32
      %dma_wait3A_177 = arith.constant 0 : i32
      %dma_wait3A_178 = arith.constant 0 : i32
      %dma_wait3A_179 = arith.constant 0 : i32
      %dma_wait3A_180 = tpu.memref_slice %arg6[%dma_wait3A_175, %dma_wait3A_176, %dma_wait3A_178, %dma_wait3A_179] : memref<2x4x128x64xf32, #tpu.memory_space<vmem>> -> memref<1x1x128x64xf32, #tpu.memory_space<vmem>>
      %dma_wait3A_181 = tpu.memref_squeeze %dma_wait3A_180 : memref<1x1x128x64xf32, #tpu.memory_space<vmem>> -> memref<128x64xf32, #tpu.memory_space<vmem>>
      %dma_wait3A_182 = tpu.memref_slice %arg5[%dma_wait3A_174, %mul3A_173] : memref<4x6400xi32, #tpu.memory_space<vmem>> -> memref<1x128xi32, #tpu.memory_space<vmem>>
      %dma_wait3A_183 = tpu.memref_squeeze %dma_wait3A_182 : memref<1x128xi32, #tpu.memory_space<vmem>> -> memref<128xi32, #tpu.memory_space<vmem>>
      %dma_wait3A_184 = arith.constant 0 : i32
      %dma_wait3A_185 = arith.constant 0 : i32
      %dma_wait3A_186 = tpu.memref_slice %arg3[%dma_wait3A_184, %dma_wait3A_185] : memref<409600x64xf32, #tpu.memory_space<hbm>> -> memref<409600x64xf32, #tpu.memory_space<hbm>>
      %dma_wait3A_187 = tpu.memref_slice %arg8[%dma_wait3A_177] : memref<2x!tpu.dma_semaphore, #tpu.memory_space<semaphore_mem>> -> memref<1x!tpu.dma_semaphore, #tpu.memory_space<semaphore_mem>>
      %dma_wait3A_188 = tpu.memref_squeeze %dma_wait3A_187 : memref<1x!tpu.dma_semaphore, #tpu.memory_space<semaphore_mem>> -> memref<!tpu.dma_semaphore, #tpu.memory_space<semaphore_mem>>
      tpu.wait_indirect_dma semaphore(%dma_wait3A_188 : memref<!tpu.dma_semaphore, #tpu.memory_space<semaphore_mem>>) src(%dma_wait3A_186 : memref<409600x64xf32, #tpu.memory_space<hbm>>) dst(%dma_wait3A_181 : memref<128x64xf32, #tpu.memory_space<vmem>>)
      %mul3A_189 = arith.constant 128 : i32
      %mul3A_190 = arith.muli %add3A_150, %mul3A_189 : i32
      %dma_wait3A_191 = arith.constant 2 : i32
      %dma_wait3A_192 = arith.constant 0 : i32
      %dma_wait3A_193 = arith.constant 2 : i32
      %dma_wait3A_194 = arith.constant 0 : i32
      %dma_wait3A_195 = arith.constant 0 : i32
      %dma_wait3A_196 = arith.constant 0 : i32
      %dma_wait3A_197 = tpu.memref_slice %arg6[%dma_wait3A_192, %dma_wait3A_193, %dma_wait3A_195, %dma_wait3A_196] : memref<2x4x128x64xf32, #tpu.memory_space<vmem>> -> memref<1x1x128x64xf32, #tpu.memory_space<vmem>>
      %dma_wait3A_198 = tpu.memref_squeeze %dma_wait3A_197 : memref<1x1x128x64xf32, #tpu.memory_space<vmem>> -> memref<128x64xf32, #tpu.memory_space<vmem>>
      %dma_wait3A_199 = tpu.memref_slice %arg5[%dma_wait3A_191, %mul3A_190] : memref<4x6400xi32, #tpu.memory_space<vmem>> -> memref<1x128xi32, #tpu.memory_space<vmem>>
      %dma_wait3A_200 = tpu.memref_squeeze %dma_wait3A_199 : memref<1x128xi32, #tpu.memory_space<vmem>> -> memref<128xi32, #tpu.memory_space<vmem>>
      %dma_wait3A_201 = arith.constant 0 : i32
      %dma_wait3A_202 = arith.constant 0 : i32
      %dma_wait3A_203 = tpu.memref_slice %arg3[%dma_wait3A_201, %dma_wait3A_202] : memref<409600x64xf32, #tpu.memory_space<hbm>> -> memref<409600x64xf32, #tpu.memory_space<hbm>>
      %dma_wait3A_204 = tpu.memref_slice %arg8[%dma_wait3A_194] : memref<2x!tpu.dma_semaphore, #tpu.memory_space<semaphore_mem>> -> memref<1x!tpu.dma_semaphore, #tpu.memory_space<semaphore_mem>>
      %dma_wait3A_205 = tpu.memref_squeeze %dma_wait3A_204 : memref<1x!tpu.dma_semaphore, #tpu.memory_space<semaphore_mem>> -> memref<!tpu.dma_semaphore, #tpu.memory_space<semaphore_mem>>
      tpu.wait_indirect_dma semaphore(%dma_wait3A_205 : memref<!tpu.dma_semaphore, #tpu.memory_space<semaphore_mem>>) src(%dma_wait3A_203 : memref<409600x64xf32, #tpu.memory_space<hbm>>) dst(%dma_wait3A_198 : memref<128x64xf32, #tpu.memory_space<vmem>>)
      %mul3A_206 = arith.constant 128 : i32
      %mul3A_207 = arith.muli %add3A_150, %mul3A_206 : i32
      %dma_wait3A_208 = arith.constant 3 : i32
      %dma_wait3A_209 = arith.constant 0 : i32
      %dma_wait3A_210 = arith.constant 3 : i32
      %dma_wait3A_211 = arith.constant 0 : i32
      %dma_wait3A_212 = arith.constant 0 : i32
      %dma_wait3A_213 = arith.constant 0 : i32
      %dma_wait3A_214 = tpu.memref_slice %arg6[%dma_wait3A_209, %dma_wait3A_210, %dma_wait3A_212, %dma_wait3A_213] : memref<2x4x128x64xf32, #tpu.memory_space<vmem>> -> memref<1x1x128x64xf32, #tpu.memory_space<vmem>>
      %dma_wait3A_215 = tpu.memref_squeeze %dma_wait3A_214 : memref<1x1x128x64xf32, #tpu.memory_space<vmem>> -> memref<128x64xf32, #tpu.memory_space<vmem>>
      %dma_wait3A_216 = tpu.memref_slice %arg5[%dma_wait3A_208, %mul3A_207] : memref<4x6400xi32, #tpu.memory_space<vmem>> -> memref<1x128xi32, #tpu.memory_space<vmem>>
      %dma_wait3A_217 = tpu.memref_squeeze %dma_wait3A_216 : memref<1x128xi32, #tpu.memory_space<vmem>> -> memref<128xi32, #tpu.memory_space<vmem>>
      %dma_wait3A_218 = arith.constant 0 : i32
      %dma_wait3A_219 = arith.constant 0 : i32
      %dma_wait3A_220 = tpu.memref_slice %arg3[%dma_wait3A_218, %dma_wait3A_219] : memref<409600x64xf32, #tpu.memory_space<hbm>> -> memref<409600x64xf32, #tpu.memory_space<hbm>>
      %dma_wait3A_221 = tpu.memref_slice %arg8[%dma_wait3A_211] : memref<2x!tpu.dma_semaphore, #tpu.memory_space<semaphore_mem>> -> memref<1x!tpu.dma_semaphore, #tpu.memory_space<semaphore_mem>>
      %dma_wait3A_222 = tpu.memref_squeeze %dma_wait3A_221 : memref<1x!tpu.dma_semaphore, #tpu.memory_space<semaphore_mem>> -> memref<!tpu.dma_semaphore, #tpu.memory_space<semaphore_mem>>
      tpu.wait_indirect_dma semaphore(%dma_wait3A_222 : memref<!tpu.dma_semaphore, #tpu.memory_space<semaphore_mem>>) src(%dma_wait3A_220 : memref<409600x64xf32, #tpu.memory_space<hbm>>) dst(%dma_wait3A_215 : memref<128x64xf32, #tpu.memory_space<vmem>>)
      %ge3A = arith.constant 2 : i32
      %ge3A_223 = arith.cmpi sge, %add3A_150, %ge3A : i32
      %convert_element_type3A_224 = arith.extui %ge3A_223 : i1 to i32
      %cond3A_225 = arith.constant 0 : i32
      %cond3A_226 = arith.cmpi ne, %convert_element_type3A_224, %cond3A_225 : i32
      scf.if %cond3A_226 {
        %sub3A_409 = arith.constant 2 : i32
        %sub3A_410 = arith.subi %add3A_150, %sub3A_409 : i32
        %mul3A_411 = arith.constant 128 : i32
        %mul3A_412 = arith.muli %sub3A_410, %mul3A_411 : i32
        %add3A_413 = arith.addi %mul3A_2, %mul3A_412 : i32
        %jit3A_414 = arith.constant 2 : i32
        %div3A_415 = arith.divsi %add3A_413, %jit3A_414 : i32
        %sign3A_416 = arith.constant 0 : i32
        %sign3A_417 = arith.cmpi sgt, %add3A_413, %sign3A_416 : i32
        %sign3A_418 = arith.extui %sign3A_417 : i1 to i32
        %sign3A_419 = arith.constant 0 : i32
        %sign3A_420 = arith.cmpi slt, %add3A_413, %sign3A_419 : i32
        %sign3A_421 = arith.extui %sign3A_420 : i1 to i32
        %sign3A_422 = arith.subi %sign3A_418, %sign3A_421 : i32
        %sign3A_423 = arith.constant 0 : i32
        %sign3A_424 = arith.cmpi sgt, %jit3A_414, %sign3A_423 : i32
        %sign3A_425 = arith.extui %sign3A_424 : i1 to i32
        %sign3A_426 = arith.constant 0 : i32
        %sign3A_427 = arith.cmpi slt, %jit3A_414, %sign3A_426 : i32
        %sign3A_428 = arith.extui %sign3A_427 : i1 to i32
        %sign3A_429 = arith.subi %sign3A_425, %sign3A_428 : i32
        %ne3A_430 = arith.cmpi ne, %sign3A_422, %sign3A_429 : i32
        %rem3A_431 = arith.remsi %add3A_413, %jit3A_414 : i32
        %ne3A_432 = arith.constant 0 : i32
        %ne3A_433 = arith.cmpi ne, %rem3A_431, %ne3A_432 : i32
        %and3A_434 = arith.andi %ne3A_430, %ne3A_433 : i1
        %sub3A_435 = arith.constant 1 : i32
        %sub3A_436 = arith.subi %div3A_415, %sub3A_435 : i32
        %select_n3A_437 = arith.select %and3A_434, %sub3A_436, %div3A_415 : i32
        %dma_wait3A_438 = arith.constant 0 : i32
        %dma_wait3A_439 = arith.constant 0 : i32
        %dma_wait3A_440 = arith.constant 0 : i32
        %dma_wait3A_441 = arith.constant 0 : i32
        %dma_wait3A_442 = tpu.memref_slice %arg7[%dma_wait3A_438, %dma_wait3A_440, %dma_wait3A_441] : memref<2x64x128xf32, #tpu.memory_space<vmem>> -> memref<1x64x128xf32, #tpu.memory_space<vmem>>
        %dma_wait3A_443 = tpu.memref_squeeze %dma_wait3A_442 : memref<1x64x128xf32, #tpu.memory_space<vmem>> -> memref<64x128xf32, #tpu.memory_space<vmem>>
        %dma_wait3A_444 = arith.constant 0 : i32
        %dma_wait3A_445 = tpu.memref_slice %arg4[%select_n3A_437, %dma_wait3A_444] : memref<102400x128xf32, #tpu.memory_space<hbm>> -> memref<64x128xf32, #tpu.memory_space<hbm>>
        %dma_wait3A_446 = tpu.memref_slice %arg9[%dma_wait3A_439] : memref<2x!tpu.dma_semaphore, #tpu.memory_space<semaphore_mem>> -> memref<1x!tpu.dma_semaphore, #tpu.memory_space<semaphore_mem>>
        %dma_wait3A_447 = tpu.memref_squeeze %dma_wait3A_446 : memref<1x!tpu.dma_semaphore, #tpu.memory_space<semaphore_mem>> -> memref<!tpu.dma_semaphore, #tpu.memory_space<semaphore_mem>>
        %dma_wait3A_448 = arith.constant 0 : i32
        %dma_wait3A_449 = tpu.memref_slice %arg4[%select_n3A_437, %dma_wait3A_448] : memref<102400x128xf32, #tpu.memory_space<hbm>> -> memref<64x128xf32, #tpu.memory_space<hbm>>
        %dma_wait3A_450 = arith.constant 0 : i32
        %dma_wait3A_451 = arith.constant 0 : i32
        %dma_wait3A_452 = tpu.memref_slice %arg7[%dma_wait3A_438, %dma_wait3A_450, %dma_wait3A_451] : memref<2x64x128xf32, #tpu.memory_space<vmem>> -> memref<1x64x128xf32, #tpu.memory_space<vmem>>
        %dma_wait3A_453 = tpu.memref_squeeze %dma_wait3A_452 : memref<1x64x128xf32, #tpu.memory_space<vmem>> -> memref<64x128xf32, #tpu.memory_space<vmem>>
        tpu.wait_dma2 semaphore(%dma_wait3A_447 : memref<!tpu.dma_semaphore, #tpu.memory_space<semaphore_mem>>) src(%dma_wait3A_453 : memref<64x128xf32, #tpu.memory_space<vmem>>) dst(%dma_wait3A_449 : memref<64x128xf32, #tpu.memory_space<hbm>>)
      } else {
      }
      %scan3A_227 = arith.constant 0 : i32
      %scan3A_228 = arith.constant 0 : i32
      %scan3A_229 = arith.constant 64 : i32
      %scan3A_230 = arith.addi %scan3A_228, %scan3A_229 : i32
      %scan3A_231 = arith.constant 2 : i32
      scf.for %scan3A_409 = %scan3A_228 to %scan3A_230 step %scan3A_231  : i32 {
        %mul3A_410 = arith.constant 2 : i32
        %mul3A_411 = arith.muli %mul3A_410, %scan3A_409 : i32
        %add3A_412 = arith.constant 0 : i32
        %add3A_413 = arith.addi %mul3A_411, %add3A_412 : i32
        %get3A = arith.constant 0 : i32
        %get3A_414 = arith.constant 0 : i32
        %get3A_415 = arith.index_cast %get3A : i32 to index
        %get3A_416 = arith.index_cast %get3A_414 : i32 to index
        %get3A_417 = arith.index_cast %add3A_413 : i32 to index
        %get3A_418 = arith.constant 0 : index
        %get3A_419 = tpu.vector_load %arg6[%get3A_415, %get3A_416, %get3A_417, %get3A_418] {strides = array<i32>} : memref<2x4x128x64xf32, #tpu.memory_space<vmem>>, vector<1x1x1x16xf32>,
        %get3A_420 = vector.shape_cast %get3A_419 : vector<1x1x1x16xf32> to vector<16xf32>
        %get3A_421 = arith.constant 0 : i32
        %get3A_422 = arith.constant 1 : i32
        %get3A_423 = arith.index_cast %get3A_421 : i32 to index
        %get3A_424 = arith.index_cast %get3A_422 : i32 to index
        %get3A_425 = arith.index_cast %add3A_413 : i32 to index
        %get3A_426 = arith.constant 0 : index
        %get3A_427 = tpu.vector_load %arg6[%get3A_423, %get3A_424, %get3A_425, %get3A_426] {strides = array<i32>} : memref<2x4x128x64xf32, #tpu.memory_space<vmem>>, vector<1x1x1x16xf32>,
        %get3A_428 = vector.shape_cast %get3A_427 : vector<1x1x1x16xf32> to vector<16xf32>
        %add3A_429 = arith.addf %get3A_420, %get3A_428 : vector<16xf32>
        %get3A_430 = arith.constant 0 : i32
        %get3A_431 = arith.constant 2 : i32
        %get3A_432 = arith.index_cast %get3A_430 : i32 to index
        %get3A_433 = arith.index_cast %get3A_431 : i32 to index
        %get3A_434 = arith.index_cast %add3A_413 : i32 to index
        %get3A_435 = arith.constant 0 : index
        %get3A_436 = tpu.vector_load %arg6[%get3A_432, %get3A_433, %get3A_434, %get3A_435] {strides = array<i32>} : memref<2x4x128x64xf32, #tpu.memory_space<vmem>>, vector<1x1x1x16xf32>,
        %get3A_437 = vector.shape_cast %get3A_436 : vector<1x1x1x16xf32> to vector<16xf32>
        %add3A_438 = arith.addf %add3A_429, %get3A_437 : vector<16xf32>
        %get3A_439 = arith.constant 0 : i32
        %get3A_440 = arith.constant 3 : i32
        %get3A_441 = arith.index_cast %get3A_439 : i32 to index
        %get3A_442 = arith.index_cast %get3A_440 : i32 to index
        %get3A_443 = arith.index_cast %add3A_413 : i32 to index
        %get3A_444 = arith.constant 0 : index
        %get3A_445 = tpu.vector_load %arg6[%get3A_441, %get3A_442, %get3A_443, %get3A_444] {strides = array<i32>} : memref<2x4x128x64xf32, #tpu.memory_space<vmem>>, vector<1x1x1x16xf32>,
        %get3A_446 = vector.shape_cast %get3A_445 : vector<1x1x1x16xf32> to vector<16xf32>
        %add3A_447 = arith.addf %add3A_438, %get3A_446 : vector<16xf32>
        %swap3A = arith.constant 0 : i32
        %swap3A_448 = arith.index_cast %swap3A : i32 to index
        %swap3A_449 = arith.index_cast %scan3A_409 : i32 to index
        %swap3A_450 = arith.constant 0 : index
        %swap3A_451 = tpu.vector_load %arg7[%swap3A_448, %swap3A_449, %swap3A_450] {strides = array<i32>} : memref<2x64x128xf32, #tpu.memory_space<vmem>>, vector<1x1x16xf32>,
        %swap3A_452 = vector.shape_cast %swap3A_451 : vector<1x1x16xf32> to vector<16xf32>
        %swap3A_453 = vector.shape_cast %add3A_447 : vector<16xf32> to vector<1x1x16xf32>
        tpu.vector_store %arg7[%swap3A_448, %swap3A_449, %swap3A_450], %swap3A_453 {strides = array<i32>} : memref<2x64x128xf32, #tpu.memory_space<vmem>>, vector<1x1x16xf32>,
        %get3A_454 = arith.constant 0 : i32
        %get3A_455 = arith.constant 0 : i32
        %get3A_456 = arith.index_cast %get3A_454 : i32 to index
        %get3A_457 = arith.index_cast %get3A_455 : i32 to index
        %get3A_458 = arith.index_cast %add3A_413 : i32 to index
        %get3A_459 = arith.constant 16 : index
        %get3A_460 = tpu.vector_load %arg6[%get3A_456, %get3A_457, %get3A_458, %get3A_459] {strides = array<i32>} : memref<2x4x128x64xf32, #tpu.memory_space<vmem>>, vector<1x1x1x16xf32>,
        %get3A_461 = vector.shape_cast %get3A_460 : vector<1x1x1x16xf32> to vector<16xf32>
        %get3A_462 = arith.constant 0 : i32
        %get3A_463 = arith.constant 1 : i32
        %get3A_464 = arith.index_cast %get3A_462 : i32 to index
        %get3A_465 = arith.index_cast %get3A_463 : i32 to index
        %get3A_466 = arith.index_cast %add3A_413 : i32 to index
        %get3A_467 = arith.constant 16 : index
        %get3A_468 = tpu.vector_load %arg6[%get3A_464, %get3A_465, %get3A_466, %get3A_467] {strides = array<i32>} : memref<2x4x128x64xf32, #tpu.memory_space<vmem>>, vector<1x1x1x16xf32>,
        %get3A_469 = vector.shape_cast %get3A_468 : vector<1x1x1x16xf32> to vector<16xf32>
        %add3A_470 = arith.addf %get3A_461, %get3A_469 : vector<16xf32>
        %get3A_471 = arith.constant 0 : i32
        %get3A_472 = arith.constant 2 : i32
        %get3A_473 = arith.index_cast %get3A_471 : i32 to index
        %get3A_474 = arith.index_cast %get3A_472 : i32 to index
        %get3A_475 = arith.index_cast %add3A_413 : i32 to index
        %get3A_476 = arith.constant 16 : index
        %get3A_477 = tpu.vector_load %arg6[%get3A_473, %get3A_474, %get3A_475, %get3A_476] {strides = array<i32>} : memref<2x4x128x64xf32, #tpu.memory_space<vmem>>, vector<1x1x1x16xf32>,
        %get3A_478 = vector.shape_cast %get3A_477 : vector<1x1x1x16xf32> to vector<16xf32>
        %add3A_479 = arith.addf %add3A_470, %get3A_478 : vector<16xf32>
        %get3A_480 = arith.constant 0 : i32
        %get3A_481 = arith.constant 3 : i32
        %get3A_482 = arith.index_cast %get3A_480 : i32 to index
        %get3A_483 = arith.index_cast %get3A_481 : i32 to index
        %get3A_484 = arith.index_cast %add3A_413 : i32 to index
        %get3A_485 = arith.constant 16 : index
        %get3A_486 = tpu.vector_load %arg6[%get3A_482, %get3A_483, %get3A_484, %get3A_485] {strides = array<i32>} : memref<2x4x128x64xf32, #tpu.memory_space<vmem>>, vector<1x1x1x16xf32>,
        %get3A_487 = vector.shape_cast %get3A_486 : vector<1x1x1x16xf32> to vector<16xf32>
        %add3A_488 = arith.addf %add3A_479, %get3A_487 : vector<16xf32>
        %swap3A_489 = arith.constant 0 : i32
        %swap3A_490 = arith.index_cast %swap3A_489 : i32 to index
        %swap3A_491 = arith.index_cast %scan3A_409 : i32 to index
        %swap3A_492 = arith.constant 16 : index
        %swap3A_493 = tpu.vector_load %arg7[%swap3A_490, %swap3A_491, %swap3A_492] {strides = array<i32>} : memref<2x64x128xf32, #tpu.memory_space<vmem>>, vector<1x1x16xf32>,
        %swap3A_494 = vector.shape_cast %swap3A_493 : vector<1x1x16xf32> to vector<16xf32>
        %swap3A_495 = vector.shape_cast %add3A_488 : vector<16xf32> to vector<1x1x16xf32>
        tpu.vector_store %arg7[%swap3A_490, %swap3A_491, %swap3A_492], %swap3A_495 {strides = array<i32>} : memref<2x64x128xf32, #tpu.memory_space<vmem>>, vector<1x1x16xf32>,
        %get3A_496 = arith.constant 0 : i32
        %get3A_497 = arith.constant 0 : i32
        %get3A_498 = arith.index_cast %get3A_496 : i32 to index
        %get3A_499 = arith.index_cast %get3A_497 : i32 to index
        %get3A_500 = arith.index_cast %add3A_413 : i32 to index
        %get3A_501 = arith.constant 32 : index
        %get3A_502 = tpu.vector_load %arg6[%get3A_498, %get3A_499, %get3A_500, %get3A_501] {strides = array<i32>} : memref<2x4x128x64xf32, #tpu.memory_space<vmem>>, vector<1x1x1x16xf32>,
        %get3A_503 = vector.shape_cast %get3A_502 : vector<1x1x1x16xf32> to vector<16xf32>
        %get3A_504 = arith.constant 0 : i32
        %get3A_505 = arith.constant 1 : i32
        %get3A_506 = arith.index_cast %get3A_504 : i32 to index
        %get3A_507 = arith.index_cast %get3A_505 : i32 to index
        %get3A_508 = arith.index_cast %add3A_413 : i32 to index
        %get3A_509 = arith.constant 32 : index
        %get3A_510 = tpu.vector_load %arg6[%get3A_506, %get3A_507, %get3A_508, %get3A_509] {strides = array<i32>} : memref<2x4x128x64xf32, #tpu.memory_space<vmem>>, vector<1x1x1x16xf32>,
        %get3A_511 = vector.shape_cast %get3A_510 : vector<1x1x1x16xf32> to vector<16xf32>
        %add3A_512 = arith.addf %get3A_503, %get3A_511 : vector<16xf32>
        %get3A_513 = arith.constant 0 : i32
        %get3A_514 = arith.constant 2 : i32
        %get3A_515 = arith.index_cast %get3A_513 : i32 to index
        %get3A_516 = arith.index_cast %get3A_514 : i32 to index
        %get3A_517 = arith.index_cast %add3A_413 : i32 to index
        %get3A_518 = arith.constant 32 : index
        %get3A_519 = tpu.vector_load %arg6[%get3A_515, %get3A_516, %get3A_517, %get3A_518] {strides = array<i32>} : memref<2x4x128x64xf32, #tpu.memory_space<vmem>>, vector<1x1x1x16xf32>,
        %get3A_520 = vector.shape_cast %get3A_519 : vector<1x1x1x16xf32> to vector<16xf32>
        %add3A_521 = arith.addf %add3A_512, %get3A_520 : vector<16xf32>
        %get3A_522 = arith.constant 0 : i32
        %get3A_523 = arith.constant 3 : i32
        %get3A_524 = arith.index_cast %get3A_522 : i32 to index
        %get3A_525 = arith.index_cast %get3A_523 : i32 to index
        %get3A_526 = arith.index_cast %add3A_413 : i32 to index
        %get3A_527 = arith.constant 32 : index
        %get3A_528 = tpu.vector_load %arg6[%get3A_524, %get3A_525, %get3A_526, %get3A_527] {strides = array<i32>} : memref<2x4x128x64xf32, #tpu.memory_space<vmem>>, vector<1x1x1x16xf32>,
        %get3A_529 = vector.shape_cast %get3A_528 : vector<1x1x1x16xf32> to vector<16xf32>
        %add3A_530 = arith.addf %add3A_521, %get3A_529 : vector<16xf32>
        %swap3A_531 = arith.constant 0 : i32
        %swap3A_532 = arith.index_cast %swap3A_531 : i32 to index
        %swap3A_533 = arith.index_cast %scan3A_409 : i32 to index
        %swap3A_534 = arith.constant 32 : index
        %swap3A_535 = tpu.vector_load %arg7[%swap3A_532, %swap3A_533, %swap3A_534] {strides = array<i32>} : memref<2x64x128xf32, #tpu.memory_space<vmem>>, vector<1x1x16xf32>,
        %swap3A_536 = vector.shape_cast %swap3A_535 : vector<1x1x16xf32> to vector<16xf32>
        %swap3A_537 = vector.shape_cast %add3A_530 : vector<16xf32> to vector<1x1x16xf32>
        tpu.vector_store %arg7[%swap3A_532, %swap3A_533, %swap3A_534], %swap3A_537 {strides = array<i32>} : memref<2x64x128xf32, #tpu.memory_space<vmem>>, vector<1x1x16xf32>,
        %get3A_538 = arith.constant 0 : i32
        %get3A_539 = arith.constant 0 : i32
        %get3A_540 = arith.index_cast %get3A_538 : i32 to index
        %get3A_541 = arith.index_cast %get3A_539 : i32 to index
        %get3A_542 = arith.index_cast %add3A_413 : i32 to index
        %get3A_543 = arith.constant 48 : index
        %get3A_544 = tpu.vector_load %arg6[%get3A_540, %get3A_541, %get3A_542, %get3A_543] {strides = array<i32>} : memref<2x4x128x64xf32, #tpu.memory_space<vmem>>, vector<1x1x1x16xf32>,
        %get3A_545 = vector.shape_cast %get3A_544 : vector<1x1x1x16xf32> to vector<16xf32>
        %get3A_546 = arith.constant 0 : i32
        %get3A_547 = arith.constant 1 : i32
        %get3A_548 = arith.index_cast %get3A_546 : i32 to index
        %get3A_549 = arith.index_cast %get3A_547 : i32 to index
        %get3A_550 = arith.index_cast %add3A_413 : i32 to index
        %get3A_551 = arith.constant 48 : index
        %get3A_552 = tpu.vector_load %arg6[%get3A_548, %get3A_549, %get3A_550, %get3A_551] {strides = array<i32>} : memref<2x4x128x64xf32, #tpu.memory_space<vmem>>, vector<1x1x1x16xf32>,
        %get3A_553 = vector.shape_cast %get3A_552 : vector<1x1x1x16xf32> to vector<16xf32>
        %add3A_554 = arith.addf %get3A_545, %get3A_553 : vector<16xf32>
        %get3A_555 = arith.constant 0 : i32
        %get3A_556 = arith.constant 2 : i32
        %get3A_557 = arith.index_cast %get3A_555 : i32 to index
        %get3A_558 = arith.index_cast %get3A_556 : i32 to index
        %get3A_559 = arith.index_cast %add3A_413 : i32 to index
        %get3A_560 = arith.constant 48 : index
        %get3A_561 = tpu.vector_load %arg6[%get3A_557, %get3A_558, %get3A_559, %get3A_560] {strides = array<i32>} : memref<2x4x128x64xf32, #tpu.memory_space<vmem>>, vector<1x1x1x16xf32>,
        %get3A_562 = vector.shape_cast %get3A_561 : vector<1x1x1x16xf32> to vector<16xf32>
        %add3A_563 = arith.addf %add3A_554, %get3A_562 : vector<16xf32>
        %get3A_564 = arith.constant 0 : i32
        %get3A_565 = arith.constant 3 : i32
        %get3A_566 = arith.index_cast %get3A_564 : i32 to index
        %get3A_567 = arith.index_cast %get3A_565 : i32 to index
        %get3A_568 = arith.index_cast %add3A_413 : i32 to index
        %get3A_569 = arith.constant 48 : index
        %get3A_570 = tpu.vector_load %arg6[%get3A_566, %get3A_567, %get3A_568, %get3A_569] {strides = array<i32>} : memref<2x4x128x64xf32, #tpu.memory_space<vmem>>, vector<1x1x1x16xf32>,
        %get3A_571 = vector.shape_cast %get3A_570 : vector<1x1x1x16xf32> to vector<16xf32>
        %add3A_572 = arith.addf %add3A_563, %get3A_571 : vector<16xf32>
        %swap3A_573 = arith.constant 0 : i32
        %swap3A_574 = arith.index_cast %swap3A_573 : i32 to index
        %swap3A_575 = arith.index_cast %scan3A_409 : i32 to index
        %swap3A_576 = arith.constant 48 : index
        %swap3A_577 = tpu.vector_load %arg7[%swap3A_574, %swap3A_575, %swap3A_576] {strides = array<i32>} : memref<2x64x128xf32, #tpu.memory_space<vmem>>, vector<1x1x16xf32>,
        %swap3A_578 = vector.shape_cast %swap3A_577 : vector<1x1x16xf32> to vector<16xf32>
        %swap3A_579 = vector.shape_cast %add3A_572 : vector<16xf32> to vector<1x1x16xf32>
        tpu.vector_store %arg7[%swap3A_574, %swap3A_575, %swap3A_576], %swap3A_579 {strides = array<i32>} : memref<2x64x128xf32, #tpu.memory_space<vmem>>, vector<1x1x16xf32>,
        %mul3A_580 = arith.constant 2 : i32
        %mul3A_581 = arith.muli %mul3A_580, %scan3A_409 : i32
        %add3A_582 = arith.constant 1 : i32
        %add3A_583 = arith.addi %mul3A_581, %add3A_582 : i32
        %get3A_584 = arith.constant 0 : i32
        %get3A_585 = arith.constant 0 : i32
        %get3A_586 = arith.index_cast %get3A_584 : i32 to index
        %get3A_587 = arith.index_cast %get3A_585 : i32 to index
        %get3A_588 = arith.index_cast %add3A_583 : i32 to index
        %get3A_589 = arith.constant 0 : index
        %get3A_590 = tpu.vector_load %arg6[%get3A_586, %get3A_587, %get3A_588, %get3A_589] {strides = array<i32>} : memref<2x4x128x64xf32, #tpu.memory_space<vmem>>, vector<1x1x1x16xf32>,
        %get3A_591 = vector.shape_cast %get3A_590 : vector<1x1x1x16xf32> to vector<16xf32>
        %get3A_592 = arith.constant 0 : i32
        %get3A_593 = arith.constant 1 : i32
        %get3A_594 = arith.index_cast %get3A_592 : i32 to index
        %get3A_595 = arith.index_cast %get3A_593 : i32 to index
        %get3A_596 = arith.index_cast %add3A_583 : i32 to index
        %get3A_597 = arith.constant 0 : index
        %get3A_598 = tpu.vector_load %arg6[%get3A_594, %get3A_595, %get3A_596, %get3A_597] {strides = array<i32>} : memref<2x4x128x64xf32, #tpu.memory_space<vmem>>, vector<1x1x1x16xf32>,
        %get3A_599 = vector.shape_cast %get3A_598 : vector<1x1x1x16xf32> to vector<16xf32>
        %add3A_600 = arith.addf %get3A_591, %get3A_599 : vector<16xf32>
        %get3A_601 = arith.constant 0 : i32
        %get3A_602 = arith.constant 2 : i32
        %get3A_603 = arith.index_cast %get3A_601 : i32 to index
        %get3A_604 = arith.index_cast %get3A_602 : i32 to index
        %get3A_605 = arith.index_cast %add3A_583 : i32 to index
        %get3A_606 = arith.constant 0 : index
        %get3A_607 = tpu.vector_load %arg6[%get3A_603, %get3A_604, %get3A_605, %get3A_606] {strides = array<i32>} : memref<2x4x128x64xf32, #tpu.memory_space<vmem>>, vector<1x1x1x16xf32>,
        %get3A_608 = vector.shape_cast %get3A_607 : vector<1x1x1x16xf32> to vector<16xf32>
        %add3A_609 = arith.addf %add3A_600, %get3A_608 : vector<16xf32>
        %get3A_610 = arith.constant 0 : i32
        %get3A_611 = arith.constant 3 : i32
        %get3A_612 = arith.index_cast %get3A_610 : i32 to index
        %get3A_613 = arith.index_cast %get3A_611 : i32 to index
        %get3A_614 = arith.index_cast %add3A_583 : i32 to index
        %get3A_615 = arith.constant 0 : index
        %get3A_616 = tpu.vector_load %arg6[%get3A_612, %get3A_613, %get3A_614, %get3A_615] {strides = array<i32>} : memref<2x4x128x64xf32, #tpu.memory_space<vmem>>, vector<1x1x1x16xf32>,
        %get3A_617 = vector.shape_cast %get3A_616 : vector<1x1x1x16xf32> to vector<16xf32>
        %add3A_618 = arith.addf %add3A_609, %get3A_617 : vector<16xf32>
        %swap3A_619 = arith.constant 0 : i32
        %swap3A_620 = arith.index_cast %swap3A_619 : i32 to index
        %swap3A_621 = arith.index_cast %scan3A_409 : i32 to index
        %swap3A_622 = arith.constant 64 : index
        %swap3A_623 = tpu.vector_load %arg7[%swap3A_620, %swap3A_621, %swap3A_622] {strides = array<i32>} : memref<2x64x128xf32, #tpu.memory_space<vmem>>, vector<1x1x16xf32>,
        %swap3A_624 = vector.shape_cast %swap3A_623 : vector<1x1x16xf32> to vector<16xf32>
        %swap3A_625 = vector.shape_cast %add3A_618 : vector<16xf32> to vector<1x1x16xf32>
        tpu.vector_store %arg7[%swap3A_620, %swap3A_621, %swap3A_622], %swap3A_625 {strides = array<i32>} : memref<2x64x128xf32, #tpu.memory_space<vmem>>, vector<1x1x16xf32>,
        %get3A_626 = arith.constant 0 : i32
        %get3A_627 = arith.constant 0 : i32
        %get3A_628 = arith.index_cast %get3A_626 : i32 to index
        %get3A_629 = arith.index_cast %get3A_627 : i32 to index
        %get3A_630 = arith.index_cast %add3A_583 : i32 to index
        %get3A_631 = arith.constant 16 : index
        %get3A_632 = tpu.vector_load %arg6[%get3A_628, %get3A_629, %get3A_630, %get3A_631] {strides = array<i32>} : memref<2x4x128x64xf32, #tpu.memory_space<vmem>>, vector<1x1x1x16xf32>,
        %get3A_633 = vector.shape_cast %get3A_632 : vector<1x1x1x16xf32> to vector<16xf32>
        %get3A_634 = arith.constant 0 : i32
        %get3A_635 = arith.constant 1 : i32
        %get3A_636 = arith.index_cast %get3A_634 : i32 to index
        %get3A_637 = arith.index_cast %get3A_635 : i32 to index
        %get3A_638 = arith.index_cast %add3A_583 : i32 to index
        %get3A_639 = arith.constant 16 : index
        %get3A_640 = tpu.vector_load %arg6[%get3A_636, %get3A_637, %get3A_638, %get3A_639] {strides = array<i32>} : memref<2x4x128x64xf32, #tpu.memory_space<vmem>>, vector<1x1x1x16xf32>,
        %get3A_641 = vector.shape_cast %get3A_640 : vector<1x1x1x16xf32> to vector<16xf32>
        %add3A_642 = arith.addf %get3A_633, %get3A_641 : vector<16xf32>
        %get3A_643 = arith.constant 0 : i32
        %get3A_644 = arith.constant 2 : i32
        %get3A_645 = arith.index_cast %get3A_643 : i32 to index
        %get3A_646 = arith.index_cast %get3A_644 : i32 to index
        %get3A_647 = arith.index_cast %add3A_583 : i32 to index
        %get3A_648 = arith.constant 16 : index
        %get3A_649 = tpu.vector_load %arg6[%get3A_645, %get3A_646, %get3A_647, %get3A_648] {strides = array<i32>} : memref<2x4x128x64xf32, #tpu.memory_space<vmem>>, vector<1x1x1x16xf32>,
        %get3A_650 = vector.shape_cast %get3A_649 : vector<1x1x1x16xf32> to vector<16xf32>
        %add3A_651 = arith.addf %add3A_642, %get3A_650 : vector<16xf32>
        %get3A_652 = arith.constant 0 : i32
        %get3A_653 = arith.constant 3 : i32
        %get3A_654 = arith.index_cast %get3A_652 : i32 to index
        %get3A_655 = arith.index_cast %get3A_653 : i32 to index
        %get3A_656 = arith.index_cast %add3A_583 : i32 to index
        %get3A_657 = arith.constant 16 : index
        %get3A_658 = tpu.vector_load %arg6[%get3A_654, %get3A_655, %get3A_656, %get3A_657] {strides = array<i32>} : memref<2x4x128x64xf32, #tpu.memory_space<vmem>>, vector<1x1x1x16xf32>,
        %get3A_659 = vector.shape_cast %get3A_658 : vector<1x1x1x16xf32> to vector<16xf32>
        %add3A_660 = arith.addf %add3A_651, %get3A_659 : vector<16xf32>
        %swap3A_661 = arith.constant 0 : i32
        %swap3A_662 = arith.index_cast %swap3A_661 : i32 to index
        %swap3A_663 = arith.index_cast %scan3A_409 : i32 to index
        %swap3A_664 = arith.constant 80 : index
        %swap3A_665 = tpu.vector_load %arg7[%swap3A_662, %swap3A_663, %swap3A_664] {strides = array<i32>} : memref<2x64x128xf32, #tpu.memory_space<vmem>>, vector<1x1x16xf32>,
        %swap3A_666 = vector.shape_cast %swap3A_665 : vector<1x1x16xf32> to vector<16xf32>
        %swap3A_667 = vector.shape_cast %add3A_660 : vector<16xf32> to vector<1x1x16xf32>
        tpu.vector_store %arg7[%swap3A_662, %swap3A_663, %swap3A_664], %swap3A_667 {strides = array<i32>} : memref<2x64x128xf32, #tpu.memory_space<vmem>>, vector<1x1x16xf32>,
        %get3A_668 = arith.constant 0 : i32
        %get3A_669 = arith.constant 0 : i32
        %get3A_670 = arith.index_cast %get3A_668 : i32 to index
        %get3A_671 = arith.index_cast %get3A_669 : i32 to index
        %get3A_672 = arith.index_cast %add3A_583 : i32 to index
        %get3A_673 = arith.constant 32 : index
        %get3A_674 = tpu.vector_load %arg6[%get3A_670, %get3A_671, %get3A_672, %get3A_673] {strides = array<i32>} : memref<2x4x128x64xf32, #tpu.memory_space<vmem>>, vector<1x1x1x16xf32>,
        %get3A_675 = vector.shape_cast %get3A_674 : vector<1x1x1x16xf32> to vector<16xf32>
        %get3A_676 = arith.constant 0 : i32
        %get3A_677 = arith.constant 1 : i32
        %get3A_678 = arith.index_cast %get3A_676 : i32 to index
        %get3A_679 = arith.index_cast %get3A_677 : i32 to index
        %get3A_680 = arith.index_cast %add3A_583 : i32 to index
        %get3A_681 = arith.constant 32 : index
        %get3A_682 = tpu.vector_load %arg6[%get3A_678, %get3A_679, %get3A_680, %get3A_681] {strides = array<i32>} : memref<2x4x128x64xf32, #tpu.memory_space<vmem>>, vector<1x1x1x16xf32>,
        %get3A_683 = vector.shape_cast %get3A_682 : vector<1x1x1x16xf32> to vector<16xf32>
        %add3A_684 = arith.addf %get3A_675, %get3A_683 : vector<16xf32>
        %get3A_685 = arith.constant 0 : i32
        %get3A_686 = arith.constant 2 : i32
        %get3A_687 = arith.index_cast %get3A_685 : i32 to index
        %get3A_688 = arith.index_cast %get3A_686 : i32 to index
        %get3A_689 = arith.index_cast %add3A_583 : i32 to index
        %get3A_690 = arith.constant 32 : index
        %get3A_691 = tpu.vector_load %arg6[%get3A_687, %get3A_688, %get3A_689, %get3A_690] {strides = array<i32>} : memref<2x4x128x64xf32, #tpu.memory_space<vmem>>, vector<1x1x1x16xf32>,
        %get3A_692 = vector.shape_cast %get3A_691 : vector<1x1x1x16xf32> to vector<16xf32>
        %add3A_693 = arith.addf %add3A_684, %get3A_692 : vector<16xf32>
        %get3A_694 = arith.constant 0 : i32
        %get3A_695 = arith.constant 3 : i32
        %get3A_696 = arith.index_cast %get3A_694 : i32 to index
        %get3A_697 = arith.index_cast %get3A_695 : i32 to index
        %get3A_698 = arith.index_cast %add3A_583 : i32 to index
        %get3A_699 = arith.constant 32 : index
        %get3A_700 = tpu.vector_load %arg6[%get3A_696, %get3A_697, %get3A_698, %get3A_699] {strides = array<i32>} : memref<2x4x128x64xf32, #tpu.memory_space<vmem>>, vector<1x1x1x16xf32>,
        %get3A_701 = vector.shape_cast %get3A_700 : vector<1x1x1x16xf32> to vector<16xf32>
        %add3A_702 = arith.addf %add3A_693, %get3A_701 : vector<16xf32>
        %swap3A_703 = arith.constant 0 : i32
        %swap3A_704 = arith.index_cast %swap3A_703 : i32 to index
        %swap3A_705 = arith.index_cast %scan3A_409 : i32 to index
        %swap3A_706 = arith.constant 96 : index
        %swap3A_707 = tpu.vector_load %arg7[%swap3A_704, %swap3A_705, %swap3A_706] {strides = array<i32>} : memref<2x64x128xf32, #tpu.memory_space<vmem>>, vector<1x1x16xf32>,
        %swap3A_708 = vector.shape_cast %swap3A_707 : vector<1x1x16xf32> to vector<16xf32>
        %swap3A_709 = vector.shape_cast %add3A_702 : vector<16xf32> to vector<1x1x16xf32>
        tpu.vector_store %arg7[%swap3A_704, %swap3A_705, %swap3A_706], %swap3A_709 {strides = array<i32>} : memref<2x64x128xf32, #tpu.memory_space<vmem>>, vector<1x1x16xf32>,
        %get3A_710 = arith.constant 0 : i32
        %get3A_711 = arith.constant 0 : i32
        %get3A_712 = arith.index_cast %get3A_710 : i32 to index
        %get3A_713 = arith.index_cast %get3A_711 : i32 to index
        %get3A_714 = arith.index_cast %add3A_583 : i32 to index
        %get3A_715 = arith.constant 48 : index
        %get3A_716 = tpu.vector_load %arg6[%get3A_712, %get3A_713, %get3A_714, %get3A_715] {strides = array<i32>} : memref<2x4x128x64xf32, #tpu.memory_space<vmem>>, vector<1x1x1x16xf32>,
        %get3A_717 = vector.shape_cast %get3A_716 : vector<1x1x1x16xf32> to vector<16xf32>
        %get3A_718 = arith.constant 0 : i32
        %get3A_719 = arith.constant 1 : i32
        %get3A_720 = arith.index_cast %get3A_718 : i32 to index
        %get3A_721 = arith.index_cast %get3A_719 : i32 to index
        %get3A_722 = arith.index_cast %add3A_583 : i32 to index
        %get3A_723 = arith.constant 48 : index
        %get3A_724 = tpu.vector_load %arg6[%get3A_720, %get3A_721, %get3A_722, %get3A_723] {strides = array<i32>} : memref<2x4x128x64xf32, #tpu.memory_space<vmem>>, vector<1x1x1x16xf32>,
        %get3A_725 = vector.shape_cast %get3A_724 : vector<1x1x1x16xf32> to vector<16xf32>
        %add3A_726 = arith.addf %get3A_717, %get3A_725 : vector<16xf32>
        %get3A_727 = arith.constant 0 : i32
        %get3A_728 = arith.constant 2 : i32
        %get3A_729 = arith.index_cast %get3A_727 : i32 to index
        %get3A_730 = arith.index_cast %get3A_728 : i32 to index
        %get3A_731 = arith.index_cast %add3A_583 : i32 to index
        %get3A_732 = arith.constant 48 : index
        %get3A_733 = tpu.vector_load %arg6[%get3A_729, %get3A_730, %get3A_731, %get3A_732] {strides = array<i32>} : memref<2x4x128x64xf32, #tpu.memory_space<vmem>>, vector<1x1x1x16xf32>,
        %get3A_734 = vector.shape_cast %get3A_733 : vector<1x1x1x16xf32> to vector<16xf32>
        %add3A_735 = arith.addf %add3A_726, %get3A_734 : vector<16xf32>
        %get3A_736 = arith.constant 0 : i32
        %get3A_737 = arith.constant 3 : i32
        %get3A_738 = arith.index_cast %get3A_736 : i32 to index
        %get3A_739 = arith.index_cast %get3A_737 : i32 to index
        %get3A_740 = arith.index_cast %add3A_583 : i32 to index
        %get3A_741 = arith.constant 48 : index
        %get3A_742 = tpu.vector_load %arg6[%get3A_738, %get3A_739, %get3A_740, %get3A_741] {strides = array<i32>} : memref<2x4x128x64xf32, #tpu.memory_space<vmem>>, vector<1x1x1x16xf32>,
        %get3A_743 = vector.shape_cast %get3A_742 : vector<1x1x1x16xf32> to vector<16xf32>
        %add3A_744 = arith.addf %add3A_735, %get3A_743 : vector<16xf32>
        %swap3A_745 = arith.constant 0 : i32
        %swap3A_746 = arith.index_cast %swap3A_745 : i32 to index
        %swap3A_747 = arith.index_cast %scan3A_409 : i32 to index
        %swap3A_748 = arith.constant 112 : index
        %swap3A_749 = tpu.vector_load %arg7[%swap3A_746, %swap3A_747, %swap3A_748] {strides = array<i32>} : memref<2x64x128xf32, #tpu.memory_space<vmem>>, vector<1x1x16xf32>,
        %swap3A_750 = vector.shape_cast %swap3A_749 : vector<1x1x16xf32> to vector<16xf32>
        %swap3A_751 = vector.shape_cast %add3A_744 : vector<16xf32> to vector<1x1x16xf32>
        tpu.vector_store %arg7[%swap3A_746, %swap3A_747, %swap3A_748], %swap3A_751 {strides = array<i32>} : memref<2x64x128xf32, #tpu.memory_space<vmem>>, vector<1x1x16xf32>,
        %scan3A_752 = arith.constant 1 : i32
        %scan3A_753 = arith.addi %scan3A_409, %scan3A_752 : i32
        %mul3A_754 = arith.constant 2 : i32
        %mul3A_755 = arith.muli %mul3A_754, %scan3A_753 : i32
        %add3A_756 = arith.constant 0 : i32
        %add3A_757 = arith.addi %mul3A_755, %add3A_756 : i32
        %get3A_758 = arith.constant 0 : i32
        %get3A_759 = arith.constant 0 : i32
        %get3A_760 = arith.index_cast %get3A_758 : i32 to index
        %get3A_761 = arith.index_cast %get3A_759 : i32 to index
        %get3A_762 = arith.index_cast %add3A_757 : i32 to index
        %get3A_763 = arith.constant 0 : index
        %get3A_764 = tpu.vector_load %arg6[%get3A_760, %get3A_761, %get3A_762, %get3A_763] {strides = array<i32>} : memref<2x4x128x64xf32, #tpu.memory_space<vmem>>, vector<1x1x1x16xf32>,
        %get3A_765 = vector.shape_cast %get3A_764 : vector<1x1x1x16xf32> to vector<16xf32>
        %get3A_766 = arith.constant 0 : i32
        %get3A_767 = arith.constant 1 : i32
        %get3A_768 = arith.index_cast %get3A_766 : i32 to index
        %get3A_769 = arith.index_cast %get3A_767 : i32 to index
        %get3A_770 = arith.index_cast %add3A_757 : i32 to index
        %get3A_771 = arith.constant 0 : index
        %get3A_772 = tpu.vector_load %arg6[%get3A_768, %get3A_769, %get3A_770, %get3A_771] {strides = array<i32>} : memref<2x4x128x64xf32, #tpu.memory_space<vmem>>, vector<1x1x1x16xf32>,
        %get3A_773 = vector.shape_cast %get3A_772 : vector<1x1x1x16xf32> to vector<16xf32>
        %add3A_774 = arith.addf %get3A_765, %get3A_773 : vector<16xf32>
        %get3A_775 = arith.constant 0 : i32
        %get3A_776 = arith.constant 2 : i32
        %get3A_777 = arith.index_cast %get3A_775 : i32 to index
        %get3A_778 = arith.index_cast %get3A_776 : i32 to index
        %get3A_779 = arith.index_cast %add3A_757 : i32 to index
        %get3A_780 = arith.constant 0 : index
        %get3A_781 = tpu.vector_load %arg6[%get3A_777, %get3A_778, %get3A_779, %get3A_780] {strides = array<i32>} : memref<2x4x128x64xf32, #tpu.memory_space<vmem>>, vector<1x1x1x16xf32>,
        %get3A_782 = vector.shape_cast %get3A_781 : vector<1x1x1x16xf32> to vector<16xf32>
        %add3A_783 = arith.addf %add3A_774, %get3A_782 : vector<16xf32>
        %get3A_784 = arith.constant 0 : i32
        %get3A_785 = arith.constant 3 : i32
        %get3A_786 = arith.index_cast %get3A_784 : i32 to index
        %get3A_787 = arith.index_cast %get3A_785 : i32 to index
        %get3A_788 = arith.index_cast %add3A_757 : i32 to index
        %get3A_789 = arith.constant 0 : index
        %get3A_790 = tpu.vector_load %arg6[%get3A_786, %get3A_787, %get3A_788, %get3A_789] {strides = array<i32>} : memref<2x4x128x64xf32, #tpu.memory_space<vmem>>, vector<1x1x1x16xf32>,
        %get3A_791 = vector.shape_cast %get3A_790 : vector<1x1x1x16xf32> to vector<16xf32>
        %add3A_792 = arith.addf %add3A_783, %get3A_791 : vector<16xf32>
        %swap3A_793 = arith.constant 0 : i32
        %swap3A_794 = arith.index_cast %swap3A_793 : i32 to index
        %swap3A_795 = arith.index_cast %scan3A_753 : i32 to index
        %swap3A_796 = arith.constant 0 : index
        %swap3A_797 = tpu.vector_load %arg7[%swap3A_794, %swap3A_795, %swap3A_796] {strides = array<i32>} : memref<2x64x128xf32, #tpu.memory_space<vmem>>, vector<1x1x16xf32>,
        %swap3A_798 = vector.shape_cast %swap3A_797 : vector<1x1x16xf32> to vector<16xf32>
        %swap3A_799 = vector.shape_cast %add3A_792 : vector<16xf32> to vector<1x1x16xf32>
        tpu.vector_store %arg7[%swap3A_794, %swap3A_795, %swap3A_796], %swap3A_799 {strides = array<i32>} : memref<2x64x128xf32, #tpu.memory_space<vmem>>, vector<1x1x16xf32>,
        %get3A_800 = arith.constant 0 : i32
        %get3A_801 = arith.constant 0 : i32
        %get3A_802 = arith.index_cast %get3A_800 : i32 to index
        %get3A_803 = arith.index_cast %get3A_801 : i32 to index
        %get3A_804 = arith.index_cast %add3A_757 : i32 to index
        %get3A_805 = arith.constant 16 : index
        %get3A_806 = tpu.vector_load %arg6[%get3A_802, %get3A_803, %get3A_804, %get3A_805] {strides = array<i32>} : memref<2x4x128x64xf32, #tpu.memory_space<vmem>>, vector<1x1x1x16xf32>,
        %get3A_807 = vector.shape_cast %get3A_806 : vector<1x1x1x16xf32> to vector<16xf32>
        %get3A_808 = arith.constant 0 : i32
        %get3A_809 = arith.constant 1 : i32
        %get3A_810 = arith.index_cast %get3A_808 : i32 to index
        %get3A_811 = arith.index_cast %get3A_809 : i32 to index
        %get3A_812 = arith.index_cast %add3A_757 : i32 to index
        %get3A_813 = arith.constant 16 : index
        %get3A_814 = tpu.vector_load %arg6[%get3A_810, %get3A_811, %get3A_812, %get3A_813] {strides = array<i32>} : memref<2x4x128x64xf32, #tpu.memory_space<vmem>>, vector<1x1x1x16xf32>,
        %get3A_815 = vector.shape_cast %get3A_814 : vector<1x1x1x16xf32> to vector<16xf32>
        %add3A_816 = arith.addf %get3A_807, %get3A_815 : vector<16xf32>
        %get3A_817 = arith.constant 0 : i32
        %get3A_818 = arith.constant 2 : i32
        %get3A_819 = arith.index_cast %get3A_817 : i32 to index
        %get3A_820 = arith.index_cast %get3A_818 : i32 to index
        %get3A_821 = arith.index_cast %add3A_757 : i32 to index
        %get3A_822 = arith.constant 16 : index
        %get3A_823 = tpu.vector_load %arg6[%get3A_819, %get3A_820, %get3A_821, %get3A_822] {strides = array<i32>} : memref<2x4x128x64xf32, #tpu.memory_space<vmem>>, vector<1x1x1x16xf32>,
        %get3A_824 = vector.shape_cast %get3A_823 : vector<1x1x1x16xf32> to vector<16xf32>
        %add3A_825 = arith.addf %add3A_816, %get3A_824 : vector<16xf32>
        %get3A_826 = arith.constant 0 : i32
        %get3A_827 = arith.constant 3 : i32
        %get3A_828 = arith.index_cast %get3A_826 : i32 to index
        %get3A_829 = arith.index_cast %get3A_827 : i32 to index
        %get3A_830 = arith.index_cast %add3A_757 : i32 to index
        %get3A_831 = arith.constant 16 : index
        %get3A_832 = tpu.vector_load %arg6[%get3A_828, %get3A_829, %get3A_830, %get3A_831] {strides = array<i32>} : memref<2x4x128x64xf32, #tpu.memory_space<vmem>>, vector<1x1x1x16xf32>,
        %get3A_833 = vector.shape_cast %get3A_832 : vector<1x1x1x16xf32> to vector<16xf32>
        %add3A_834 = arith.addf %add3A_825, %get3A_833 : vector<16xf32>
        %swap3A_835 = arith.constant 0 : i32
        %swap3A_836 = arith.index_cast %swap3A_835 : i32 to index
        %swap3A_837 = arith.index_cast %scan3A_753 : i32 to index
        %swap3A_838 = arith.constant 16 : index
        %swap3A_839 = tpu.vector_load %arg7[%swap3A_836, %swap3A_837, %swap3A_838] {strides = array<i32>} : memref<2x64x128xf32, #tpu.memory_space<vmem>>, vector<1x1x16xf32>,
        %swap3A_840 = vector.shape_cast %swap3A_839 : vector<1x1x16xf32> to vector<16xf32>
        %swap3A_841 = vector.shape_cast %add3A_834 : vector<16xf32> to vector<1x1x16xf32>
        tpu.vector_store %arg7[%swap3A_836, %swap3A_837, %swap3A_838], %swap3A_841 {strides = array<i32>} : memref<2x64x128xf32, #tpu.memory_space<vmem>>, vector<1x1x16xf32>,
        %get3A_842 = arith.constant 0 : i32
        %get3A_843 = arith.constant 0 : i32
        %get3A_844 = arith.index_cast %get3A_842 : i32 to index
        %get3A_845 = arith.index_cast %get3A_843 : i32 to index
        %get3A_846 = arith.index_cast %add3A_757 : i32 to index
        %get3A_847 = arith.constant 32 : index
        %get3A_848 = tpu.vector_load %arg6[%get3A_844, %get3A_845, %get3A_846, %get3A_847] {strides = array<i32>} : memref<2x4x128x64xf32, #tpu.memory_space<vmem>>, vector<1x1x1x16xf32>,
        %get3A_849 = vector.shape_cast %get3A_848 : vector<1x1x1x16xf32> to vector<16xf32>
        %get3A_850 = arith.constant 0 : i32
        %get3A_851 = arith.constant 1 : i32
        %get3A_852 = arith.index_cast %get3A_850 : i32 to index
        %get3A_853 = arith.index_cast %get3A_851 : i32 to index
        %get3A_854 = arith.index_cast %add3A_757 : i32 to index
        %get3A_855 = arith.constant 32 : index
        %get3A_856 = tpu.vector_load %arg6[%get3A_852, %get3A_853, %get3A_854, %get3A_855] {strides = array<i32>} : memref<2x4x128x64xf32, #tpu.memory_space<vmem>>, vector<1x1x1x16xf32>,
        %get3A_857 = vector.shape_cast %get3A_856 : vector<1x1x1x16xf32> to vector<16xf32>
        %add3A_858 = arith.addf %get3A_849, %get3A_857 : vector<16xf32>
        %get3A_859 = arith.constant 0 : i32
        %get3A_860 = arith.constant 2 : i32
        %get3A_861 = arith.index_cast %get3A_859 : i32 to index
        %get3A_862 = arith.index_cast %get3A_860 : i32 to index
        %get3A_863 = arith.index_cast %add3A_757 : i32 to index
        %get3A_864 = arith.constant 32 : index
        %get3A_865 = tpu.vector_load %arg6[%get3A_861, %get3A_862, %get3A_863, %get3A_864] {strides = array<i32>} : memref<2x4x128x64xf32, #tpu.memory_space<vmem>>, vector<1x1x1x16xf32>,
        %get3A_866 = vector.shape_cast %get3A_865 : vector<1x1x1x16xf32> to vector<16xf32>
        %add3A_867 = arith.addf %add3A_858, %get3A_866 : vector<16xf32>
        %get3A_868 = arith.constant 0 : i32
        %get3A_869 = arith.constant 3 : i32
        %get3A_870 = arith.index_cast %get3A_868 : i32 to index
        %get3A_871 = arith.index_cast %get3A_869 : i32 to index
        %get3A_872 = arith.index_cast %add3A_757 : i32 to index
        %get3A_873 = arith.constant 32 : index
        %get3A_874 = tpu.vector_load %arg6[%get3A_870, %get3A_871, %get3A_872, %get3A_873] {strides = array<i32>} : memref<2x4x128x64xf32, #tpu.memory_space<vmem>>, vector<1x1x1x16xf32>,
        %get3A_875 = vector.shape_cast %get3A_874 : vector<1x1x1x16xf32> to vector<16xf32>
        %add3A_876 = arith.addf %add3A_867, %get3A_875 : vector<16xf32>
        %swap3A_877 = arith.constant 0 : i32
        %swap3A_878 = arith.index_cast %swap3A_877 : i32 to index
        %swap3A_879 = arith.index_cast %scan3A_753 : i32 to index
        %swap3A_880 = arith.constant 32 : index
        %swap3A_881 = tpu.vector_load %arg7[%swap3A_878, %swap3A_879, %swap3A_880] {strides = array<i32>} : memref<2x64x128xf32, #tpu.memory_space<vmem>>, vector<1x1x16xf32>,
        %swap3A_882 = vector.shape_cast %swap3A_881 : vector<1x1x16xf32> to vector<16xf32>
        %swap3A_883 = vector.shape_cast %add3A_876 : vector<16xf32> to vector<1x1x16xf32>
        tpu.vector_store %arg7[%swap3A_878, %swap3A_879, %swap3A_880], %swap3A_883 {strides = array<i32>} : memref<2x64x128xf32, #tpu.memory_space<vmem>>, vector<1x1x16xf32>,
        %get3A_884 = arith.constant 0 : i32
        %get3A_885 = arith.constant 0 : i32
        %get3A_886 = arith.index_cast %get3A_884 : i32 to index
        %get3A_887 = arith.index_cast %get3A_885 : i32 to index
        %get3A_888 = arith.index_cast %add3A_757 : i32 to index
        %get3A_889 = arith.constant 48 : index
        %get3A_890 = tpu.vector_load %arg6[%get3A_886, %get3A_887, %get3A_888, %get3A_889] {strides = array<i32>} : memref<2x4x128x64xf32, #tpu.memory_space<vmem>>, vector<1x1x1x16xf32>,
        %get3A_891 = vector.shape_cast %get3A_890 : vector<1x1x1x16xf32> to vector<16xf32>
        %get3A_892 = arith.constant 0 : i32
        %get3A_893 = arith.constant 1 : i32
        %get3A_894 = arith.index_cast %get3A_892 : i32 to index
        %get3A_895 = arith.index_cast %get3A_893 : i32 to index
        %get3A_896 = arith.index_cast %add3A_757 : i32 to index
        %get3A_897 = arith.constant 48 : index
        %get3A_898 = tpu.vector_load %arg6[%get3A_894, %get3A_895, %get3A_896, %get3A_897] {strides = array<i32>} : memref<2x4x128x64xf32, #tpu.memory_space<vmem>>, vector<1x1x1x16xf32>,
        %get3A_899 = vector.shape_cast %get3A_898 : vector<1x1x1x16xf32> to vector<16xf32>
        %add3A_900 = arith.addf %get3A_891, %get3A_899 : vector<16xf32>
        %get3A_901 = arith.constant 0 : i32
        %get3A_902 = arith.constant 2 : i32
        %get3A_903 = arith.index_cast %get3A_901 : i32 to index
        %get3A_904 = arith.index_cast %get3A_902 : i32 to index
        %get3A_905 = arith.index_cast %add3A_757 : i32 to index
        %get3A_906 = arith.constant 48 : index
        %get3A_907 = tpu.vector_load %arg6[%get3A_903, %get3A_904, %get3A_905, %get3A_906] {strides = array<i32>} : memref<2x4x128x64xf32, #tpu.memory_space<vmem>>, vector<1x1x1x16xf32>,
        %get3A_908 = vector.shape_cast %get3A_907 : vector<1x1x1x16xf32> to vector<16xf32>
        %add3A_909 = arith.addf %add3A_900, %get3A_908 : vector<16xf32>
        %get3A_910 = arith.constant 0 : i32
        %get3A_911 = arith.constant 3 : i32
        %get3A_912 = arith.index_cast %get3A_910 : i32 to index
        %get3A_913 = arith.index_cast %get3A_911 : i32 to index
        %get3A_914 = arith.index_cast %add3A_757 : i32 to index
        %get3A_915 = arith.constant 48 : index
        %get3A_916 = tpu.vector_load %arg6[%get3A_912, %get3A_913, %get3A_914, %get3A_915] {strides = array<i32>} : memref<2x4x128x64xf32, #tpu.memory_space<vmem>>, vector<1x1x1x16xf32>,
        %get3A_917 = vector.shape_cast %get3A_916 : vector<1x1x1x16xf32> to vector<16xf32>
        %add3A_918 = arith.addf %add3A_909, %get3A_917 : vector<16xf32>
        %swap3A_919 = arith.constant 0 : i32
        %swap3A_920 = arith.index_cast %swap3A_919 : i32 to index
        %swap3A_921 = arith.index_cast %scan3A_753 : i32 to index
        %swap3A_922 = arith.constant 48 : index
        %swap3A_923 = tpu.vector_load %arg7[%swap3A_920, %swap3A_921, %swap3A_922] {strides = array<i32>} : memref<2x64x128xf32, #tpu.memory_space<vmem>>, vector<1x1x16xf32>,
        %swap3A_924 = vector.shape_cast %swap3A_923 : vector<1x1x16xf32> to vector<16xf32>
        %swap3A_925 = vector.shape_cast %add3A_918 : vector<16xf32> to vector<1x1x16xf32>
        tpu.vector_store %arg7[%swap3A_920, %swap3A_921, %swap3A_922], %swap3A_925 {strides = array<i32>} : memref<2x64x128xf32, #tpu.memory_space<vmem>>, vector<1x1x16xf32>,
        %mul3A_926 = arith.constant 2 : i32
        %mul3A_927 = arith.muli %mul3A_926, %scan3A_753 : i32
        %add3A_928 = arith.constant 1 : i32
        %add3A_929 = arith.addi %mul3A_927, %add3A_928 : i32
        %get3A_930 = arith.constant 0 : i32
        %get3A_931 = arith.constant 0 : i32
        %get3A_932 = arith.index_cast %get3A_930 : i32 to index
        %get3A_933 = arith.index_cast %get3A_931 : i32 to index
        %get3A_934 = arith.index_cast %add3A_929 : i32 to index
        %get3A_935 = arith.constant 0 : index
        %get3A_936 = tpu.vector_load %arg6[%get3A_932, %get3A_933, %get3A_934, %get3A_935] {strides = array<i32>} : memref<2x4x128x64xf32, #tpu.memory_space<vmem>>, vector<1x1x1x16xf32>,
        %get3A_937 = vector.shape_cast %get3A_936 : vector<1x1x1x16xf32> to vector<16xf32>
        %get3A_938 = arith.constant 0 : i32
        %get3A_939 = arith.constant 1 : i32
        %get3A_940 = arith.index_cast %get3A_938 : i32 to index
        %get3A_941 = arith.index_cast %get3A_939 : i32 to index
        %get3A_942 = arith.index_cast %add3A_929 : i32 to index
        %get3A_943 = arith.constant 0 : index
        %get3A_944 = tpu.vector_load %arg6[%get3A_940, %get3A_941, %get3A_942, %get3A_943] {strides = array<i32>} : memref<2x4x128x64xf32, #tpu.memory_space<vmem>>, vector<1x1x1x16xf32>,
        %get3A_945 = vector.shape_cast %get3A_944 : vector<1x1x1x16xf32> to vector<16xf32>
        %add3A_946 = arith.addf %get3A_937, %get3A_945 : vector<16xf32>
        %get3A_947 = arith.constant 0 : i32
        %get3A_948 = arith.constant 2 : i32
        %get3A_949 = arith.index_cast %get3A_947 : i32 to index
        %get3A_950 = arith.index_cast %get3A_948 : i32 to index
        %get3A_951 = arith.index_cast %add3A_929 : i32 to index
        %get3A_952 = arith.constant 0 : index
        %get3A_953 = tpu.vector_load %arg6[%get3A_949, %get3A_950, %get3A_951, %get3A_952] {strides = array<i32>} : memref<2x4x128x64xf32, #tpu.memory_space<vmem>>, vector<1x1x1x16xf32>,
        %get3A_954 = vector.shape_cast %get3A_953 : vector<1x1x1x16xf32> to vector<16xf32>
        %add3A_955 = arith.addf %add3A_946, %get3A_954 : vector<16xf32>
        %get3A_956 = arith.constant 0 : i32
        %get3A_957 = arith.constant 3 : i32
        %get3A_958 = arith.index_cast %get3A_956 : i32 to index
        %get3A_959 = arith.index_cast %get3A_957 : i32 to index
        %get3A_960 = arith.index_cast %add3A_929 : i32 to index
        %get3A_961 = arith.constant 0 : index
        %get3A_962 = tpu.vector_load %arg6[%get3A_958, %get3A_959, %get3A_960, %get3A_961] {strides = array<i32>} : memref<2x4x128x64xf32, #tpu.memory_space<vmem>>, vector<1x1x1x16xf32>,
        %get3A_963 = vector.shape_cast %get3A_962 : vector<1x1x1x16xf32> to vector<16xf32>
        %add3A_964 = arith.addf %add3A_955, %get3A_963 : vector<16xf32>
        %swap3A_965 = arith.constant 0 : i32
        %swap3A_966 = arith.index_cast %swap3A_965 : i32 to index
        %swap3A_967 = arith.index_cast %scan3A_753 : i32 to index
        %swap3A_968 = arith.constant 64 : index
        %swap3A_969 = tpu.vector_load %arg7[%swap3A_966, %swap3A_967, %swap3A_968] {strides = array<i32>} : memref<2x64x128xf32, #tpu.memory_space<vmem>>, vector<1x1x16xf32>,
        %swap3A_970 = vector.shape_cast %swap3A_969 : vector<1x1x16xf32> to vector<16xf32>
        %swap3A_971 = vector.shape_cast %add3A_964 : vector<16xf32> to vector<1x1x16xf32>
        tpu.vector_store %arg7[%swap3A_966, %swap3A_967, %swap3A_968], %swap3A_971 {strides = array<i32>} : memref<2x64x128xf32, #tpu.memory_space<vmem>>, vector<1x1x16xf32>,
        %get3A_972 = arith.constant 0 : i32
        %get3A_973 = arith.constant 0 : i32
        %get3A_974 = arith.index_cast %get3A_972 : i32 to index
        %get3A_975 = arith.index_cast %get3A_973 : i32 to index
        %get3A_976 = arith.index_cast %add3A_929 : i32 to index
        %get3A_977 = arith.constant 16 : index
        %get3A_978 = tpu.vector_load %arg6[%get3A_974, %get3A_975, %get3A_976, %get3A_977] {strides = array<i32>} : memref<2x4x128x64xf32, #tpu.memory_space<vmem>>, vector<1x1x1x16xf32>,
        %get3A_979 = vector.shape_cast %get3A_978 : vector<1x1x1x16xf32> to vector<16xf32>
        %get3A_980 = arith.constant 0 : i32
        %get3A_981 = arith.constant 1 : i32
        %get3A_982 = arith.index_cast %get3A_980 : i32 to index
        %get3A_983 = arith.index_cast %get3A_981 : i32 to index
        %get3A_984 = arith.index_cast %add3A_929 : i32 to index
        %get3A_985 = arith.constant 16 : index
        %get3A_986 = tpu.vector_load %arg6[%get3A_982, %get3A_983, %get3A_984, %get3A_985] {strides = array<i32>} : memref<2x4x128x64xf32, #tpu.memory_space<vmem>>, vector<1x1x1x16xf32>,
        %get3A_987 = vector.shape_cast %get3A_986 : vector<1x1x1x16xf32> to vector<16xf32>
        %add3A_988 = arith.addf %get3A_979, %get3A_987 : vector<16xf32>
        %get3A_989 = arith.constant 0 : i32
        %get3A_990 = arith.constant 2 : i32
        %get3A_991 = arith.index_cast %get3A_989 : i32 to index
        %get3A_992 = arith.index_cast %get3A_990 : i32 to index
        %get3A_993 = arith.index_cast %add3A_929 : i32 to index
        %get3A_994 = arith.constant 16 : index
        %get3A_995 = tpu.vector_load %arg6[%get3A_991, %get3A_992, %get3A_993, %get3A_994] {strides = array<i32>} : memref<2x4x128x64xf32, #tpu.memory_space<vmem>>, vector<1x1x1x16xf32>,
        %get3A_996 = vector.shape_cast %get3A_995 : vector<1x1x1x16xf32> to vector<16xf32>
        %add3A_997 = arith.addf %add3A_988, %get3A_996 : vector<16xf32>
        %get3A_998 = arith.constant 0 : i32
        %get3A_999 = arith.constant 3 : i32
        %get3A_1000 = arith.index_cast %get3A_998 : i32 to index
        %get3A_1001 = arith.index_cast %get3A_999 : i32 to index
        %get3A_1002 = arith.index_cast %add3A_929 : i32 to index
        %get3A_1003 = arith.constant 16 : index
        %get3A_1004 = tpu.vector_load %arg6[%get3A_1000, %get3A_1001, %get3A_1002, %get3A_1003] {strides = array<i32>} : memref<2x4x128x64xf32, #tpu.memory_space<vmem>>, vector<1x1x1x16xf32>,
        %get3A_1005 = vector.shape_cast %get3A_1004 : vector<1x1x1x16xf32> to vector<16xf32>
        %add3A_1006 = arith.addf %add3A_997, %get3A_1005 : vector<16xf32>
        %swap3A_1007 = arith.constant 0 : i32
        %swap3A_1008 = arith.index_cast %swap3A_1007 : i32 to index
        %swap3A_1009 = arith.index_cast %scan3A_753 : i32 to index
        %swap3A_1010 = arith.constant 80 : index
        %swap3A_1011 = tpu.vector_load %arg7[%swap3A_1008, %swap3A_1009, %swap3A_1010] {strides = array<i32>} : memref<2x64x128xf32, #tpu.memory_space<vmem>>, vector<1x1x16xf32>,
        %swap3A_1012 = vector.shape_cast %swap3A_1011 : vector<1x1x16xf32> to vector<16xf32>
        %swap3A_1013 = vector.shape_cast %add3A_1006 : vector<16xf32> to vector<1x1x16xf32>
        tpu.vector_store %arg7[%swap3A_1008, %swap3A_1009, %swap3A_1010], %swap3A_1013 {strides = array<i32>} : memref<2x64x128xf32, #tpu.memory_space<vmem>>, vector<1x1x16xf32>,
        %get3A_1014 = arith.constant 0 : i32
        %get3A_1015 = arith.constant 0 : i32
        %get3A_1016 = arith.index_cast %get3A_1014 : i32 to index
        %get3A_1017 = arith.index_cast %get3A_1015 : i32 to index
        %get3A_1018 = arith.index_cast %add3A_929 : i32 to index
        %get3A_1019 = arith.constant 32 : index
        %get3A_1020 = tpu.vector_load %arg6[%get3A_1016, %get3A_1017, %get3A_1018, %get3A_1019] {strides = array<i32>} : memref<2x4x128x64xf32, #tpu.memory_space<vmem>>, vector<1x1x1x16xf32>,
        %get3A_1021 = vector.shape_cast %get3A_1020 : vector<1x1x1x16xf32> to vector<16xf32>
        %get3A_1022 = arith.constant 0 : i32
        %get3A_1023 = arith.constant 1 : i32
        %get3A_1024 = arith.index_cast %get3A_1022 : i32 to index
        %get3A_1025 = arith.index_cast %get3A_1023 : i32 to index
        %get3A_1026 = arith.index_cast %add3A_929 : i32 to index
        %get3A_1027 = arith.constant 32 : index
        %get3A_1028 = tpu.vector_load %arg6[%get3A_1024, %get3A_1025, %get3A_1026, %get3A_1027] {strides = array<i32>} : memref<2x4x128x64xf32, #tpu.memory_space<vmem>>, vector<1x1x1x16xf32>,
        %get3A_1029 = vector.shape_cast %get3A_1028 : vector<1x1x1x16xf32> to vector<16xf32>
        %add3A_1030 = arith.addf %get3A_1021, %get3A_1029 : vector<16xf32>
        %get3A_1031 = arith.constant 0 : i32
        %get3A_1032 = arith.constant 2 : i32
        %get3A_1033 = arith.index_cast %get3A_1031 : i32 to index
        %get3A_1034 = arith.index_cast %get3A_1032 : i32 to index
        %get3A_1035 = arith.index_cast %add3A_929 : i32 to index
        %get3A_1036 = arith.constant 32 : index
        %get3A_1037 = tpu.vector_load %arg6[%get3A_1033, %get3A_1034, %get3A_1035, %get3A_1036] {strides = array<i32>} : memref<2x4x128x64xf32, #tpu.memory_space<vmem>>, vector<1x1x1x16xf32>,
        %get3A_1038 = vector.shape_cast %get3A_1037 : vector<1x1x1x16xf32> to vector<16xf32>
        %add3A_1039 = arith.addf %add3A_1030, %get3A_1038 : vector<16xf32>
        %get3A_1040 = arith.constant 0 : i32
        %get3A_1041 = arith.constant 3 : i32
        %get3A_1042 = arith.index_cast %get3A_1040 : i32 to index
        %get3A_1043 = arith.index_cast %get3A_1041 : i32 to index
        %get3A_1044 = arith.index_cast %add3A_929 : i32 to index
        %get3A_1045 = arith.constant 32 : index
        %get3A_1046 = tpu.vector_load %arg6[%get3A_1042, %get3A_1043, %get3A_1044, %get3A_1045] {strides = array<i32>} : memref<2x4x128x64xf32, #tpu.memory_space<vmem>>, vector<1x1x1x16xf32>,
        %get3A_1047 = vector.shape_cast %get3A_1046 : vector<1x1x1x16xf32> to vector<16xf32>
        %add3A_1048 = arith.addf %add3A_1039, %get3A_1047 : vector<16xf32>
        %swap3A_1049 = arith.constant 0 : i32
        %swap3A_1050 = arith.index_cast %swap3A_1049 : i32 to index
        %swap3A_1051 = arith.index_cast %scan3A_753 : i32 to index
        %swap3A_1052 = arith.constant 96 : index
        %swap3A_1053 = tpu.vector_load %arg7[%swap3A_1050, %swap3A_1051, %swap3A_1052] {strides = array<i32>} : memref<2x64x128xf32, #tpu.memory_space<vmem>>, vector<1x1x16xf32>,
        %swap3A_1054 = vector.shape_cast %swap3A_1053 : vector<1x1x16xf32> to vector<16xf32>
        %swap3A_1055 = vector.shape_cast %add3A_1048 : vector<16xf32> to vector<1x1x16xf32>
        tpu.vector_store %arg7[%swap3A_1050, %swap3A_1051, %swap3A_1052], %swap3A_1055 {strides = array<i32>} : memref<2x64x128xf32, #tpu.memory_space<vmem>>, vector<1x1x16xf32>,
        %get3A_1056 = arith.constant 0 : i32
        %get3A_1057 = arith.constant 0 : i32
        %get3A_1058 = arith.index_cast %get3A_1056 : i32 to index
        %get3A_1059 = arith.index_cast %get3A_1057 : i32 to index
        %get3A_1060 = arith.index_cast %add3A_929 : i32 to index
        %get3A_1061 = arith.constant 48 : index
        %get3A_1062 = tpu.vector_load %arg6[%get3A_1058, %get3A_1059, %get3A_1060, %get3A_1061] {strides = array<i32>} : memref<2x4x128x64xf32, #tpu.memory_space<vmem>>, vector<1x1x1x16xf32>,
        %get3A_1063 = vector.shape_cast %get3A_1062 : vector<1x1x1x16xf32> to vector<16xf32>
        %get3A_1064 = arith.constant 0 : i32
        %get3A_1065 = arith.constant 1 : i32
        %get3A_1066 = arith.index_cast %get3A_1064 : i32 to index
        %get3A_1067 = arith.index_cast %get3A_1065 : i32 to index
        %get3A_1068 = arith.index_cast %add3A_929 : i32 to index
        %get3A_1069 = arith.constant 48 : index
        %get3A_1070 = tpu.vector_load %arg6[%get3A_1066, %get3A_1067, %get3A_1068, %get3A_1069] {strides = array<i32>} : memref<2x4x128x64xf32, #tpu.memory_space<vmem>>, vector<1x1x1x16xf32>,
        %get3A_1071 = vector.shape_cast %get3A_1070 : vector<1x1x1x16xf32> to vector<16xf32>
        %add3A_1072 = arith.addf %get3A_1063, %get3A_1071 : vector<16xf32>
        %get3A_1073 = arith.constant 0 : i32
        %get3A_1074 = arith.constant 2 : i32
        %get3A_1075 = arith.index_cast %get3A_1073 : i32 to index
        %get3A_1076 = arith.index_cast %get3A_1074 : i32 to index
        %get3A_1077 = arith.index_cast %add3A_929 : i32 to index
        %get3A_1078 = arith.constant 48 : index
        %get3A_1079 = tpu.vector_load %arg6[%get3A_1075, %get3A_1076, %get3A_1077, %get3A_1078] {strides = array<i32>} : memref<2x4x128x64xf32, #tpu.memory_space<vmem>>, vector<1x1x1x16xf32>,
        %get3A_1080 = vector.shape_cast %get3A_1079 : vector<1x1x1x16xf32> to vector<16xf32>
        %add3A_1081 = arith.addf %add3A_1072, %get3A_1080 : vector<16xf32>
        %get3A_1082 = arith.constant 0 : i32
        %get3A_1083 = arith.constant 3 : i32
        %get3A_1084 = arith.index_cast %get3A_1082 : i32 to index
        %get3A_1085 = arith.index_cast %get3A_1083 : i32 to index
        %get3A_1086 = arith.index_cast %add3A_929 : i32 to index
        %get3A_1087 = arith.constant 48 : index
        %get3A_1088 = tpu.vector_load %arg6[%get3A_1084, %get3A_1085, %get3A_1086, %get3A_1087] {strides = array<i32>} : memref<2x4x128x64xf32, #tpu.memory_space<vmem>>, vector<1x1x1x16xf32>,
        %get3A_1089 = vector.shape_cast %get3A_1088 : vector<1x1x1x16xf32> to vector<16xf32>
        %add3A_1090 = arith.addf %add3A_1081, %get3A_1089 : vector<16xf32>
        %swap3A_1091 = arith.constant 0 : i32
        %swap3A_1092 = arith.index_cast %swap3A_1091 : i32 to index
        %swap3A_1093 = arith.index_cast %scan3A_753 : i32 to index
        %swap3A_1094 = arith.constant 112 : index
        %swap3A_1095 = tpu.vector_load %arg7[%swap3A_1092, %swap3A_1093, %swap3A_1094] {strides = array<i32>} : memref<2x64x128xf32, #tpu.memory_space<vmem>>, vector<1x1x16xf32>,
        %swap3A_1096 = vector.shape_cast %swap3A_1095 : vector<1x1x16xf32> to vector<16xf32>
        %swap3A_1097 = vector.shape_cast %add3A_1090 : vector<16xf32> to vector<1x1x16xf32>
        tpu.vector_store %arg7[%swap3A_1092, %swap3A_1093, %swap3A_1094], %swap3A_1097 {strides = array<i32>} : memref<2x64x128xf32, #tpu.memory_space<vmem>>, vector<1x1x16xf32>,
      }
      %scan3A_232 = arith.constant 64 : i32
      %mul3A_233 = arith.constant 128 : i32
      %mul3A_234 = arith.muli %add3A_150, %mul3A_233 : i32
      %add3A_235 = arith.addi %mul3A_2, %mul3A_234 : i32
      %jit3A_236 = arith.constant 2 : i32
      %div3A_237 = arith.divsi %add3A_235, %jit3A_236 : i32
      %sign3A_238 = arith.constant 0 : i32
      %sign3A_239 = arith.cmpi sgt, %add3A_235, %sign3A_238 : i32
      %sign3A_240 = arith.extui %sign3A_239 : i1 to i32
      %sign3A_241 = arith.constant 0 : i32
      %sign3A_242 = arith.cmpi slt, %add3A_235, %sign3A_241 : i32
      %sign3A_243 = arith.extui %sign3A_242 : i1 to i32
      %sign3A_244 = arith.subi %sign3A_240, %sign3A_243 : i32
      %sign3A_245 = arith.constant 0 : i32
      %sign3A_246 = arith.cmpi sgt, %jit3A_236, %sign3A_245 : i32
      %sign3A_247 = arith.extui %sign3A_246 : i1 to i32
      %sign3A_248 = arith.constant 0 : i32
      %sign3A_249 = arith.cmpi slt, %jit3A_236, %sign3A_248 : i32
      %sign3A_250 = arith.extui %sign3A_249 : i1 to i32
      %sign3A_251 = arith.subi %sign3A_247, %sign3A_250 : i32
      %ne3A_252 = arith.cmpi ne, %sign3A_244, %sign3A_251 : i32
      %rem3A_253 = arith.remsi %add3A_235, %jit3A_236 : i32
      %ne3A_254 = arith.constant 0 : i32
      %ne3A_255 = arith.cmpi ne, %rem3A_253, %ne3A_254 : i32
      %and3A_256 = arith.andi %ne3A_252, %ne3A_255 : i1
      %sub3A_257 = arith.constant 1 : i32
      %sub3A_258 = arith.subi %div3A_237, %sub3A_257 : i32
      %select_n3A_259 = arith.select %and3A_256, %sub3A_258, %div3A_237 : i32
      %dma_start3A_260 = arith.constant 0 : i32
      %dma_start3A_261 = arith.constant 0 : i32
      %dma_start3A_262 = arith.constant 0 : i32
      %dma_start3A_263 = arith.constant 0 : i32
      %dma_start3A_264 = tpu.memref_slice %arg7[%dma_start3A_260, %dma_start3A_262, %dma_start3A_263] : memref<2x64x128xf32, #tpu.memory_space<vmem>> -> memref<1x64x128xf32, #tpu.memory_space<vmem>>
      %dma_start3A_265 = tpu.memref_squeeze %dma_start3A_264 : memref<1x64x128xf32, #tpu.memory_space<vmem>> -> memref<64x128xf32, #tpu.memory_space<vmem>>
      %dma_start3A_266 = arith.constant 0 : i32
      %dma_start3A_267 = tpu.memref_slice %arg4[%select_n3A_259, %dma_start3A_266] : memref<102400x128xf32, #tpu.memory_space<hbm>> -> memref<64x128xf32, #tpu.memory_space<hbm>>
      %dma_start3A_268 = tpu.memref_slice %arg9[%dma_start3A_261] : memref<2x!tpu.dma_semaphore, #tpu.memory_space<semaphore_mem>> -> memref<1x!tpu.dma_semaphore, #tpu.memory_space<semaphore_mem>>
      %dma_start3A_269 = tpu.memref_squeeze %dma_start3A_268 : memref<1x!tpu.dma_semaphore, #tpu.memory_space<semaphore_mem>> -> memref<!tpu.dma_semaphore, #tpu.memory_space<semaphore_mem>>
      %dma_start3A_270 = arith.constant 0 : i32
      %dma_start3A_271 = tpu.memref_slice %arg4[%select_n3A_259, %dma_start3A_270] : memref<102400x128xf32, #tpu.memory_space<hbm>> -> memref<64x128xf32, #tpu.memory_space<hbm>>
      %dma_start3A_272 = arith.constant 0 : i32
      %dma_start3A_273 = arith.constant 0 : i32
      %dma_start3A_274 = tpu.memref_slice %arg7[%dma_start3A_260, %dma_start3A_272, %dma_start3A_273] : memref<2x64x128xf32, #tpu.memory_space<vmem>> -> memref<1x64x128xf32, #tpu.memory_space<vmem>>
      %dma_start3A_275 = tpu.memref_squeeze %dma_start3A_274 : memref<1x64x128xf32, #tpu.memory_space<vmem>> -> memref<64x128xf32, #tpu.memory_space<vmem>>
      tpu.enqueue_dma source(%dma_start3A_275 : memref<64x128xf32, #tpu.memory_space<vmem>>) target(%dma_start3A_271 : memref<64x128xf32, #tpu.memory_space<hbm>>) target_semaphore(%dma_start3A_269 : memref<!tpu.dma_semaphore, #tpu.memory_space<semaphore_mem>>)
      %mul3A_276 = arith.constant 2 : i32
      %mul3A_277 = arith.muli %scan3A_146, %mul3A_276 : i32
      %add3A_278 = arith.constant 1 : i32
      %add3A_279 = arith.addi %mul3A_277, %add3A_278 : i32
      %add3A_280 = arith.constant 1 : i32
      %add3A_281 = arith.addi %add3A_279, %add3A_280 : i32
      %lt3A_282 = arith.constant 50 : i32
      %lt3A_283 = arith.cmpi slt, %add3A_281, %lt3A_282 : i32
      %convert_element_type3A_284 = arith.extui %lt3A_283 : i1 to i32
      %cond3A_285 = arith.constant 0 : i32
      %cond3A_286 = arith.cmpi ne, %convert_element_type3A_284, %cond3A_285 : i32
      scf.if %cond3A_286 {
        %add3A_409 = arith.constant 1 : i32
        %add3A_410 = arith.addi %add3A_279, %add3A_409 : i32
        %mul3A_411 = arith.constant 128 : i32
        %mul3A_412 = arith.muli %add3A_410, %mul3A_411 : i32
        %dma_start3A_413 = arith.constant 0 : i32
        %dma_start3A_414 = arith.constant 0 : i32
        %dma_start3A_415 = arith.constant 0 : i32
        %dma_start3A_416 = arith.constant 0 : i32
        %dma_start3A_417 = arith.constant 0 : i32
        %dma_start3A_418 = arith.constant 0 : i32
        %dma_start3A_419 = tpu.memref_slice %arg6[%dma_start3A_414, %dma_start3A_415, %dma_start3A_417, %dma_start3A_418] : memref<2x4x128x64xf32, #tpu.memory_space<vmem>> -> memref<1x1x128x64xf32, #tpu.memory_space<vmem>>
        %dma_start3A_420 = tpu.memref_squeeze %dma_start3A_419 : memref<1x1x128x64xf32, #tpu.memory_space<vmem>> -> memref<128x64xf32, #tpu.memory_space<vmem>>
        %dma_start3A_421 = tpu.memref_slice %arg5[%dma_start3A_413, %mul3A_412] : memref<4x6400xi32, #tpu.memory_space<vmem>> -> memref<1x128xi32, #tpu.memory_space<vmem>>
        %dma_start3A_422 = tpu.memref_squeeze %dma_start3A_421 : memref<1x128xi32, #tpu.memory_space<vmem>> -> memref<128xi32, #tpu.memory_space<vmem>>
        %dma_start3A_423 = arith.constant 0 : i32
        %dma_start3A_424 = arith.constant 0 : i32
        %dma_start3A_425 = tpu.memref_slice %arg3[%dma_start3A_423, %dma_start3A_424] : memref<409600x64xf32, #tpu.memory_space<hbm>> -> memref<409600x64xf32, #tpu.memory_space<hbm>>
        %dma_start3A_426 = tpu.memref_slice %arg8[%dma_start3A_416] : memref<2x!tpu.dma_semaphore, #tpu.memory_space<semaphore_mem>> -> memref<1x!tpu.dma_semaphore, #tpu.memory_space<semaphore_mem>>
        %dma_start3A_427 = tpu.memref_squeeze %dma_start3A_426 : memref<1x!tpu.dma_semaphore, #tpu.memory_space<semaphore_mem>> -> memref<!tpu.dma_semaphore, #tpu.memory_space<semaphore_mem>>
        tpu.enqueue_indirect_dma source(%dma_start3A_425 : memref<409600x64xf32, #tpu.memory_space<hbm>>) target(%dma_start3A_420 : memref<128x64xf32, #tpu.memory_space<vmem>>) offsets(%dma_start3A_422 : memref<128xi32, #tpu.memory_space<vmem>>) semaphore(%dma_start3A_427 : memref<!tpu.dma_semaphore, #tpu.memory_space<semaphore_mem>>)
        %mul3A_428 = arith.constant 128 : i32
        %mul3A_429 = arith.muli %add3A_410, %mul3A_428 : i32
        %dma_start3A_430 = arith.constant 1 : i32
        %dma_start3A_431 = arith.constant 0 : i32
        %dma_start3A_432 = arith.constant 1 : i32
        %dma_start3A_433 = arith.constant 0 : i32
        %dma_start3A_434 = arith.constant 0 : i32
        %dma_start3A_435 = arith.constant 0 : i32
        %dma_start3A_436 = tpu.memref_slice %arg6[%dma_start3A_431, %dma_start3A_432, %dma_start3A_434, %dma_start3A_435] : memref<2x4x128x64xf32, #tpu.memory_space<vmem>> -> memref<1x1x128x64xf32, #tpu.memory_space<vmem>>
        %dma_start3A_437 = tpu.memref_squeeze %dma_start3A_436 : memref<1x1x128x64xf32, #tpu.memory_space<vmem>> -> memref<128x64xf32, #tpu.memory_space<vmem>>
        %dma_start3A_438 = tpu.memref_slice %arg5[%dma_start3A_430, %mul3A_429] : memref<4x6400xi32, #tpu.memory_space<vmem>> -> memref<1x128xi32, #tpu.memory_space<vmem>>
        %dma_start3A_439 = tpu.memref_squeeze %dma_start3A_438 : memref<1x128xi32, #tpu.memory_space<vmem>> -> memref<128xi32, #tpu.memory_space<vmem>>
        %dma_start3A_440 = arith.constant 0 : i32
        %dma_start3A_441 = arith.constant 0 : i32
        %dma_start3A_442 = tpu.memref_slice %arg3[%dma_start3A_440, %dma_start3A_441] : memref<409600x64xf32, #tpu.memory_space<hbm>> -> memref<409600x64xf32, #tpu.memory_space<hbm>>
        %dma_start3A_443 = tpu.memref_slice %arg8[%dma_start3A_433] : memref<2x!tpu.dma_semaphore, #tpu.memory_space<semaphore_mem>> -> memref<1x!tpu.dma_semaphore, #tpu.memory_space<semaphore_mem>>
        %dma_start3A_444 = tpu.memref_squeeze %dma_start3A_443 : memref<1x!tpu.dma_semaphore, #tpu.memory_space<semaphore_mem>> -> memref<!tpu.dma_semaphore, #tpu.memory_space<semaphore_mem>>
        tpu.enqueue_indirect_dma source(%dma_start3A_442 : memref<409600x64xf32, #tpu.memory_space<hbm>>) target(%dma_start3A_437 : memref<128x64xf32, #tpu.memory_space<vmem>>) offsets(%dma_start3A_439 : memref<128xi32, #tpu.memory_space<vmem>>) semaphore(%dma_start3A_444 : memref<!tpu.dma_semaphore, #tpu.memory_space<semaphore_mem>>)
        %mul3A_445 = arith.constant 128 : i32
        %mul3A_446 = arith.muli %add3A_410, %mul3A_445 : i32
        %dma_start3A_447 = arith.constant 2 : i32
        %dma_start3A_448 = arith.constant 0 : i32
        %dma_start3A_449 = arith.constant 2 : i32
        %dma_start3A_450 = arith.constant 0 : i32
        %dma_start3A_451 = arith.constant 0 : i32
        %dma_start3A_452 = arith.constant 0 : i32
        %dma_start3A_453 = tpu.memref_slice %arg6[%dma_start3A_448, %dma_start3A_449, %dma_start3A_451, %dma_start3A_452] : memref<2x4x128x64xf32, #tpu.memory_space<vmem>> -> memref<1x1x128x64xf32, #tpu.memory_space<vmem>>
        %dma_start3A_454 = tpu.memref_squeeze %dma_start3A_453 : memref<1x1x128x64xf32, #tpu.memory_space<vmem>> -> memref<128x64xf32, #tpu.memory_space<vmem>>
        %dma_start3A_455 = tpu.memref_slice %arg5[%dma_start3A_447, %mul3A_446] : memref<4x6400xi32, #tpu.memory_space<vmem>> -> memref<1x128xi32, #tpu.memory_space<vmem>>
        %dma_start3A_456 = tpu.memref_squeeze %dma_start3A_455 : memref<1x128xi32, #tpu.memory_space<vmem>> -> memref<128xi32, #tpu.memory_space<vmem>>
        %dma_start3A_457 = arith.constant 0 : i32
        %dma_start3A_458 = arith.constant 0 : i32
        %dma_start3A_459 = tpu.memref_slice %arg3[%dma_start3A_457, %dma_start3A_458] : memref<409600x64xf32, #tpu.memory_space<hbm>> -> memref<409600x64xf32, #tpu.memory_space<hbm>>
        %dma_start3A_460 = tpu.memref_slice %arg8[%dma_start3A_450] : memref<2x!tpu.dma_semaphore, #tpu.memory_space<semaphore_mem>> -> memref<1x!tpu.dma_semaphore, #tpu.memory_space<semaphore_mem>>
        %dma_start3A_461 = tpu.memref_squeeze %dma_start3A_460 : memref<1x!tpu.dma_semaphore, #tpu.memory_space<semaphore_mem>> -> memref<!tpu.dma_semaphore, #tpu.memory_space<semaphore_mem>>
        tpu.enqueue_indirect_dma source(%dma_start3A_459 : memref<409600x64xf32, #tpu.memory_space<hbm>>) target(%dma_start3A_454 : memref<128x64xf32, #tpu.memory_space<vmem>>) offsets(%dma_start3A_456 : memref<128xi32, #tpu.memory_space<vmem>>) semaphore(%dma_start3A_461 : memref<!tpu.dma_semaphore, #tpu.memory_space<semaphore_mem>>)
        %mul3A_462 = arith.constant 128 : i32
        %mul3A_463 = arith.muli %add3A_410, %mul3A_462 : i32
        %dma_start3A_464 = arith.constant 3 : i32
        %dma_start3A_465 = arith.constant 0 : i32
        %dma_start3A_466 = arith.constant 3 : i32
        %dma_start3A_467 = arith.constant 0 : i32
        %dma_start3A_468 = arith.constant 0 : i32
        %dma_start3A_469 = arith.constant 0 : i32
        %dma_start3A_470 = tpu.memref_slice %arg6[%dma_start3A_465, %dma_start3A_466, %dma_start3A_468, %dma_start3A_469] : memref<2x4x128x64xf32, #tpu.memory_space<vmem>> -> memref<1x1x128x64xf32, #tpu.memory_space<vmem>>
        %dma_start3A_471 = tpu.memref_squeeze %dma_start3A_470 : memref<1x1x128x64xf32, #tpu.memory_space<vmem>> -> memref<128x64xf32, #tpu.memory_space<vmem>>
        %dma_start3A_472 = tpu.memref_slice %arg5[%dma_start3A_464, %mul3A_463] : memref<4x6400xi32, #tpu.memory_space<vmem>> -> memref<1x128xi32, #tpu.memory_space<vmem>>
        %dma_start3A_473 = tpu.memref_squeeze %dma_start3A_472 : memref<1x128xi32, #tpu.memory_space<vmem>> -> memref<128xi32, #tpu.memory_space<vmem>>
        %dma_start3A_474 = arith.constant 0 : i32
        %dma_start3A_475 = arith.constant 0 : i32
        %dma_start3A_476 = tpu.memref_slice %arg3[%dma_start3A_474, %dma_start3A_475] : memref<409600x64xf32, #tpu.memory_space<hbm>> -> memref<409600x64xf32, #tpu.memory_space<hbm>>
        %dma_start3A_477 = tpu.memref_slice %arg8[%dma_start3A_467] : memref<2x!tpu.dma_semaphore, #tpu.memory_space<semaphore_mem>> -> memref<1x!tpu.dma_semaphore, #tpu.memory_space<semaphore_mem>>
        %dma_start3A_478 = tpu.memref_squeeze %dma_start3A_477 : memref<1x!tpu.dma_semaphore, #tpu.memory_space<semaphore_mem>> -> memref<!tpu.dma_semaphore, #tpu.memory_space<semaphore_mem>>
        tpu.enqueue_indirect_dma source(%dma_start3A_476 : memref<409600x64xf32, #tpu.memory_space<hbm>>) target(%dma_start3A_471 : memref<128x64xf32, #tpu.memory_space<vmem>>) offsets(%dma_start3A_473 : memref<128xi32, #tpu.memory_space<vmem>>) semaphore(%dma_start3A_478 : memref<!tpu.dma_semaphore, #tpu.memory_space<semaphore_mem>>)
      } else {
      }
      %mul3A_287 = arith.constant 128 : i32
      %mul3A_288 = arith.muli %add3A_279, %mul3A_287 : i32
      %dma_wait3A_289 = arith.constant 0 : i32
      %dma_wait3A_290 = arith.constant 1 : i32
      %dma_wait3A_291 = arith.constant 0 : i32
      %dma_wait3A_292 = arith.constant 1 : i32
      %dma_wait3A_293 = arith.constant 0 : i32
      %dma_wait3A_294 = arith.constant 0 : i32
      %dma_wait3A_295 = tpu.memref_slice %arg6[%dma_wait3A_290, %dma_wait3A_291, %dma_wait3A_293, %dma_wait3A_294] : memref<2x4x128x64xf32, #tpu.memory_space<vmem>> -> memref<1x1x128x64xf32, #tpu.memory_space<vmem>>
      %dma_wait3A_296 = tpu.memref_squeeze %dma_wait3A_295 : memref<1x1x128x64xf32, #tpu.memory_space<vmem>> -> memref<128x64xf32, #tpu.memory_space<vmem>>
      %dma_wait3A_297 = tpu.memref_slice %arg5[%dma_wait3A_289, %mul3A_288] : memref<4x6400xi32, #tpu.memory_space<vmem>> -> memref<1x128xi32, #tpu.memory_space<vmem>>
      %dma_wait3A_298 = tpu.memref_squeeze %dma_wait3A_297 : memref<1x128xi32, #tpu.memory_space<vmem>> -> memref<128xi32, #tpu.memory_space<vmem>>
      %dma_wait3A_299 = arith.constant 0 : i32
      %dma_wait3A_300 = arith.constant 0 : i32
      %dma_wait3A_301 = tpu.memref_slice %arg3[%dma_wait3A_299, %dma_wait3A_300] : memref<409600x64xf32, #tpu.memory_space<hbm>> -> memref<409600x64xf32, #tpu.memory_space<hbm>>
      %dma_wait3A_302 = tpu.memref_slice %arg8[%dma_wait3A_292] : memref<2x!tpu.dma_semaphore, #tpu.memory_space<semaphore_mem>> -> memref<1x!tpu.dma_semaphore, #tpu.memory_space<semaphore_mem>>
      %dma_wait3A_303 = tpu.memref_squeeze %dma_wait3A_302 : memref<1x!tpu.dma_semaphore, #tpu.memory_space<semaphore_mem>> -> memref<!tpu.dma_semaphore, #tpu.memory_space<semaphore_mem>>
      tpu.wait_indirect_dma semaphore(%dma_wait3A_303 : memref<!tpu.dma_semaphore, #tpu.memory_space<semaphore_mem>>) src(%dma_wait3A_301 : memref<409600x64xf32, #tpu.memory_space<hbm>>) dst(%dma_wait3A_296 : memref<128x64xf32, #tpu.memory_space<vmem>>)
      %mul3A_304 = arith.constant 128 : i32
      %mul3A_305 = arith.muli %add3A_279, %mul3A_304 : i32
      %dma_wait3A_306 = arith.constant 1 : i32
      %dma_wait3A_307 = arith.constant 1 : i32
      %dma_wait3A_308 = arith.constant 1 : i32
      %dma_wait3A_309 = arith.constant 1 : i32
      %dma_wait3A_310 = arith.constant 0 : i32
      %dma_wait3A_311 = arith.constant 0 : i32
      %dma_wait3A_312 = tpu.memref_slice %arg6[%dma_wait3A_307, %dma_wait3A_308, %dma_wait3A_310, %dma_wait3A_311] : memref<2x4x128x64xf32, #tpu.memory_space<vmem>> -> memref<1x1x128x64xf32, #tpu.memory_space<vmem>>
      %dma_wait3A_313 = tpu.memref_squeeze %dma_wait3A_312 : memref<1x1x128x64xf32, #tpu.memory_space<vmem>> -> memref<128x64xf32, #tpu.memory_space<vmem>>
      %dma_wait3A_314 = tpu.memref_slice %arg5[%dma_wait3A_306, %mul3A_305] : memref<4x6400xi32, #tpu.memory_space<vmem>> -> memref<1x128xi32, #tpu.memory_space<vmem>>
      %dma_wait3A_315 = tpu.memref_squeeze %dma_wait3A_314 : memref<1x128xi32, #tpu.memory_space<vmem>> -> memref<128xi32, #tpu.memory_space<vmem>>
      %dma_wait3A_316 = arith.constant 0 : i32
      %dma_wait3A_317 = arith.constant 0 : i32
      %dma_wait3A_318 = tpu.memref_slice %arg3[%dma_wait3A_316, %dma_wait3A_317] : memref<409600x64xf32, #tpu.memory_space<hbm>> -> memref<409600x64xf32, #tpu.memory_space<hbm>>
      %dma_wait3A_319 = tpu.memref_slice %arg8[%dma_wait3A_309] : memref<2x!tpu.dma_semaphore, #tpu.memory_space<semaphore_mem>> -> memref<1x!tpu.dma_semaphore, #tpu.memory_space<semaphore_mem>>
      %dma_wait3A_320 = tpu.memref_squeeze %dma_wait3A_319 : memref<1x!tpu.dma_semaphore, #tpu.memory_space<semaphore_mem>> -> memref<!tpu.dma_semaphore, #tpu.memory_space<semaphore_mem>>
      tpu.wait_indirect_dma semaphore(%dma_wait3A_320 : memref<!tpu.dma_semaphore, #tpu.memory_space<semaphore_mem>>) src(%dma_wait3A_318 : memref<409600x64xf32, #tpu.memory_space<hbm>>) dst(%dma_wait3A_313 : memref<128x64xf32, #tpu.memory_space<vmem>>)
      %mul3A_321 = arith.constant 128 : i32
      %mul3A_322 = arith.muli %add3A_279, %mul3A_321 : i32
      %dma_wait3A_323 = arith.constant 2 : i32
      %dma_wait3A_324 = arith.constant 1 : i32
      %dma_wait3A_325 = arith.constant 2 : i32
      %dma_wait3A_326 = arith.constant 1 : i32
      %dma_wait3A_327 = arith.constant 0 : i32
      %dma_wait3A_328 = arith.constant 0 : i32
      %dma_wait3A_329 = tpu.memref_slice %arg6[%dma_wait3A_324, %dma_wait3A_325, %dma_wait3A_327, %dma_wait3A_328] : memref<2x4x128x64xf32, #tpu.memory_space<vmem>> -> memref<1x1x128x64xf32, #tpu.memory_space<vmem>>
      %dma_wait3A_330 = tpu.memref_squeeze %dma_wait3A_329 : memref<1x1x128x64xf32, #tpu.memory_space<vmem>> -> memref<128x64xf32, #tpu.memory_space<vmem>>
      %dma_wait3A_331 = tpu.memref_slice %arg5[%dma_wait3A_323, %mul3A_322] : memref<4x6400xi32, #tpu.memory_space<vmem>> -> memref<1x128xi32, #tpu.memory_space<vmem>>
      %dma_wait3A_332 = tpu.memref_squeeze %dma_wait3A_331 : memref<1x128xi32, #tpu.memory_space<vmem>> -> memref<128xi32, #tpu.memory_space<vmem>>
      %dma_wait3A_333 = arith.constant 0 : i32
      %dma_wait3A_334 = arith.constant 0 : i32
      %dma_wait3A_335 = tpu.memref_slice %arg3[%dma_wait3A_333, %dma_wait3A_334] : memref<409600x64xf32, #tpu.memory_space<hbm>> -> memref<409600x64xf32, #tpu.memory_space<hbm>>
      %dma_wait3A_336 = tpu.memref_slice %arg8[%dma_wait3A_326] : memref<2x!tpu.dma_semaphore, #tpu.memory_space<semaphore_mem>> -> memref<1x!tpu.dma_semaphore, #tpu.memory_space<semaphore_mem>>
      %dma_wait3A_337 = tpu.memref_squeeze %dma_wait3A_336 : memref<1x!tpu.dma_semaphore, #tpu.memory_space<semaphore_mem>> -> memref<!tpu.dma_semaphore, #tpu.memory_space<semaphore_mem>>
      tpu.wait_indirect_dma semaphore(%dma_wait3A_337 : memref<!tpu.dma_semaphore, #tpu.memory_space<semaphore_mem>>) src(%dma_wait3A_335 : memref<409600x64xf32, #tpu.memory_space<hbm>>) dst(%dma_wait3A_330 : memref<128x64xf32, #tpu.memory_space<vmem>>)
      %mul3A_338 = arith.constant 128 : i32
      %mul3A_339 = arith.muli %add3A_279, %mul3A_338 : i32
      %dma_wait3A_340 = arith.constant 3 : i32
      %dma_wait3A_341 = arith.constant 1 : i32
      %dma_wait3A_342 = arith.constant 3 : i32
      %dma_wait3A_343 = arith.constant 1 : i32
      %dma_wait3A_344 = arith.constant 0 : i32
      %dma_wait3A_345 = arith.constant 0 : i32
      %dma_wait3A_346 = tpu.memref_slice %arg6[%dma_wait3A_341, %dma_wait3A_342, %dma_wait3A_344, %dma_wait3A_345] : memref<2x4x128x64xf32, #tpu.memory_space<vmem>> -> memref<1x1x128x64xf32, #tpu.memory_space<vmem>>
      %dma_wait3A_347 = tpu.memref_squeeze %dma_wait3A_346 : memref<1x1x128x64xf32, #tpu.memory_space<vmem>> -> memref<128x64xf32, #tpu.memory_space<vmem>>
      %dma_wait3A_348 = tpu.memref_slice %arg5[%dma_wait3A_340, %mul3A_339] : memref<4x6400xi32, #tpu.memory_space<vmem>> -> memref<1x128xi32, #tpu.memory_space<vmem>>
      %dma_wait3A_349 = tpu.memref_squeeze %dma_wait3A_348 : memref<1x128xi32, #tpu.memory_space<vmem>> -> memref<128xi32, #tpu.memory_space<vmem>>
      %dma_wait3A_350 = arith.constant 0 : i32
      %dma_wait3A_351 = arith.constant 0 : i32
      %dma_wait3A_352 = tpu.memref_slice %arg3[%dma_wait3A_350, %dma_wait3A_351] : memref<409600x64xf32, #tpu.memory_space<hbm>> -> memref<409600x64xf32, #tpu.memory_space<hbm>>
      %dma_wait3A_353 = tpu.memref_slice %arg8[%dma_wait3A_343] : memref<2x!tpu.dma_semaphore, #tpu.memory_space<semaphore_mem>> -> memref<1x!tpu.dma_semaphore, #tpu.memory_space<semaphore_mem>>
      %dma_wait3A_354 = tpu.memref_squeeze %dma_wait3A_353 : memref<1x!tpu.dma_semaphore, #tpu.memory_space<semaphore_mem>> -> memref<!tpu.dma_semaphore, #tpu.memory_space<semaphore_mem>>
      tpu.wait_indirect_dma semaphore(%dma_wait3A_354 : memref<!tpu.dma_semaphore, #tpu.memory_space<semaphore_mem>>) src(%dma_wait3A_352 : memref<409600x64xf32, #tpu.memory_space<hbm>>) dst(%dma_wait3A_347 : memref<128x64xf32, #tpu.memory_space<vmem>>)
      %ge3A_355 = arith.constant 2 : i32
      %ge3A_356 = arith.cmpi sge, %add3A_279, %ge3A_355 : i32
      %convert_element_type3A_357 = arith.extui %ge3A_356 : i1 to i32
      %cond3A_358 = arith.constant 0 : i32
      %cond3A_359 = arith.cmpi ne, %convert_element_type3A_357, %cond3A_358 : i32
      scf.if %cond3A_359 {
        %sub3A_409 = arith.constant 2 : i32
        %sub3A_410 = arith.subi %add3A_279, %sub3A_409 : i32
        %mul3A_411 = arith.constant 128 : i32
        %mul3A_412 = arith.muli %sub3A_410, %mul3A_411 : i32
        %add3A_413 = arith.addi %mul3A_2, %mul3A_412 : i32
        %jit3A_414 = arith.constant 2 : i32
        %div3A_415 = arith.divsi %add3A_413, %jit3A_414 : i32
        %sign3A_416 = arith.constant 0 : i32
        %sign3A_417 = arith.cmpi sgt, %add3A_413, %sign3A_416 : i32
        %sign3A_418 = arith.extui %sign3A_417 : i1 to i32
        %sign3A_419 = arith.constant 0 : i32
        %sign3A_420 = arith.cmpi slt, %add3A_413, %sign3A_419 : i32
        %sign3A_421 = arith.extui %sign3A_420 : i1 to i32
        %sign3A_422 = arith.subi %sign3A_418, %sign3A_421 : i32
        %sign3A_423 = arith.constant 0 : i32
        %sign3A_424 = arith.cmpi sgt, %jit3A_414, %sign3A_423 : i32
        %sign3A_425 = arith.extui %sign3A_424 : i1 to i32
        %sign3A_426 = arith.constant 0 : i32
        %sign3A_427 = arith.cmpi slt, %jit3A_414, %sign3A_426 : i32
        %sign3A_428 = arith.extui %sign3A_427 : i1 to i32
        %sign3A_429 = arith.subi %sign3A_425, %sign3A_428 : i32
        %ne3A_430 = arith.cmpi ne, %sign3A_422, %sign3A_429 : i32
        %rem3A_431 = arith.remsi %add3A_413, %jit3A_414 : i32
        %ne3A_432 = arith.constant 0 : i32
        %ne3A_433 = arith.cmpi ne, %rem3A_431, %ne3A_432 : i32
        %and3A_434 = arith.andi %ne3A_430, %ne3A_433 : i1
        %sub3A_435 = arith.constant 1 : i32
        %sub3A_436 = arith.subi %div3A_415, %sub3A_435 : i32
        %select_n3A_437 = arith.select %and3A_434, %sub3A_436, %div3A_415 : i32
        %dma_wait3A_438 = arith.constant 1 : i32
        %dma_wait3A_439 = arith.constant 1 : i32
        %dma_wait3A_440 = arith.constant 0 : i32
        %dma_wait3A_441 = arith.constant 0 : i32
        %dma_wait3A_442 = tpu.memref_slice %arg7[%dma_wait3A_438, %dma_wait3A_440, %dma_wait3A_441] : memref<2x64x128xf32, #tpu.memory_space<vmem>> -> memref<1x64x128xf32, #tpu.memory_space<vmem>>
        %dma_wait3A_443 = tpu.memref_squeeze %dma_wait3A_442 : memref<1x64x128xf32, #tpu.memory_space<vmem>> -> memref<64x128xf32, #tpu.memory_space<vmem>>
        %dma_wait3A_444 = arith.constant 0 : i32
        %dma_wait3A_445 = tpu.memref_slice %arg4[%select_n3A_437, %dma_wait3A_444] : memref<102400x128xf32, #tpu.memory_space<hbm>> -> memref<64x128xf32, #tpu.memory_space<hbm>>
        %dma_wait3A_446 = tpu.memref_slice %arg9[%dma_wait3A_439] : memref<2x!tpu.dma_semaphore, #tpu.memory_space<semaphore_mem>> -> memref<1x!tpu.dma_semaphore, #tpu.memory_space<semaphore_mem>>
        %dma_wait3A_447 = tpu.memref_squeeze %dma_wait3A_446 : memref<1x!tpu.dma_semaphore, #tpu.memory_space<semaphore_mem>> -> memref<!tpu.dma_semaphore, #tpu.memory_space<semaphore_mem>>
        %dma_wait3A_448 = arith.constant 0 : i32
        %dma_wait3A_449 = tpu.memref_slice %arg4[%select_n3A_437, %dma_wait3A_448] : memref<102400x128xf32, #tpu.memory_space<hbm>> -> memref<64x128xf32, #tpu.memory_space<hbm>>
        %dma_wait3A_450 = arith.constant 0 : i32
        %dma_wait3A_451 = arith.constant 0 : i32
        %dma_wait3A_452 = tpu.memref_slice %arg7[%dma_wait3A_438, %dma_wait3A_450, %dma_wait3A_451] : memref<2x64x128xf32, #tpu.memory_space<vmem>> -> memref<1x64x128xf32, #tpu.memory_space<vmem>>
        %dma_wait3A_453 = tpu.memref_squeeze %dma_wait3A_452 : memref<1x64x128xf32, #tpu.memory_space<vmem>> -> memref<64x128xf32, #tpu.memory_space<vmem>>
        tpu.wait_dma2 semaphore(%dma_wait3A_447 : memref<!tpu.dma_semaphore, #tpu.memory_space<semaphore_mem>>) src(%dma_wait3A_453 : memref<64x128xf32, #tpu.memory_space<vmem>>) dst(%dma_wait3A_449 : memref<64x128xf32, #tpu.memory_space<hbm>>)
      } else {
      }
      %scan3A_360 = arith.constant 0 : i32
      %scan3A_361 = arith.constant 0 : i32
      %scan3A_362 = arith.constant 64 : i32
      %scan3A_363 = arith.addi %scan3A_361, %scan3A_362 : i32
      %scan3A_364 = arith.constant 2 : i32
      scf.for %scan3A_409 = %scan3A_361 to %scan3A_363 step %scan3A_364  : i32 {
        %mul3A_410 = arith.constant 2 : i32
        %mul3A_411 = arith.muli %mul3A_410, %scan3A_409 : i32
        %add3A_412 = arith.constant 0 : i32
        %add3A_413 = arith.addi %mul3A_411, %add3A_412 : i32
        %get3A = arith.constant 1 : i32
        %get3A_414 = arith.constant 0 : i32
        %get3A_415 = arith.index_cast %get3A : i32 to index
        %get3A_416 = arith.index_cast %get3A_414 : i32 to index
        %get3A_417 = arith.index_cast %add3A_413 : i32 to index
        %get3A_418 = arith.constant 0 : index
        %get3A_419 = tpu.vector_load %arg6[%get3A_415, %get3A_416, %get3A_417, %get3A_418] {strides = array<i32>} : memref<2x4x128x64xf32, #tpu.memory_space<vmem>>, vector<1x1x1x16xf32>,
        %get3A_420 = vector.shape_cast %get3A_419 : vector<1x1x1x16xf32> to vector<16xf32>
        %get3A_421 = arith.constant 1 : i32
        %get3A_422 = arith.constant 1 : i32
        %get3A_423 = arith.index_cast %get3A_421 : i32 to index
        %get3A_424 = arith.index_cast %get3A_422 : i32 to index
        %get3A_425 = arith.index_cast %add3A_413 : i32 to index
        %get3A_426 = arith.constant 0 : index
        %get3A_427 = tpu.vector_load %arg6[%get3A_423, %get3A_424, %get3A_425, %get3A_426] {strides = array<i32>} : memref<2x4x128x64xf32, #tpu.memory_space<vmem>>, vector<1x1x1x16xf32>,
        %get3A_428 = vector.shape_cast %get3A_427 : vector<1x1x1x16xf32> to vector<16xf32>
        %add3A_429 = arith.addf %get3A_420, %get3A_428 : vector<16xf32>
        %get3A_430 = arith.constant 1 : i32
        %get3A_431 = arith.constant 2 : i32
        %get3A_432 = arith.index_cast %get3A_430 : i32 to index
        %get3A_433 = arith.index_cast %get3A_431 : i32 to index
        %get3A_434 = arith.index_cast %add3A_413 : i32 to index
        %get3A_435 = arith.constant 0 : index
        %get3A_436 = tpu.vector_load %arg6[%get3A_432, %get3A_433, %get3A_434, %get3A_435] {strides = array<i32>} : memref<2x4x128x64xf32, #tpu.memory_space<vmem>>, vector<1x1x1x16xf32>,
        %get3A_437 = vector.shape_cast %get3A_436 : vector<1x1x1x16xf32> to vector<16xf32>
        %add3A_438 = arith.addf %add3A_429, %get3A_437 : vector<16xf32>
        %get3A_439 = arith.constant 1 : i32
        %get3A_440 = arith.constant 3 : i32
        %get3A_441 = arith.index_cast %get3A_439 : i32 to index
        %get3A_442 = arith.index_cast %get3A_440 : i32 to index
        %get3A_443 = arith.index_cast %add3A_413 : i32 to index
        %get3A_444 = arith.constant 0 : index
        %get3A_445 = tpu.vector_load %arg6[%get3A_441, %get3A_442, %get3A_443, %get3A_444] {strides = array<i32>} : memref<2x4x128x64xf32, #tpu.memory_space<vmem>>, vector<1x1x1x16xf32>,
        %get3A_446 = vector.shape_cast %get3A_445 : vector<1x1x1x16xf32> to vector<16xf32>
        %add3A_447 = arith.addf %add3A_438, %get3A_446 : vector<16xf32>
        %swap3A = arith.constant 1 : i32
        %swap3A_448 = arith.index_cast %swap3A : i32 to index
        %swap3A_449 = arith.index_cast %scan3A_409 : i32 to index
        %swap3A_450 = arith.constant 0 : index
        %swap3A_451 = tpu.vector_load %arg7[%swap3A_448, %swap3A_449, %swap3A_450] {strides = array<i32>} : memref<2x64x128xf32, #tpu.memory_space<vmem>>, vector<1x1x16xf32>,
        %swap3A_452 = vector.shape_cast %swap3A_451 : vector<1x1x16xf32> to vector<16xf32>
        %swap3A_453 = vector.shape_cast %add3A_447 : vector<16xf32> to vector<1x1x16xf32>
        tpu.vector_store %arg7[%swap3A_448, %swap3A_449, %swap3A_450], %swap3A_453 {strides = array<i32>} : memref<2x64x128xf32, #tpu.memory_space<vmem>>, vector<1x1x16xf32>,
        %get3A_454 = arith.constant 1 : i32
        %get3A_455 = arith.constant 0 : i32
        %get3A_456 = arith.index_cast %get3A_454 : i32 to index
        %get3A_457 = arith.index_cast %get3A_455 : i32 to index
        %get3A_458 = arith.index_cast %add3A_413 : i32 to index
        %get3A_459 = arith.constant 16 : index
        %get3A_460 = tpu.vector_load %arg6[%get3A_456, %get3A_457, %get3A_458, %get3A_459] {strides = array<i32>} : memref<2x4x128x64xf32, #tpu.memory_space<vmem>>, vector<1x1x1x16xf32>,
        %get3A_461 = vector.shape_cast %get3A_460 : vector<1x1x1x16xf32> to vector<16xf32>
        %get3A_462 = arith.constant 1 : i32
        %get3A_463 = arith.constant 1 : i32
        %get3A_464 = arith.index_cast %get3A_462 : i32 to index
        %get3A_465 = arith.index_cast %get3A_463 : i32 to index
        %get3A_466 = arith.index_cast %add3A_413 : i32 to index
        %get3A_467 = arith.constant 16 : index
        %get3A_468 = tpu.vector_load %arg6[%get3A_464, %get3A_465, %get3A_466, %get3A_467] {strides = array<i32>} : memref<2x4x128x64xf32, #tpu.memory_space<vmem>>, vector<1x1x1x16xf32>,
        %get3A_469 = vector.shape_cast %get3A_468 : vector<1x1x1x16xf32> to vector<16xf32>
        %add3A_470 = arith.addf %get3A_461, %get3A_469 : vector<16xf32>
        %get3A_471 = arith.constant 1 : i32
        %get3A_472 = arith.constant 2 : i32
        %get3A_473 = arith.index_cast %get3A_471 : i32 to index
        %get3A_474 = arith.index_cast %get3A_472 : i32 to index
        %get3A_475 = arith.index_cast %add3A_413 : i32 to index
        %get3A_476 = arith.constant 16 : index
        %get3A_477 = tpu.vector_load %arg6[%get3A_473, %get3A_474, %get3A_475, %get3A_476] {strides = array<i32>} : memref<2x4x128x64xf32, #tpu.memory_space<vmem>>, vector<1x1x1x16xf32>,
        %get3A_478 = vector.shape_cast %get3A_477 : vector<1x1x1x16xf32> to vector<16xf32>
        %add3A_479 = arith.addf %add3A_470, %get3A_478 : vector<16xf32>
        %get3A_480 = arith.constant 1 : i32
        %get3A_481 = arith.constant 3 : i32
        %get3A_482 = arith.index_cast %get3A_480 : i32 to index
        %get3A_483 = arith.index_cast %get3A_481 : i32 to index
        %get3A_484 = arith.index_cast %add3A_413 : i32 to index
        %get3A_485 = arith.constant 16 : index
        %get3A_486 = tpu.vector_load %arg6[%get3A_482, %get3A_483, %get3A_484, %get3A_485] {strides = array<i32>} : memref<2x4x128x64xf32, #tpu.memory_space<vmem>>, vector<1x1x1x16xf32>,
        %get3A_487 = vector.shape_cast %get3A_486 : vector<1x1x1x16xf32> to vector<16xf32>
        %add3A_488 = arith.addf %add3A_479, %get3A_487 : vector<16xf32>
        %swap3A_489 = arith.constant 1 : i32
        %swap3A_490 = arith.index_cast %swap3A_489 : i32 to index
        %swap3A_491 = arith.index_cast %scan3A_409 : i32 to index
        %swap3A_492 = arith.constant 16 : index
        %swap3A_493 = tpu.vector_load %arg7[%swap3A_490, %swap3A_491, %swap3A_492] {strides = array<i32>} : memref<2x64x128xf32, #tpu.memory_space<vmem>>, vector<1x1x16xf32>,
        %swap3A_494 = vector.shape_cast %swap3A_493 : vector<1x1x16xf32> to vector<16xf32>
        %swap3A_495 = vector.shape_cast %add3A_488 : vector<16xf32> to vector<1x1x16xf32>
        tpu.vector_store %arg7[%swap3A_490, %swap3A_491, %swap3A_492], %swap3A_495 {strides = array<i32>} : memref<2x64x128xf32, #tpu.memory_space<vmem>>, vector<1x1x16xf32>,
        %get3A_496 = arith.constant 1 : i32
        %get3A_497 = arith.constant 0 : i32
        %get3A_498 = arith.index_cast %get3A_496 : i32 to index
        %get3A_499 = arith.index_cast %get3A_497 : i32 to index
        %get3A_500 = arith.index_cast %add3A_413 : i32 to index
        %get3A_501 = arith.constant 32 : index
        %get3A_502 = tpu.vector_load %arg6[%get3A_498, %get3A_499, %get3A_500, %get3A_501] {strides = array<i32>} : memref<2x4x128x64xf32, #tpu.memory_space<vmem>>, vector<1x1x1x16xf32>,
        %get3A_503 = vector.shape_cast %get3A_502 : vector<1x1x1x16xf32> to vector<16xf32>
        %get3A_504 = arith.constant 1 : i32
        %get3A_505 = arith.constant 1 : i32
        %get3A_506 = arith.index_cast %get3A_504 : i32 to index
        %get3A_507 = arith.index_cast %get3A_505 : i32 to index
        %get3A_508 = arith.index_cast %add3A_413 : i32 to index
        %get3A_509 = arith.constant 32 : index
        %get3A_510 = tpu.vector_load %arg6[%get3A_506, %get3A_507, %get3A_508, %get3A_509] {strides = array<i32>} : memref<2x4x128x64xf32, #tpu.memory_space<vmem>>, vector<1x1x1x16xf32>,
        %get3A_511 = vector.shape_cast %get3A_510 : vector<1x1x1x16xf32> to vector<16xf32>
        %add3A_512 = arith.addf %get3A_503, %get3A_511 : vector<16xf32>
        %get3A_513 = arith.constant 1 : i32
        %get3A_514 = arith.constant 2 : i32
        %get3A_515 = arith.index_cast %get3A_513 : i32 to index
        %get3A_516 = arith.index_cast %get3A_514 : i32 to index
        %get3A_517 = arith.index_cast %add3A_413 : i32 to index
        %get3A_518 = arith.constant 32 : index
        %get3A_519 = tpu.vector_load %arg6[%get3A_515, %get3A_516, %get3A_517, %get3A_518] {strides = array<i32>} : memref<2x4x128x64xf32, #tpu.memory_space<vmem>>, vector<1x1x1x16xf32>,
        %get3A_520 = vector.shape_cast %get3A_519 : vector<1x1x1x16xf32> to vector<16xf32>
        %add3A_521 = arith.addf %add3A_512, %get3A_520 : vector<16xf32>
        %get3A_522 = arith.constant 1 : i32
        %get3A_523 = arith.constant 3 : i32
        %get3A_524 = arith.index_cast %get3A_522 : i32 to index
        %get3A_525 = arith.index_cast %get3A_523 : i32 to index
        %get3A_526 = arith.index_cast %add3A_413 : i32 to index
        %get3A_527 = arith.constant 32 : index
        %get3A_528 = tpu.vector_load %arg6[%get3A_524, %get3A_525, %get3A_526, %get3A_527] {strides = array<i32>} : memref<2x4x128x64xf32, #tpu.memory_space<vmem>>, vector<1x1x1x16xf32>,
        %get3A_529 = vector.shape_cast %get3A_528 : vector<1x1x1x16xf32> to vector<16xf32>
        %add3A_530 = arith.addf %add3A_521, %get3A_529 : vector<16xf32>
        %swap3A_531 = arith.constant 1 : i32
        %swap3A_532 = arith.index_cast %swap3A_531 : i32 to index
        %swap3A_533 = arith.index_cast %scan3A_409 : i32 to index
        %swap3A_534 = arith.constant 32 : index
        %swap3A_535 = tpu.vector_load %arg7[%swap3A_532, %swap3A_533, %swap3A_534] {strides = array<i32>} : memref<2x64x128xf32, #tpu.memory_space<vmem>>, vector<1x1x16xf32>,
        %swap3A_536 = vector.shape_cast %swap3A_535 : vector<1x1x16xf32> to vector<16xf32>
        %swap3A_537 = vector.shape_cast %add3A_530 : vector<16xf32> to vector<1x1x16xf32>
        tpu.vector_store %arg7[%swap3A_532, %swap3A_533, %swap3A_534], %swap3A_537 {strides = array<i32>} : memref<2x64x128xf32, #tpu.memory_space<vmem>>, vector<1x1x16xf32>,
        %get3A_538 = arith.constant 1 : i32
        %get3A_539 = arith.constant 0 : i32
        %get3A_540 = arith.index_cast %get3A_538 : i32 to index
        %get3A_541 = arith.index_cast %get3A_539 : i32 to index
        %get3A_542 = arith.index_cast %add3A_413 : i32 to index
        %get3A_543 = arith.constant 48 : index
        %get3A_544 = tpu.vector_load %arg6[%get3A_540, %get3A_541, %get3A_542, %get3A_543] {strides = array<i32>} : memref<2x4x128x64xf32, #tpu.memory_space<vmem>>, vector<1x1x1x16xf32>,
        %get3A_545 = vector.shape_cast %get3A_544 : vector<1x1x1x16xf32> to vector<16xf32>
        %get3A_546 = arith.constant 1 : i32
        %get3A_547 = arith.constant 1 : i32
        %get3A_548 = arith.index_cast %get3A_546 : i32 to index
        %get3A_549 = arith.index_cast %get3A_547 : i32 to index
        %get3A_550 = arith.index_cast %add3A_413 : i32 to index
        %get3A_551 = arith.constant 48 : index
        %get3A_552 = tpu.vector_load %arg6[%get3A_548, %get3A_549, %get3A_550, %get3A_551] {strides = array<i32>} : memref<2x4x128x64xf32, #tpu.memory_space<vmem>>, vector<1x1x1x16xf32>,
        %get3A_553 = vector.shape_cast %get3A_552 : vector<1x1x1x16xf32> to vector<16xf32>
        %add3A_554 = arith.addf %get3A_545, %get3A_553 : vector<16xf32>
        %get3A_555 = arith.constant 1 : i32
        %get3A_556 = arith.constant 2 : i32
        %get3A_557 = arith.index_cast %get3A_555 : i32 to index
        %get3A_558 = arith.index_cast %get3A_556 : i32 to index
        %get3A_559 = arith.index_cast %add3A_413 : i32 to index
        %get3A_560 = arith.constant 48 : index
        %get3A_561 = tpu.vector_load %arg6[%get3A_557, %get3A_558, %get3A_559, %get3A_560] {strides = array<i32>} : memref<2x4x128x64xf32, #tpu.memory_space<vmem>>, vector<1x1x1x16xf32>,
        %get3A_562 = vector.shape_cast %get3A_561 : vector<1x1x1x16xf32> to vector<16xf32>
        %add3A_563 = arith.addf %add3A_554, %get3A_562 : vector<16xf32>
        %get3A_564 = arith.constant 1 : i32
        %get3A_565 = arith.constant 3 : i32
        %get3A_566 = arith.index_cast %get3A_564 : i32 to index
        %get3A_567 = arith.index_cast %get3A_565 : i32 to index
        %get3A_568 = arith.index_cast %add3A_413 : i32 to index
        %get3A_569 = arith.constant 48 : index
        %get3A_570 = tpu.vector_load %arg6[%get3A_566, %get3A_567, %get3A_568, %get3A_569] {strides = array<i32>} : memref<2x4x128x64xf32, #tpu.memory_space<vmem>>, vector<1x1x1x16xf32>,
        %get3A_571 = vector.shape_cast %get3A_570 : vector<1x1x1x16xf32> to vector<16xf32>
        %add3A_572 = arith.addf %add3A_563, %get3A_571 : vector<16xf32>
        %swap3A_573 = arith.constant 1 : i32
        %swap3A_574 = arith.index_cast %swap3A_573 : i32 to index
        %swap3A_575 = arith.index_cast %scan3A_409 : i32 to index
        %swap3A_576 = arith.constant 48 : index
        %swap3A_577 = tpu.vector_load %arg7[%swap3A_574, %swap3A_575, %swap3A_576] {strides = array<i32>} : memref<2x64x128xf32, #tpu.memory_space<vmem>>, vector<1x1x16xf32>,
        %swap3A_578 = vector.shape_cast %swap3A_577 : vector<1x1x16xf32> to vector<16xf32>
        %swap3A_579 = vector.shape_cast %add3A_572 : vector<16xf32> to vector<1x1x16xf32>
        tpu.vector_store %arg7[%swap3A_574, %swap3A_575, %swap3A_576], %swap3A_579 {strides = array<i32>} : memref<2x64x128xf32, #tpu.memory_space<vmem>>, vector<1x1x16xf32>,
        %mul3A_580 = arith.constant 2 : i32
        %mul3A_581 = arith.muli %mul3A_580, %scan3A_409 : i32
        %add3A_582 = arith.constant 1 : i32
        %add3A_583 = arith.addi %mul3A_581, %add3A_582 : i32
        %get3A_584 = arith.constant 1 : i32
        %get3A_585 = arith.constant 0 : i32
        %get3A_586 = arith.index_cast %get3A_584 : i32 to index
        %get3A_587 = arith.index_cast %get3A_585 : i32 to index
        %get3A_588 = arith.index_cast %add3A_583 : i32 to index
        %get3A_589 = arith.constant 0 : index
        %get3A_590 = tpu.vector_load %arg6[%get3A_586, %get3A_587, %get3A_588, %get3A_589] {strides = array<i32>} : memref<2x4x128x64xf32, #tpu.memory_space<vmem>>, vector<1x1x1x16xf32>,
        %get3A_591 = vector.shape_cast %get3A_590 : vector<1x1x1x16xf32> to vector<16xf32>
        %get3A_592 = arith.constant 1 : i32
        %get3A_593 = arith.constant 1 : i32
        %get3A_594 = arith.index_cast %get3A_592 : i32 to index
        %get3A_595 = arith.index_cast %get3A_593 : i32 to index
        %get3A_596 = arith.index_cast %add3A_583 : i32 to index
        %get3A_597 = arith.constant 0 : index
        %get3A_598 = tpu.vector_load %arg6[%get3A_594, %get3A_595, %get3A_596, %get3A_597] {strides = array<i32>} : memref<2x4x128x64xf32, #tpu.memory_space<vmem>>, vector<1x1x1x16xf32>,
        %get3A_599 = vector.shape_cast %get3A_598 : vector<1x1x1x16xf32> to vector<16xf32>
        %add3A_600 = arith.addf %get3A_591, %get3A_599 : vector<16xf32>
        %get3A_601 = arith.constant 1 : i32
        %get3A_602 = arith.constant 2 : i32
        %get3A_603 = arith.index_cast %get3A_601 : i32 to index
        %get3A_604 = arith.index_cast %get3A_602 : i32 to index
        %get3A_605 = arith.index_cast %add3A_583 : i32 to index
        %get3A_606 = arith.constant 0 : index
        %get3A_607 = tpu.vector_load %arg6[%get3A_603, %get3A_604, %get3A_605, %get3A_606] {strides = array<i32>} : memref<2x4x128x64xf32, #tpu.memory_space<vmem>>, vector<1x1x1x16xf32>,
        %get3A_608 = vector.shape_cast %get3A_607 : vector<1x1x1x16xf32> to vector<16xf32>
        %add3A_609 = arith.addf %add3A_600, %get3A_608 : vector<16xf32>
        %get3A_610 = arith.constant 1 : i32
        %get3A_611 = arith.constant 3 : i32
        %get3A_612 = arith.index_cast %get3A_610 : i32 to index
        %get3A_613 = arith.index_cast %get3A_611 : i32 to index
        %get3A_614 = arith.index_cast %add3A_583 : i32 to index
        %get3A_615 = arith.constant 0 : index
        %get3A_616 = tpu.vector_load %arg6[%get3A_612, %get3A_613, %get3A_614, %get3A_615] {strides = array<i32>} : memref<2x4x128x64xf32, #tpu.memory_space<vmem>>, vector<1x1x1x16xf32>,
        %get3A_617 = vector.shape_cast %get3A_616 : vector<1x1x1x16xf32> to vector<16xf32>
        %add3A_618 = arith.addf %add3A_609, %get3A_617 : vector<16xf32>
        %swap3A_619 = arith.constant 1 : i32
        %swap3A_620 = arith.index_cast %swap3A_619 : i32 to index
        %swap3A_621 = arith.index_cast %scan3A_409 : i32 to index
        %swap3A_622 = arith.constant 64 : index
        %swap3A_623 = tpu.vector_load %arg7[%swap3A_620, %swap3A_621, %swap3A_622] {strides = array<i32>} : memref<2x64x128xf32, #tpu.memory_space<vmem>>, vector<1x1x16xf32>,
        %swap3A_624 = vector.shape_cast %swap3A_623 : vector<1x1x16xf32> to vector<16xf32>
        %swap3A_625 = vector.shape_cast %add3A_618 : vector<16xf32> to vector<1x1x16xf32>
        tpu.vector_store %arg7[%swap3A_620, %swap3A_621, %swap3A_622], %swap3A_625 {strides = array<i32>} : memref<2x64x128xf32, #tpu.memory_space<vmem>>, vector<1x1x16xf32>,
        %get3A_626 = arith.constant 1 : i32
        %get3A_627 = arith.constant 0 : i32
        %get3A_628 = arith.index_cast %get3A_626 : i32 to index
        %get3A_629 = arith.index_cast %get3A_627 : i32 to index
        %get3A_630 = arith.index_cast %add3A_583 : i32 to index
        %get3A_631 = arith.constant 16 : index
        %get3A_632 = tpu.vector_load %arg6[%get3A_628, %get3A_629, %get3A_630, %get3A_631] {strides = array<i32>} : memref<2x4x128x64xf32, #tpu.memory_space<vmem>>, vector<1x1x1x16xf32>,
        %get3A_633 = vector.shape_cast %get3A_632 : vector<1x1x1x16xf32> to vector<16xf32>
        %get3A_634 = arith.constant 1 : i32
        %get3A_635 = arith.constant 1 : i32
        %get3A_636 = arith.index_cast %get3A_634 : i32 to index
        %get3A_637 = arith.index_cast %get3A_635 : i32 to index
        %get3A_638 = arith.index_cast %add3A_583 : i32 to index
        %get3A_639 = arith.constant 16 : index
        %get3A_640 = tpu.vector_load %arg6[%get3A_636, %get3A_637, %get3A_638, %get3A_639] {strides = array<i32>} : memref<2x4x128x64xf32, #tpu.memory_space<vmem>>, vector<1x1x1x16xf32>,
        %get3A_641 = vector.shape_cast %get3A_640 : vector<1x1x1x16xf32> to vector<16xf32>
        %add3A_642 = arith.addf %get3A_633, %get3A_641 : vector<16xf32>
        %get3A_643 = arith.constant 1 : i32
        %get3A_644 = arith.constant 2 : i32
        %get3A_645 = arith.index_cast %get3A_643 : i32 to index
        %get3A_646 = arith.index_cast %get3A_644 : i32 to index
        %get3A_647 = arith.index_cast %add3A_583 : i32 to index
        %get3A_648 = arith.constant 16 : index
        %get3A_649 = tpu.vector_load %arg6[%get3A_645, %get3A_646, %get3A_647, %get3A_648] {strides = array<i32>} : memref<2x4x128x64xf32, #tpu.memory_space<vmem>>, vector<1x1x1x16xf32>,
        %get3A_650 = vector.shape_cast %get3A_649 : vector<1x1x1x16xf32> to vector<16xf32>
        %add3A_651 = arith.addf %add3A_642, %get3A_650 : vector<16xf32>
        %get3A_652 = arith.constant 1 : i32
        %get3A_653 = arith.constant 3 : i32
        %get3A_654 = arith.index_cast %get3A_652 : i32 to index
        %get3A_655 = arith.index_cast %get3A_653 : i32 to index
        %get3A_656 = arith.index_cast %add3A_583 : i32 to index
        %get3A_657 = arith.constant 16 : index
        %get3A_658 = tpu.vector_load %arg6[%get3A_654, %get3A_655, %get3A_656, %get3A_657] {strides = array<i32>} : memref<2x4x128x64xf32, #tpu.memory_space<vmem>>, vector<1x1x1x16xf32>,
        %get3A_659 = vector.shape_cast %get3A_658 : vector<1x1x1x16xf32> to vector<16xf32>
        %add3A_660 = arith.addf %add3A_651, %get3A_659 : vector<16xf32>
        %swap3A_661 = arith.constant 1 : i32
        %swap3A_662 = arith.index_cast %swap3A_661 : i32 to index
        %swap3A_663 = arith.index_cast %scan3A_409 : i32 to index
        %swap3A_664 = arith.constant 80 : index
        %swap3A_665 = tpu.vector_load %arg7[%swap3A_662, %swap3A_663, %swap3A_664] {strides = array<i32>} : memref<2x64x128xf32, #tpu.memory_space<vmem>>, vector<1x1x16xf32>,
        %swap3A_666 = vector.shape_cast %swap3A_665 : vector<1x1x16xf32> to vector<16xf32>
        %swap3A_667 = vector.shape_cast %add3A_660 : vector<16xf32> to vector<1x1x16xf32>
        tpu.vector_store %arg7[%swap3A_662, %swap3A_663, %swap3A_664], %swap3A_667 {strides = array<i32>} : memref<2x64x128xf32, #tpu.memory_space<vmem>>, vector<1x1x16xf32>,
        %get3A_668 = arith.constant 1 : i32
        %get3A_669 = arith.constant 0 : i32
        %get3A_670 = arith.index_cast %get3A_668 : i32 to index
        %get3A_671 = arith.index_cast %get3A_669 : i32 to index
        %get3A_672 = arith.index_cast %add3A_583 : i32 to index
        %get3A_673 = arith.constant 32 : index
        %get3A_674 = tpu.vector_load %arg6[%get3A_670, %get3A_671, %get3A_672, %get3A_673] {strides = array<i32>} : memref<2x4x128x64xf32, #tpu.memory_space<vmem>>, vector<1x1x1x16xf32>,
        %get3A_675 = vector.shape_cast %get3A_674 : vector<1x1x1x16xf32> to vector<16xf32>
        %get3A_676 = arith.constant 1 : i32
        %get3A_677 = arith.constant 1 : i32
        %get3A_678 = arith.index_cast %get3A_676 : i32 to index
        %get3A_679 = arith.index_cast %get3A_677 : i32 to index
        %get3A_680 = arith.index_cast %add3A_583 : i32 to index
        %get3A_681 = arith.constant 32 : index
        %get3A_682 = tpu.vector_load %arg6[%get3A_678, %get3A_679, %get3A_680, %get3A_681] {strides = array<i32>} : memref<2x4x128x64xf32, #tpu.memory_space<vmem>>, vector<1x1x1x16xf32>,
        %get3A_683 = vector.shape_cast %get3A_682 : vector<1x1x1x16xf32> to vector<16xf32>
        %add3A_684 = arith.addf %get3A_675, %get3A_683 : vector<16xf32>
        %get3A_685 = arith.constant 1 : i32
        %get3A_686 = arith.constant 2 : i32
        %get3A_687 = arith.index_cast %get3A_685 : i32 to index
        %get3A_688 = arith.index_cast %get3A_686 : i32 to index
        %get3A_689 = arith.index_cast %add3A_583 : i32 to index
        %get3A_690 = arith.constant 32 : index
        %get3A_691 = tpu.vector_load %arg6[%get3A_687, %get3A_688, %get3A_689, %get3A_690] {strides = array<i32>} : memref<2x4x128x64xf32, #tpu.memory_space<vmem>>, vector<1x1x1x16xf32>,
        %get3A_692 = vector.shape_cast %get3A_691 : vector<1x1x1x16xf32> to vector<16xf32>
        %add3A_693 = arith.addf %add3A_684, %get3A_692 : vector<16xf32>
        %get3A_694 = arith.constant 1 : i32
        %get3A_695 = arith.constant 3 : i32
        %get3A_696 = arith.index_cast %get3A_694 : i32 to index
        %get3A_697 = arith.index_cast %get3A_695 : i32 to index
        %get3A_698 = arith.index_cast %add3A_583 : i32 to index
        %get3A_699 = arith.constant 32 : index
        %get3A_700 = tpu.vector_load %arg6[%get3A_696, %get3A_697, %get3A_698, %get3A_699] {strides = array<i32>} : memref<2x4x128x64xf32, #tpu.memory_space<vmem>>, vector<1x1x1x16xf32>,
        %get3A_701 = vector.shape_cast %get3A_700 : vector<1x1x1x16xf32> to vector<16xf32>
        %add3A_702 = arith.addf %add3A_693, %get3A_701 : vector<16xf32>
        %swap3A_703 = arith.constant 1 : i32
        %swap3A_704 = arith.index_cast %swap3A_703 : i32 to index
        %swap3A_705 = arith.index_cast %scan3A_409 : i32 to index
        %swap3A_706 = arith.constant 96 : index
        %swap3A_707 = tpu.vector_load %arg7[%swap3A_704, %swap3A_705, %swap3A_706] {strides = array<i32>} : memref<2x64x128xf32, #tpu.memory_space<vmem>>, vector<1x1x16xf32>,
        %swap3A_708 = vector.shape_cast %swap3A_707 : vector<1x1x16xf32> to vector<16xf32>
        %swap3A_709 = vector.shape_cast %add3A_702 : vector<16xf32> to vector<1x1x16xf32>
        tpu.vector_store %arg7[%swap3A_704, %swap3A_705, %swap3A_706], %swap3A_709 {strides = array<i32>} : memref<2x64x128xf32, #tpu.memory_space<vmem>>, vector<1x1x16xf32>,
        %get3A_710 = arith.constant 1 : i32
        %get3A_711 = arith.constant 0 : i32
        %get3A_712 = arith.index_cast %get3A_710 : i32 to index
        %get3A_713 = arith.index_cast %get3A_711 : i32 to index
        %get3A_714 = arith.index_cast %add3A_583 : i32 to index
        %get3A_715 = arith.constant 48 : index
        %get3A_716 = tpu.vector_load %arg6[%get3A_712, %get3A_713, %get3A_714, %get3A_715] {strides = array<i32>} : memref<2x4x128x64xf32, #tpu.memory_space<vmem>>, vector<1x1x1x16xf32>,
        %get3A_717 = vector.shape_cast %get3A_716 : vector<1x1x1x16xf32> to vector<16xf32>
        %get3A_718 = arith.constant 1 : i32
        %get3A_719 = arith.constant 1 : i32
        %get3A_720 = arith.index_cast %get3A_718 : i32 to index
        %get3A_721 = arith.index_cast %get3A_719 : i32 to index
        %get3A_722 = arith.index_cast %add3A_583 : i32 to index
        %get3A_723 = arith.constant 48 : index
        %get3A_724 = tpu.vector_load %arg6[%get3A_720, %get3A_721, %get3A_722, %get3A_723] {strides = array<i32>} : memref<2x4x128x64xf32, #tpu.memory_space<vmem>>, vector<1x1x1x16xf32>,
        %get3A_725 = vector.shape_cast %get3A_724 : vector<1x1x1x16xf32> to vector<16xf32>
        %add3A_726 = arith.addf %get3A_717, %get3A_725 : vector<16xf32>
        %get3A_727 = arith.constant 1 : i32
        %get3A_728 = arith.constant 2 : i32
        %get3A_729 = arith.index_cast %get3A_727 : i32 to index
        %get3A_730 = arith.index_cast %get3A_728 : i32 to index
        %get3A_731 = arith.index_cast %add3A_583 : i32 to index
        %get3A_732 = arith.constant 48 : index
        %get3A_733 = tpu.vector_load %arg6[%get3A_729, %get3A_730, %get3A_731, %get3A_732] {strides = array<i32>} : memref<2x4x128x64xf32, #tpu.memory_space<vmem>>, vector<1x1x1x16xf32>,
        %get3A_734 = vector.shape_cast %get3A_733 : vector<1x1x1x16xf32> to vector<16xf32>
        %add3A_735 = arith.addf %add3A_726, %get3A_734 : vector<16xf32>
        %get3A_736 = arith.constant 1 : i32
        %get3A_737 = arith.constant 3 : i32
        %get3A_738 = arith.index_cast %get3A_736 : i32 to index
        %get3A_739 = arith.index_cast %get3A_737 : i32 to index
        %get3A_740 = arith.index_cast %add3A_583 : i32 to index
        %get3A_741 = arith.constant 48 : index
        %get3A_742 = tpu.vector_load %arg6[%get3A_738, %get3A_739, %get3A_740, %get3A_741] {strides = array<i32>} : memref<2x4x128x64xf32, #tpu.memory_space<vmem>>, vector<1x1x1x16xf32>,
        %get3A_743 = vector.shape_cast %get3A_742 : vector<1x1x1x16xf32> to vector<16xf32>
        %add3A_744 = arith.addf %add3A_735, %get3A_743 : vector<16xf32>
        %swap3A_745 = arith.constant 1 : i32
        %swap3A_746 = arith.index_cast %swap3A_745 : i32 to index
        %swap3A_747 = arith.index_cast %scan3A_409 : i32 to index
        %swap3A_748 = arith.constant 112 : index
        %swap3A_749 = tpu.vector_load %arg7[%swap3A_746, %swap3A_747, %swap3A_748] {strides = array<i32>} : memref<2x64x128xf32, #tpu.memory_space<vmem>>, vector<1x1x16xf32>,
        %swap3A_750 = vector.shape_cast %swap3A_749 : vector<1x1x16xf32> to vector<16xf32>
        %swap3A_751 = vector.shape_cast %add3A_744 : vector<16xf32> to vector<1x1x16xf32>
        tpu.vector_store %arg7[%swap3A_746, %swap3A_747, %swap3A_748], %swap3A_751 {strides = array<i32>} : memref<2x64x128xf32, #tpu.memory_space<vmem>>, vector<1x1x16xf32>,
        %scan3A_752 = arith.constant 1 : i32
        %scan3A_753 = arith.addi %scan3A_409, %scan3A_752 : i32
        %mul3A_754 = arith.constant 2 : i32
        %mul3A_755 = arith.muli %mul3A_754, %scan3A_753 : i32
        %add3A_756 = arith.constant 0 : i32
        %add3A_757 = arith.addi %mul3A_755, %add3A_756 : i32
        %get3A_758 = arith.constant 1 : i32
        %get3A_759 = arith.constant 0 : i32
        %get3A_760 = arith.index_cast %get3A_758 : i32 to index
        %get3A_761 = arith.index_cast %get3A_759 : i32 to index
        %get3A_762 = arith.index_cast %add3A_757 : i32 to index
        %get3A_763 = arith.constant 0 : index
        %get3A_764 = tpu.vector_load %arg6[%get3A_760, %get3A_761, %get3A_762, %get3A_763] {strides = array<i32>} : memref<2x4x128x64xf32, #tpu.memory_space<vmem>>, vector<1x1x1x16xf32>,
        %get3A_765 = vector.shape_cast %get3A_764 : vector<1x1x1x16xf32> to vector<16xf32>
        %get3A_766 = arith.constant 1 : i32
        %get3A_767 = arith.constant 1 : i32
        %get3A_768 = arith.index_cast %get3A_766 : i32 to index
        %get3A_769 = arith.index_cast %get3A_767 : i32 to index
        %get3A_770 = arith.index_cast %add3A_757 : i32 to index
        %get3A_771 = arith.constant 0 : index
        %get3A_772 = tpu.vector_load %arg6[%get3A_768, %get3A_769, %get3A_770, %get3A_771] {strides = array<i32>} : memref<2x4x128x64xf32, #tpu.memory_space<vmem>>, vector<1x1x1x16xf32>,
        %get3A_773 = vector.shape_cast %get3A_772 : vector<1x1x1x16xf32> to vector<16xf32>
        %add3A_774 = arith.addf %get3A_765, %get3A_773 : vector<16xf32>
        %get3A_775 = arith.constant 1 : i32
        %get3A_776 = arith.constant 2 : i32
        %get3A_777 = arith.index_cast %get3A_775 : i32 to index
        %get3A_778 = arith.index_cast %get3A_776 : i32 to index
        %get3A_779 = arith.index_cast %add3A_757 : i32 to index
        %get3A_780 = arith.constant 0 : index
        %get3A_781 = tpu.vector_load %arg6[%get3A_777, %get3A_778, %get3A_779, %get3A_780] {strides = array<i32>} : memref<2x4x128x64xf32, #tpu.memory_space<vmem>>, vector<1x1x1x16xf32>,
        %get3A_782 = vector.shape_cast %get3A_781 : vector<1x1x1x16xf32> to vector<16xf32>
        %add3A_783 = arith.addf %add3A_774, %get3A_782 : vector<16xf32>
        %get3A_784 = arith.constant 1 : i32
        %get3A_785 = arith.constant 3 : i32
        %get3A_786 = arith.index_cast %get3A_784 : i32 to index
        %get3A_787 = arith.index_cast %get3A_785 : i32 to index
        %get3A_788 = arith.index_cast %add3A_757 : i32 to index
        %get3A_789 = arith.constant 0 : index
        %get3A_790 = tpu.vector_load %arg6[%get3A_786, %get3A_787, %get3A_788, %get3A_789] {strides = array<i32>} : memref<2x4x128x64xf32, #tpu.memory_space<vmem>>, vector<1x1x1x16xf32>,
        %get3A_791 = vector.shape_cast %get3A_790 : vector<1x1x1x16xf32> to vector<16xf32>
        %add3A_792 = arith.addf %add3A_783, %get3A_791 : vector<16xf32>
        %swap3A_793 = arith.constant 1 : i32
        %swap3A_794 = arith.index_cast %swap3A_793 : i32 to index
        %swap3A_795 = arith.index_cast %scan3A_753 : i32 to index
        %swap3A_796 = arith.constant 0 : index
        %swap3A_797 = tpu.vector_load %arg7[%swap3A_794, %swap3A_795, %swap3A_796] {strides = array<i32>} : memref<2x64x128xf32, #tpu.memory_space<vmem>>, vector<1x1x16xf32>,
        %swap3A_798 = vector.shape_cast %swap3A_797 : vector<1x1x16xf32> to vector<16xf32>
        %swap3A_799 = vector.shape_cast %add3A_792 : vector<16xf32> to vector<1x1x16xf32>
        tpu.vector_store %arg7[%swap3A_794, %swap3A_795, %swap3A_796], %swap3A_799 {strides = array<i32>} : memref<2x64x128xf32, #tpu.memory_space<vmem>>, vector<1x1x16xf32>,
        %get3A_800 = arith.constant 1 : i32
        %get3A_801 = arith.constant 0 : i32
        %get3A_802 = arith.index_cast %get3A_800 : i32 to index
        %get3A_803 = arith.index_cast %get3A_801 : i32 to index
        %get3A_804 = arith.index_cast %add3A_757 : i32 to index
        %get3A_805 = arith.constant 16 : index
        %get3A_806 = tpu.vector_load %arg6[%get3A_802, %get3A_803, %get3A_804, %get3A_805] {strides = array<i32>} : memref<2x4x128x64xf32, #tpu.memory_space<vmem>>, vector<1x1x1x16xf32>,
        %get3A_807 = vector.shape_cast %get3A_806 : vector<1x1x1x16xf32> to vector<16xf32>
        %get3A_808 = arith.constant 1 : i32
        %get3A_809 = arith.constant 1 : i32
        %get3A_810 = arith.index_cast %get3A_808 : i32 to index
        %get3A_811 = arith.index_cast %get3A_809 : i32 to index
        %get3A_812 = arith.index_cast %add3A_757 : i32 to index
        %get3A_813 = arith.constant 16 : index
        %get3A_814 = tpu.vector_load %arg6[%get3A_810, %get3A_811, %get3A_812, %get3A_813] {strides = array<i32>} : memref<2x4x128x64xf32, #tpu.memory_space<vmem>>, vector<1x1x1x16xf32>,
        %get3A_815 = vector.shape_cast %get3A_814 : vector<1x1x1x16xf32> to vector<16xf32>
        %add3A_816 = arith.addf %get3A_807, %get3A_815 : vector<16xf32>
        %get3A_817 = arith.constant 1 : i32
        %get3A_818 = arith.constant 2 : i32
        %get3A_819 = arith.index_cast %get3A_817 : i32 to index
        %get3A_820 = arith.index_cast %get3A_818 : i32 to index
        %get3A_821 = arith.index_cast %add3A_757 : i32 to index
        %get3A_822 = arith.constant 16 : index
        %get3A_823 = tpu.vector_load %arg6[%get3A_819, %get3A_820, %get3A_821, %get3A_822] {strides = array<i32>} : memref<2x4x128x64xf32, #tpu.memory_space<vmem>>, vector<1x1x1x16xf32>,
        %get3A_824 = vector.shape_cast %get3A_823 : vector<1x1x1x16xf32> to vector<16xf32>
        %add3A_825 = arith.addf %add3A_816, %get3A_824 : vector<16xf32>
        %get3A_826 = arith.constant 1 : i32
        %get3A_827 = arith.constant 3 : i32
        %get3A_828 = arith.index_cast %get3A_826 : i32 to index
        %get3A_829 = arith.index_cast %get3A_827 : i32 to index
        %get3A_830 = arith.index_cast %add3A_757 : i32 to index
        %get3A_831 = arith.constant 16 : index
        %get3A_832 = tpu.vector_load %arg6[%get3A_828, %get3A_829, %get3A_830, %get3A_831] {strides = array<i32>} : memref<2x4x128x64xf32, #tpu.memory_space<vmem>>, vector<1x1x1x16xf32>,
        %get3A_833 = vector.shape_cast %get3A_832 : vector<1x1x1x16xf32> to vector<16xf32>
        %add3A_834 = arith.addf %add3A_825, %get3A_833 : vector<16xf32>
        %swap3A_835 = arith.constant 1 : i32
        %swap3A_836 = arith.index_cast %swap3A_835 : i32 to index
        %swap3A_837 = arith.index_cast %scan3A_753 : i32 to index
        %swap3A_838 = arith.constant 16 : index
        %swap3A_839 = tpu.vector_load %arg7[%swap3A_836, %swap3A_837, %swap3A_838] {strides = array<i32>} : memref<2x64x128xf32, #tpu.memory_space<vmem>>, vector<1x1x16xf32>,
        %swap3A_840 = vector.shape_cast %swap3A_839 : vector<1x1x16xf32> to vector<16xf32>
        %swap3A_841 = vector.shape_cast %add3A_834 : vector<16xf32> to vector<1x1x16xf32>
        tpu.vector_store %arg7[%swap3A_836, %swap3A_837, %swap3A_838], %swap3A_841 {strides = array<i32>} : memref<2x64x128xf32, #tpu.memory_space<vmem>>, vector<1x1x16xf32>,
        %get3A_842 = arith.constant 1 : i32
        %get3A_843 = arith.constant 0 : i32
        %get3A_844 = arith.index_cast %get3A_842 : i32 to index
        %get3A_845 = arith.index_cast %get3A_843 : i32 to index
        %get3A_846 = arith.index_cast %add3A_757 : i32 to index
        %get3A_847 = arith.constant 32 : index
        %get3A_848 = tpu.vector_load %arg6[%get3A_844, %get3A_845, %get3A_846, %get3A_847] {strides = array<i32>} : memref<2x4x128x64xf32, #tpu.memory_space<vmem>>, vector<1x1x1x16xf32>,
        %get3A_849 = vector.shape_cast %get3A_848 : vector<1x1x1x16xf32> to vector<16xf32>
        %get3A_850 = arith.constant 1 : i32
        %get3A_851 = arith.constant 1 : i32
        %get3A_852 = arith.index_cast %get3A_850 : i32 to index
        %get3A_853 = arith.index_cast %get3A_851 : i32 to index
        %get3A_854 = arith.index_cast %add3A_757 : i32 to index
        %get3A_855 = arith.constant 32 : index
        %get3A_856 = tpu.vector_load %arg6[%get3A_852, %get3A_853, %get3A_854, %get3A_855] {strides = array<i32>} : memref<2x4x128x64xf32, #tpu.memory_space<vmem>>, vector<1x1x1x16xf32>,
        %get3A_857 = vector.shape_cast %get3A_856 : vector<1x1x1x16xf32> to vector<16xf32>
        %add3A_858 = arith.addf %get3A_849, %get3A_857 : vector<16xf32>
        %get3A_859 = arith.constant 1 : i32
        %get3A_860 = arith.constant 2 : i32
        %get3A_861 = arith.index_cast %get3A_859 : i32 to index
        %get3A_862 = arith.index_cast %get3A_860 : i32 to index
        %get3A_863 = arith.index_cast %add3A_757 : i32 to index
        %get3A_864 = arith.constant 32 : index
        %get3A_865 = tpu.vector_load %arg6[%get3A_861, %get3A_862, %get3A_863, %get3A_864] {strides = array<i32>} : memref<2x4x128x64xf32, #tpu.memory_space<vmem>>, vector<1x1x1x16xf32>,
        %get3A_866 = vector.shape_cast %get3A_865 : vector<1x1x1x16xf32> to vector<16xf32>
        %add3A_867 = arith.addf %add3A_858, %get3A_866 : vector<16xf32>
        %get3A_868 = arith.constant 1 : i32
        %get3A_869 = arith.constant 3 : i32
        %get3A_870 = arith.index_cast %get3A_868 : i32 to index
        %get3A_871 = arith.index_cast %get3A_869 : i32 to index
        %get3A_872 = arith.index_cast %add3A_757 : i32 to index
        %get3A_873 = arith.constant 32 : index
        %get3A_874 = tpu.vector_load %arg6[%get3A_870, %get3A_871, %get3A_872, %get3A_873] {strides = array<i32>} : memref<2x4x128x64xf32, #tpu.memory_space<vmem>>, vector<1x1x1x16xf32>,
        %get3A_875 = vector.shape_cast %get3A_874 : vector<1x1x1x16xf32> to vector<16xf32>
        %add3A_876 = arith.addf %add3A_867, %get3A_875 : vector<16xf32>
        %swap3A_877 = arith.constant 1 : i32
        %swap3A_878 = arith.index_cast %swap3A_877 : i32 to index
        %swap3A_879 = arith.index_cast %scan3A_753 : i32 to index
        %swap3A_880 = arith.constant 32 : index
        %swap3A_881 = tpu.vector_load %arg7[%swap3A_878, %swap3A_879, %swap3A_880] {strides = array<i32>} : memref<2x64x128xf32, #tpu.memory_space<vmem>>, vector<1x1x16xf32>,
        %swap3A_882 = vector.shape_cast %swap3A_881 : vector<1x1x16xf32> to vector<16xf32>
        %swap3A_883 = vector.shape_cast %add3A_876 : vector<16xf32> to vector<1x1x16xf32>
        tpu.vector_store %arg7[%swap3A_878, %swap3A_879, %swap3A_880], %swap3A_883 {strides = array<i32>} : memref<2x64x128xf32, #tpu.memory_space<vmem>>, vector<1x1x16xf32>,
        %get3A_884 = arith.constant 1 : i32
        %get3A_885 = arith.constant 0 : i32
        %get3A_886 = arith.index_cast %get3A_884 : i32 to index
        %get3A_887 = arith.index_cast %get3A_885 : i32 to index
        %get3A_888 = arith.index_cast %add3A_757 : i32 to index
        %get3A_889 = arith.constant 48 : index
        %get3A_890 = tpu.vector_load %arg6[%get3A_886, %get3A_887, %get3A_888, %get3A_889] {strides = array<i32>} : memref<2x4x128x64xf32, #tpu.memory_space<vmem>>, vector<1x1x1x16xf32>,
        %get3A_891 = vector.shape_cast %get3A_890 : vector<1x1x1x16xf32> to vector<16xf32>
        %get3A_892 = arith.constant 1 : i32
        %get3A_893 = arith.constant 1 : i32
        %get3A_894 = arith.index_cast %get3A_892 : i32 to index
        %get3A_895 = arith.index_cast %get3A_893 : i32 to index
        %get3A_896 = arith.index_cast %add3A_757 : i32 to index
        %get3A_897 = arith.constant 48 : index
        %get3A_898 = tpu.vector_load %arg6[%get3A_894, %get3A_895, %get3A_896, %get3A_897] {strides = array<i32>} : memref<2x4x128x64xf32, #tpu.memory_space<vmem>>, vector<1x1x1x16xf32>,
        %get3A_899 = vector.shape_cast %get3A_898 : vector<1x1x1x16xf32> to vector<16xf32>
        %add3A_900 = arith.addf %get3A_891, %get3A_899 : vector<16xf32>
        %get3A_901 = arith.constant 1 : i32
        %get3A_902 = arith.constant 2 : i32
        %get3A_903 = arith.index_cast %get3A_901 : i32 to index
        %get3A_904 = arith.index_cast %get3A_902 : i32 to index
        %get3A_905 = arith.index_cast %add3A_757 : i32 to index
        %get3A_906 = arith.constant 48 : index
        %get3A_907 = tpu.vector_load %arg6[%get3A_903, %get3A_904, %get3A_905, %get3A_906] {strides = array<i32>} : memref<2x4x128x64xf32, #tpu.memory_space<vmem>>, vector<1x1x1x16xf32>,
        %get3A_908 = vector.shape_cast %get3A_907 : vector<1x1x1x16xf32> to vector<16xf32>
        %add3A_909 = arith.addf %add3A_900, %get3A_908 : vector<16xf32>
        %get3A_910 = arith.constant 1 : i32
        %get3A_911 = arith.constant 3 : i32
        %get3A_912 = arith.index_cast %get3A_910 : i32 to index
        %get3A_913 = arith.index_cast %get3A_911 : i32 to index
        %get3A_914 = arith.index_cast %add3A_757 : i32 to index
        %get3A_915 = arith.constant 48 : index
        %get3A_916 = tpu.vector_load %arg6[%get3A_912, %get3A_913, %get3A_914, %get3A_915] {strides = array<i32>} : memref<2x4x128x64xf32, #tpu.memory_space<vmem>>, vector<1x1x1x16xf32>,
        %get3A_917 = vector.shape_cast %get3A_916 : vector<1x1x1x16xf32> to vector<16xf32>
        %add3A_918 = arith.addf %add3A_909, %get3A_917 : vector<16xf32>
        %swap3A_919 = arith.constant 1 : i32
        %swap3A_920 = arith.index_cast %swap3A_919 : i32 to index
        %swap3A_921 = arith.index_cast %scan3A_753 : i32 to index
        %swap3A_922 = arith.constant 48 : index
        %swap3A_923 = tpu.vector_load %arg7[%swap3A_920, %swap3A_921, %swap3A_922] {strides = array<i32>} : memref<2x64x128xf32, #tpu.memory_space<vmem>>, vector<1x1x16xf32>,
        %swap3A_924 = vector.shape_cast %swap3A_923 : vector<1x1x16xf32> to vector<16xf32>
        %swap3A_925 = vector.shape_cast %add3A_918 : vector<16xf32> to vector<1x1x16xf32>
        tpu.vector_store %arg7[%swap3A_920, %swap3A_921, %swap3A_922], %swap3A_925 {strides = array<i32>} : memref<2x64x128xf32, #tpu.memory_space<vmem>>, vector<1x1x16xf32>,
        %mul3A_926 = arith.constant 2 : i32
        %mul3A_927 = arith.muli %mul3A_926, %scan3A_753 : i32
        %add3A_928 = arith.constant 1 : i32
        %add3A_929 = arith.addi %mul3A_927, %add3A_928 : i32
        %get3A_930 = arith.constant 1 : i32
        %get3A_931 = arith.constant 0 : i32
        %get3A_932 = arith.index_cast %get3A_930 : i32 to index
        %get3A_933 = arith.index_cast %get3A_931 : i32 to index
        %get3A_934 = arith.index_cast %add3A_929 : i32 to index
        %get3A_935 = arith.constant 0 : index
        %get3A_936 = tpu.vector_load %arg6[%get3A_932, %get3A_933, %get3A_934, %get3A_935] {strides = array<i32>} : memref<2x4x128x64xf32, #tpu.memory_space<vmem>>, vector<1x1x1x16xf32>,
        %get3A_937 = vector.shape_cast %get3A_936 : vector<1x1x1x16xf32> to vector<16xf32>
        %get3A_938 = arith.constant 1 : i32
        %get3A_939 = arith.constant 1 : i32
        %get3A_940 = arith.index_cast %get3A_938 : i32 to index
        %get3A_941 = arith.index_cast %get3A_939 : i32 to index
        %get3A_942 = arith.index_cast %add3A_929 : i32 to index
        %get3A_943 = arith.constant 0 : index
        %get3A_944 = tpu.vector_load %arg6[%get3A_940, %get3A_941, %get3A_942, %get3A_943] {strides = array<i32>} : memref<2x4x128x64xf32, #tpu.memory_space<vmem>>, vector<1x1x1x16xf32>,
        %get3A_945 = vector.shape_cast %get3A_944 : vector<1x1x1x16xf32> to vector<16xf32>
        %add3A_946 = arith.addf %get3A_937, %get3A_945 : vector<16xf32>
        %get3A_947 = arith.constant 1 : i32
        %get3A_948 = arith.constant 2 : i32
        %get3A_949 = arith.index_cast %get3A_947 : i32 to index
        %get3A_950 = arith.index_cast %get3A_948 : i32 to index
        %get3A_951 = arith.index_cast %add3A_929 : i32 to index
        %get3A_952 = arith.constant 0 : index
        %get3A_953 = tpu.vector_load %arg6[%get3A_949, %get3A_950, %get3A_951, %get3A_952] {strides = array<i32>} : memref<2x4x128x64xf32, #tpu.memory_space<vmem>>, vector<1x1x1x16xf32>,
        %get3A_954 = vector.shape_cast %get3A_953 : vector<1x1x1x16xf32> to vector<16xf32>
        %add3A_955 = arith.addf %add3A_946, %get3A_954 : vector<16xf32>
        %get3A_956 = arith.constant 1 : i32
        %get3A_957 = arith.constant 3 : i32
        %get3A_958 = arith.index_cast %get3A_956 : i32 to index
        %get3A_959 = arith.index_cast %get3A_957 : i32 to index
        %get3A_960 = arith.index_cast %add3A_929 : i32 to index
        %get3A_961 = arith.constant 0 : index
        %get3A_962 = tpu.vector_load %arg6[%get3A_958, %get3A_959, %get3A_960, %get3A_961] {strides = array<i32>} : memref<2x4x128x64xf32, #tpu.memory_space<vmem>>, vector<1x1x1x16xf32>,
        %get3A_963 = vector.shape_cast %get3A_962 : vector<1x1x1x16xf32> to vector<16xf32>
        %add3A_964 = arith.addf %add3A_955, %get3A_963 : vector<16xf32>
        %swap3A_965 = arith.constant 1 : i32
        %swap3A_966 = arith.index_cast %swap3A_965 : i32 to index
        %swap3A_967 = arith.index_cast %scan3A_753 : i32 to index
        %swap3A_968 = arith.constant 64 : index
        %swap3A_969 = tpu.vector_load %arg7[%swap3A_966, %swap3A_967, %swap3A_968] {strides = array<i32>} : memref<2x64x128xf32, #tpu.memory_space<vmem>>, vector<1x1x16xf32>,
        %swap3A_970 = vector.shape_cast %swap3A_969 : vector<1x1x16xf32> to vector<16xf32>
        %swap3A_971 = vector.shape_cast %add3A_964 : vector<16xf32> to vector<1x1x16xf32>
        tpu.vector_store %arg7[%swap3A_966, %swap3A_967, %swap3A_968], %swap3A_971 {strides = array<i32>} : memref<2x64x128xf32, #tpu.memory_space<vmem>>, vector<1x1x16xf32>,
        %get3A_972 = arith.constant 1 : i32
        %get3A_973 = arith.constant 0 : i32
        %get3A_974 = arith.index_cast %get3A_972 : i32 to index
        %get3A_975 = arith.index_cast %get3A_973 : i32 to index
        %get3A_976 = arith.index_cast %add3A_929 : i32 to index
        %get3A_977 = arith.constant 16 : index
        %get3A_978 = tpu.vector_load %arg6[%get3A_974, %get3A_975, %get3A_976, %get3A_977] {strides = array<i32>} : memref<2x4x128x64xf32, #tpu.memory_space<vmem>>, vector<1x1x1x16xf32>,
        %get3A_979 = vector.shape_cast %get3A_978 : vector<1x1x1x16xf32> to vector<16xf32>
        %get3A_980 = arith.constant 1 : i32
        %get3A_981 = arith.constant 1 : i32
        %get3A_982 = arith.index_cast %get3A_980 : i32 to index
        %get3A_983 = arith.index_cast %get3A_981 : i32 to index
        %get3A_984 = arith.index_cast %add3A_929 : i32 to index
        %get3A_985 = arith.constant 16 : index
        %get3A_986 = tpu.vector_load %arg6[%get3A_982, %get3A_983, %get3A_984, %get3A_985] {strides = array<i32>} : memref<2x4x128x64xf32, #tpu.memory_space<vmem>>, vector<1x1x1x16xf32>,
        %get3A_987 = vector.shape_cast %get3A_986 : vector<1x1x1x16xf32> to vector<16xf32>
        %add3A_988 = arith.addf %get3A_979, %get3A_987 : vector<16xf32>
        %get3A_989 = arith.constant 1 : i32
        %get3A_990 = arith.constant 2 : i32
        %get3A_991 = arith.index_cast %get3A_989 : i32 to index
        %get3A_992 = arith.index_cast %get3A_990 : i32 to index
        %get3A_993 = arith.index_cast %add3A_929 : i32 to index
        %get3A_994 = arith.constant 16 : index
        %get3A_995 = tpu.vector_load %arg6[%get3A_991, %get3A_992, %get3A_993, %get3A_994] {strides = array<i32>} : memref<2x4x128x64xf32, #tpu.memory_space<vmem>>, vector<1x1x1x16xf32>,
        %get3A_996 = vector.shape_cast %get3A_995 : vector<1x1x1x16xf32> to vector<16xf32>
        %add3A_997 = arith.addf %add3A_988, %get3A_996 : vector<16xf32>
        %get3A_998 = arith.constant 1 : i32
        %get3A_999 = arith.constant 3 : i32
        %get3A_1000 = arith.index_cast %get3A_998 : i32 to index
        %get3A_1001 = arith.index_cast %get3A_999 : i32 to index
        %get3A_1002 = arith.index_cast %add3A_929 : i32 to index
        %get3A_1003 = arith.constant 16 : index
        %get3A_1004 = tpu.vector_load %arg6[%get3A_1000, %get3A_1001, %get3A_1002, %get3A_1003] {strides = array<i32>} : memref<2x4x128x64xf32, #tpu.memory_space<vmem>>, vector<1x1x1x16xf32>,
        %get3A_1005 = vector.shape_cast %get3A_1004 : vector<1x1x1x16xf32> to vector<16xf32>
        %add3A_1006 = arith.addf %add3A_997, %get3A_1005 : vector<16xf32>
        %swap3A_1007 = arith.constant 1 : i32
        %swap3A_1008 = arith.index_cast %swap3A_1007 : i32 to index
        %swap3A_1009 = arith.index_cast %scan3A_753 : i32 to index
        %swap3A_1010 = arith.constant 80 : index
        %swap3A_1011 = tpu.vector_load %arg7[%swap3A_1008, %swap3A_1009, %swap3A_1010] {strides = array<i32>} : memref<2x64x128xf32, #tpu.memory_space<vmem>>, vector<1x1x16xf32>,
        %swap3A_1012 = vector.shape_cast %swap3A_1011 : vector<1x1x16xf32> to vector<16xf32>
        %swap3A_1013 = vector.shape_cast %add3A_1006 : vector<16xf32> to vector<1x1x16xf32>
        tpu.vector_store %arg7[%swap3A_1008, %swap3A_1009, %swap3A_1010], %swap3A_1013 {strides = array<i32>} : memref<2x64x128xf32, #tpu.memory_space<vmem>>, vector<1x1x16xf32>,
        %get3A_1014 = arith.constant 1 : i32
        %get3A_1015 = arith.constant 0 : i32
        %get3A_1016 = arith.index_cast %get3A_1014 : i32 to index
        %get3A_1017 = arith.index_cast %get3A_1015 : i32 to index
        %get3A_1018 = arith.index_cast %add3A_929 : i32 to index
        %get3A_1019 = arith.constant 32 : index
        %get3A_1020 = tpu.vector_load %arg6[%get3A_1016, %get3A_1017, %get3A_1018, %get3A_1019] {strides = array<i32>} : memref<2x4x128x64xf32, #tpu.memory_space<vmem>>, vector<1x1x1x16xf32>,
        %get3A_1021 = vector.shape_cast %get3A_1020 : vector<1x1x1x16xf32> to vector<16xf32>
        %get3A_1022 = arith.constant 1 : i32
        %get3A_1023 = arith.constant 1 : i32
        %get3A_1024 = arith.index_cast %get3A_1022 : i32 to index
        %get3A_1025 = arith.index_cast %get3A_1023 : i32 to index
        %get3A_1026 = arith.index_cast %add3A_929 : i32 to index
        %get3A_1027 = arith.constant 32 : index
        %get3A_1028 = tpu.vector_load %arg6[%get3A_1024, %get3A_1025, %get3A_1026, %get3A_1027] {strides = array<i32>} : memref<2x4x128x64xf32, #tpu.memory_space<vmem>>, vector<1x1x1x16xf32>,
        %get3A_1029 = vector.shape_cast %get3A_1028 : vector<1x1x1x16xf32> to vector<16xf32>
        %add3A_1030 = arith.addf %get3A_1021, %get3A_1029 : vector<16xf32>
        %get3A_1031 = arith.constant 1 : i32
        %get3A_1032 = arith.constant 2 : i32
        %get3A_1033 = arith.index_cast %get3A_1031 : i32 to index
        %get3A_1034 = arith.index_cast %get3A_1032 : i32 to index
        %get3A_1035 = arith.index_cast %add3A_929 : i32 to index
        %get3A_1036 = arith.constant 32 : index
        %get3A_1037 = tpu.vector_load %arg6[%get3A_1033, %get3A_1034, %get3A_1035, %get3A_1036] {strides = array<i32>} : memref<2x4x128x64xf32, #tpu.memory_space<vmem>>, vector<1x1x1x16xf32>,
        %get3A_1038 = vector.shape_cast %get3A_1037 : vector<1x1x1x16xf32> to vector<16xf32>
        %add3A_1039 = arith.addf %add3A_1030, %get3A_1038 : vector<16xf32>
        %get3A_1040 = arith.constant 1 : i32
        %get3A_1041 = arith.constant 3 : i32
        %get3A_1042 = arith.index_cast %get3A_1040 : i32 to index
        %get3A_1043 = arith.index_cast %get3A_1041 : i32 to index
        %get3A_1044 = arith.index_cast %add3A_929 : i32 to index
        %get3A_1045 = arith.constant 32 : index
        %get3A_1046 = tpu.vector_load %arg6[%get3A_1042, %get3A_1043, %get3A_1044, %get3A_1045] {strides = array<i32>} : memref<2x4x128x64xf32, #tpu.memory_space<vmem>>, vector<1x1x1x16xf32>,
        %get3A_1047 = vector.shape_cast %get3A_1046 : vector<1x1x1x16xf32> to vector<16xf32>
        %add3A_1048 = arith.addf %add3A_1039, %get3A_1047 : vector<16xf32>
        %swap3A_1049 = arith.constant 1 : i32
        %swap3A_1050 = arith.index_cast %swap3A_1049 : i32 to index
        %swap3A_1051 = arith.index_cast %scan3A_753 : i32 to index
        %swap3A_1052 = arith.constant 96 : index
        %swap3A_1053 = tpu.vector_load %arg7[%swap3A_1050, %swap3A_1051, %swap3A_1052] {strides = array<i32>} : memref<2x64x128xf32, #tpu.memory_space<vmem>>, vector<1x1x16xf32>,
        %swap3A_1054 = vector.shape_cast %swap3A_1053 : vector<1x1x16xf32> to vector<16xf32>
        %swap3A_1055 = vector.shape_cast %add3A_1048 : vector<16xf32> to vector<1x1x16xf32>
        tpu.vector_store %arg7[%swap3A_1050, %swap3A_1051, %swap3A_1052], %swap3A_1055 {strides = array<i32>} : memref<2x64x128xf32, #tpu.memory_space<vmem>>, vector<1x1x16xf32>,
        %get3A_1056 = arith.constant 1 : i32
        %get3A_1057 = arith.constant 0 : i32
        %get3A_1058 = arith.index_cast %get3A_1056 : i32 to index
        %get3A_1059 = arith.index_cast %get3A_1057 : i32 to index
        %get3A_1060 = arith.index_cast %add3A_929 : i32 to index
        %get3A_1061 = arith.constant 48 : index
        %get3A_1062 = tpu.vector_load %arg6[%get3A_1058, %get3A_1059, %get3A_1060, %get3A_1061] {strides = array<i32>} : memref<2x4x128x64xf32, #tpu.memory_space<vmem>>, vector<1x1x1x16xf32>,
        %get3A_1063 = vector.shape_cast %get3A_1062 : vector<1x1x1x16xf32> to vector<16xf32>
        %get3A_1064 = arith.constant 1 : i32
        %get3A_1065 = arith.constant 1 : i32
        %get3A_1066 = arith.index_cast %get3A_1064 : i32 to index
        %get3A_1067 = arith.index_cast %get3A_1065 : i32 to index
        %get3A_1068 = arith.index_cast %add3A_929 : i32 to index
        %get3A_1069 = arith.constant 48 : index
        %get3A_1070 = tpu.vector_load %arg6[%get3A_1066, %get3A_1067, %get3A_1068, %get3A_1069] {strides = array<i32>} : memref<2x4x128x64xf32, #tpu.memory_space<vmem>>, vector<1x1x1x16xf32>,
        %get3A_1071 = vector.shape_cast %get3A_1070 : vector<1x1x1x16xf32> to vector<16xf32>
        %add3A_1072 = arith.addf %get3A_1063, %get3A_1071 : vector<16xf32>
        %get3A_1073 = arith.constant 1 : i32
        %get3A_1074 = arith.constant 2 : i32
        %get3A_1075 = arith.index_cast %get3A_1073 : i32 to index
        %get3A_1076 = arith.index_cast %get3A_1074 : i32 to index
        %get3A_1077 = arith.index_cast %add3A_929 : i32 to index
        %get3A_1078 = arith.constant 48 : index
        %get3A_1079 = tpu.vector_load %arg6[%get3A_1075, %get3A_1076, %get3A_1077, %get3A_1078] {strides = array<i32>} : memref<2x4x128x64xf32, #tpu.memory_space<vmem>>, vector<1x1x1x16xf32>,
        %get3A_1080 = vector.shape_cast %get3A_1079 : vector<1x1x1x16xf32> to vector<16xf32>
        %add3A_1081 = arith.addf %add3A_1072, %get3A_1080 : vector<16xf32>
        %get3A_1082 = arith.constant 1 : i32
        %get3A_1083 = arith.constant 3 : i32
        %get3A_1084 = arith.index_cast %get3A_1082 : i32 to index
        %get3A_1085 = arith.index_cast %get3A_1083 : i32 to index
        %get3A_1086 = arith.index_cast %add3A_929 : i32 to index
        %get3A_1087 = arith.constant 48 : index
        %get3A_1088 = tpu.vector_load %arg6[%get3A_1084, %get3A_1085, %get3A_1086, %get3A_1087] {strides = array<i32>} : memref<2x4x128x64xf32, #tpu.memory_space<vmem>>, vector<1x1x1x16xf32>,
        %get3A_1089 = vector.shape_cast %get3A_1088 : vector<1x1x1x16xf32> to vector<16xf32>
        %add3A_1090 = arith.addf %add3A_1081, %get3A_1089 : vector<16xf32>
        %swap3A_1091 = arith.constant 1 : i32
        %swap3A_1092 = arith.index_cast %swap3A_1091 : i32 to index
        %swap3A_1093 = arith.index_cast %scan3A_753 : i32 to index
        %swap3A_1094 = arith.constant 112 : index
        %swap3A_1095 = tpu.vector_load %arg7[%swap3A_1092, %swap3A_1093, %swap3A_1094] {strides = array<i32>} : memref<2x64x128xf32, #tpu.memory_space<vmem>>, vector<1x1x16xf32>,
        %swap3A_1096 = vector.shape_cast %swap3A_1095 : vector<1x1x16xf32> to vector<16xf32>
        %swap3A_1097 = vector.shape_cast %add3A_1090 : vector<16xf32> to vector<1x1x16xf32>
        tpu.vector_store %arg7[%swap3A_1092, %swap3A_1093, %swap3A_1094], %swap3A_1097 {strides = array<i32>} : memref<2x64x128xf32, #tpu.memory_space<vmem>>, vector<1x1x16xf32>,
      }
      %scan3A_365 = arith.constant 64 : i32
      %mul3A_366 = arith.constant 128 : i32
      %mul3A_367 = arith.muli %add3A_279, %mul3A_366 : i32
      %add3A_368 = arith.addi %mul3A_2, %mul3A_367 : i32
      %jit3A_369 = arith.constant 2 : i32
      %div3A_370 = arith.divsi %add3A_368, %jit3A_369 : i32
      %sign3A_371 = arith.constant 0 : i32
      %sign3A_372 = arith.cmpi sgt, %add3A_368, %sign3A_371 : i32
      %sign3A_373 = arith.extui %sign3A_372 : i1 to i32
      %sign3A_374 = arith.constant 0 : i32
      %sign3A_375 = arith.cmpi slt, %add3A_368, %sign3A_374 : i32
      %sign3A_376 = arith.extui %sign3A_375 : i1 to i32
      %sign3A_377 = arith.subi %sign3A_373, %sign3A_376 : i32
      %sign3A_378 = arith.constant 0 : i32
      %sign3A_379 = arith.cmpi sgt, %jit3A_369, %sign3A_378 : i32
      %sign3A_380 = arith.extui %sign3A_379 : i1 to i32
      %sign3A_381 = arith.constant 0 : i32
      %sign3A_382 = arith.cmpi slt, %jit3A_369, %sign3A_381 : i32
      %sign3A_383 = arith.extui %sign3A_382 : i1 to i32
      %sign3A_384 = arith.subi %sign3A_380, %sign3A_383 : i32
      %ne3A_385 = arith.cmpi ne, %sign3A_377, %sign3A_384 : i32
      %rem3A_386 = arith.remsi %add3A_368, %jit3A_369 : i32
      %ne3A_387 = arith.constant 0 : i32
      %ne3A_388 = arith.cmpi ne, %rem3A_386, %ne3A_387 : i32
      %and3A_389 = arith.andi %ne3A_385, %ne3A_388 : i1
      %sub3A_390 = arith.constant 1 : i32
      %sub3A_391 = arith.subi %div3A_370, %sub3A_390 : i32
      %select_n3A_392 = arith.select %and3A_389, %sub3A_391, %div3A_370 : i32
      %dma_start3A_393 = arith.constant 1 : i32
      %dma_start3A_394 = arith.constant 1 : i32
      %dma_start3A_395 = arith.constant 0 : i32
      %dma_start3A_396 = arith.constant 0 : i32
      %dma_start3A_397 = tpu.memref_slice %arg7[%dma_start3A_393, %dma_start3A_395, %dma_start3A_396] : memref<2x64x128xf32, #tpu.memory_space<vmem>> -> memref<1x64x128xf32, #tpu.memory_space<vmem>>
      %dma_start3A_398 = tpu.memref_squeeze %dma_start3A_397 : memref<1x64x128xf32, #tpu.memory_space<vmem>> -> memref<64x128xf32, #tpu.memory_space<vmem>>
      %dma_start3A_399 = arith.constant 0 : i32
      %dma_start3A_400 = tpu.memref_slice %arg4[%select_n3A_392, %dma_start3A_399] : memref<102400x128xf32, #tpu.memory_space<hbm>> -> memref<64x128xf32, #tpu.memory_space<hbm>>
      %dma_start3A_401 = tpu.memref_slice %arg9[%dma_start3A_394] : memref<2x!tpu.dma_semaphore, #tpu.memory_space<semaphore_mem>> -> memref<1x!tpu.dma_semaphore, #tpu.memory_space<semaphore_mem>>
      %dma_start3A_402 = tpu.memref_squeeze %dma_start3A_401 : memref<1x!tpu.dma_semaphore, #tpu.memory_space<semaphore_mem>> -> memref<!tpu.dma_semaphore, #tpu.memory_space<semaphore_mem>>
      %dma_start3A_403 = arith.constant 0 : i32
      %dma_start3A_404 = tpu.memref_slice %arg4[%select_n3A_392, %dma_start3A_403] : memref<102400x128xf32, #tpu.memory_space<hbm>> -> memref<64x128xf32, #tpu.memory_space<hbm>>
      %dma_start3A_405 = arith.constant 0 : i32
      %dma_start3A_406 = arith.constant 0 : i32
      %dma_start3A_407 = tpu.memref_slice %arg7[%dma_start3A_393, %dma_start3A_405, %dma_start3A_406] : memref<2x64x128xf32, #tpu.memory_space<vmem>> -> memref<1x64x128xf32, #tpu.memory_space<vmem>>
      %dma_start3A_408 = tpu.memref_squeeze %dma_start3A_407 : memref<1x64x128xf32, #tpu.memory_space<vmem>> -> memref<64x128xf32, #tpu.memory_space<vmem>>
      tpu.enqueue_dma source(%dma_start3A_408 : memref<64x128xf32, #tpu.memory_space<vmem>>) target(%dma_start3A_404 : memref<64x128xf32, #tpu.memory_space<hbm>>) target_semaphore(%dma_start3A_402 : memref<!tpu.dma_semaphore, #tpu.memory_space<semaphore_mem>>)
    }
    %scan3A_70 = arith.constant 25 : i32
    %add3A_71 = arith.constant 6144 : i32
    %add3A_72 = arith.addi %mul3A_2, %add3A_71 : i32
    %jit3A = arith.constant 2 : i32
    %div3A = arith.divsi %add3A_72, %jit3A : i32
    %sign3A = arith.constant 0 : i32
    %sign3A_73 = arith.cmpi sgt, %add3A_72, %sign3A : i32
    %sign3A_74 = arith.extui %sign3A_73 : i1 to i32
    %sign3A_75 = arith.constant 0 : i32
    %sign3A_76 = arith.cmpi slt, %add3A_72, %sign3A_75 : i32
    %sign3A_77 = arith.extui %sign3A_76 : i1 to i32
    %sign3A_78 = arith.subi %sign3A_74, %sign3A_77 : i32
    %sign3A_79 = arith.constant 0 : i32
    %sign3A_80 = arith.cmpi sgt, %jit3A, %sign3A_79 : i32
    %sign3A_81 = arith.extui %sign3A_80 : i1 to i32
    %sign3A_82 = arith.constant 0 : i32
    %sign3A_83 = arith.cmpi slt, %jit3A, %sign3A_82 : i32
    %sign3A_84 = arith.extui %sign3A_83 : i1 to i32
    %sign3A_85 = arith.subi %sign3A_81, %sign3A_84 : i32
    %ne3A = arith.cmpi ne, %sign3A_78, %sign3A_85 : i32
    %rem3A = arith.remsi %add3A_72, %jit3A : i32
    %ne3A_86 = arith.constant 0 : i32
    %ne3A_87 = arith.cmpi ne, %rem3A, %ne3A_86 : i32
    %and3A = arith.andi %ne3A, %ne3A_87 : i1
    %sub3A = arith.constant 1 : i32
    %sub3A_88 = arith.subi %div3A, %sub3A : i32
    %select_n3A = arith.select %and3A, %sub3A_88, %div3A : i32
    %dma_wait3A = arith.constant 0 : i32
    %dma_wait3A_89 = arith.constant 0 : i32
    %dma_wait3A_90 = arith.constant 0 : i32
    %dma_wait3A_91 = arith.constant 0 : i32
    %dma_wait3A_92 = tpu.memref_slice %arg7[%dma_wait3A, %dma_wait3A_90, %dma_wait3A_91] : memref<2x64x128xf32, #tpu.memory_space<vmem>> -> memref<1x64x128xf32, #tpu.memory_space<vmem>>
    %dma_wait3A_93 = tpu.memref_squeeze %dma_wait3A_92 : memref<1x64x128xf32, #tpu.memory_space<vmem>> -> memref<64x128xf32, #tpu.memory_space<vmem>>
    %dma_wait3A_94 = arith.constant 0 : i32
    %dma_wait3A_95 = tpu.memref_slice %arg4[%select_n3A, %dma_wait3A_94] : memref<102400x128xf32, #tpu.memory_space<hbm>> -> memref<64x128xf32, #tpu.memory_space<hbm>>
    %dma_wait3A_96 = tpu.memref_slice %arg9[%dma_wait3A_89] : memref<2x!tpu.dma_semaphore, #tpu.memory_space<semaphore_mem>> -> memref<1x!tpu.dma_semaphore, #tpu.memory_space<semaphore_mem>>
    %dma_wait3A_97 = tpu.memref_squeeze %dma_wait3A_96 : memref<1x!tpu.dma_semaphore, #tpu.memory_space<semaphore_mem>> -> memref<!tpu.dma_semaphore, #tpu.memory_space<semaphore_mem>>
    %dma_wait3A_98 = arith.constant 0 : i32
    %dma_wait3A_99 = tpu.memref_slice %arg4[%select_n3A, %dma_wait3A_98] : memref<102400x128xf32, #tpu.memory_space<hbm>> -> memref<64x128xf32, #tpu.memory_space<hbm>>
    %dma_wait3A_100 = arith.constant 0 : i32
    %dma_wait3A_101 = arith.constant 0 : i32
    %dma_wait3A_102 = tpu.memref_slice %arg7[%dma_wait3A, %dma_wait3A_100, %dma_wait3A_101] : memref<2x64x128xf32, #tpu.memory_space<vmem>> -> memref<1x64x128xf32, #tpu.memory_space<vmem>>
    %dma_wait3A_103 = tpu.memref_squeeze %dma_wait3A_102 : memref<1x64x128xf32, #tpu.memory_space<vmem>> -> memref<64x128xf32, #tpu.memory_space<vmem>>
    tpu.wait_dma2 semaphore(%dma_wait3A_97 : memref<!tpu.dma_semaphore, #tpu.memory_space<semaphore_mem>>) src(%dma_wait3A_103 : memref<64x128xf32, #tpu.memory_space<vmem>>) dst(%dma_wait3A_99 : memref<64x128xf32, #tpu.memory_space<hbm>>)
    %add3A_104 = arith.constant 6272 : i32
    %add3A_105 = arith.addi %mul3A_2, %add3A_104 : i32
    %jit3A_106 = arith.constant 2 : i32
    %div3A_107 = arith.divsi %add3A_105, %jit3A_106 : i32
    %sign3A_108 = arith.constant 0 : i32
    %sign3A_109 = arith.cmpi sgt, %add3A_105, %sign3A_108 : i32
    %sign3A_110 = arith.extui %sign3A_109 : i1 to i32
    %sign3A_111 = arith.constant 0 : i32
    %sign3A_112 = arith.cmpi slt, %add3A_105, %sign3A_111 : i32
    %sign3A_113 = arith.extui %sign3A_112 : i1 to i32
    %sign3A_114 = arith.subi %sign3A_110, %sign3A_113 : i32
    %sign3A_115 = arith.constant 0 : i32
    %sign3A_116 = arith.cmpi sgt, %jit3A_106, %sign3A_115 : i32
    %sign3A_117 = arith.extui %sign3A_116 : i1 to i32
    %sign3A_118 = arith.constant 0 : i32
    %sign3A_119 = arith.cmpi slt, %jit3A_106, %sign3A_118 : i32
    %sign3A_120 = arith.extui %sign3A_119 : i1 to i32
    %sign3A_121 = arith.subi %sign3A_117, %sign3A_120 : i32
    %ne3A_122 = arith.cmpi ne, %sign3A_114, %sign3A_121 : i32
    %rem3A_123 = arith.remsi %add3A_105, %jit3A_106 : i32
    %ne3A_124 = arith.constant 0 : i32
    %ne3A_125 = arith.cmpi ne, %rem3A_123, %ne3A_124 : i32
    %and3A_126 = arith.andi %ne3A_122, %ne3A_125 : i1
    %sub3A_127 = arith.constant 1 : i32
    %sub3A_128 = arith.subi %div3A_107, %sub3A_127 : i32
    %select_n3A_129 = arith.select %and3A_126, %sub3A_128, %div3A_107 : i32
    %dma_wait3A_130 = arith.constant 1 : i32
    %dma_wait3A_131 = arith.constant 1 : i32
    %dma_wait3A_132 = arith.constant 0 : i32
    %dma_wait3A_133 = arith.constant 0 : i32
    %dma_wait3A_134 = tpu.memref_slice %arg7[%dma_wait3A_130, %dma_wait3A_132, %dma_wait3A_133] : memref<2x64x128xf32, #tpu.memory_space<vmem>> -> memref<1x64x128xf32, #tpu.memory_space<vmem>>
    %dma_wait3A_135 = tpu.memref_squeeze %dma_wait3A_134 : memref<1x64x128xf32, #tpu.memory_space<vmem>> -> memref<64x128xf32, #tpu.memory_space<vmem>>
    %dma_wait3A_136 = arith.constant 0 : i32
    %dma_wait3A_137 = tpu.memref_slice %arg4[%select_n3A_129, %dma_wait3A_136] : memref<102400x128xf32, #tpu.memory_space<hbm>> -> memref<64x128xf32, #tpu.memory_space<hbm>>
    %dma_wait3A_138 = tpu.memref_slice %arg9[%dma_wait3A_131] : memref<2x!tpu.dma_semaphore, #tpu.memory_space<semaphore_mem>> -> memref<1x!tpu.dma_semaphore, #tpu.memory_space<semaphore_mem>>
    %dma_wait3A_139 = tpu.memref_squeeze %dma_wait3A_138 : memref<1x!tpu.dma_semaphore, #tpu.memory_space<semaphore_mem>> -> memref<!tpu.dma_semaphore, #tpu.memory_space<semaphore_mem>>
    %dma_wait3A_140 = arith.constant 0 : i32
    %dma_wait3A_141 = tpu.memref_slice %arg4[%select_n3A_129, %dma_wait3A_140] : memref<102400x128xf32, #tpu.memory_space<hbm>> -> memref<64x128xf32, #tpu.memory_space<hbm>>
    %dma_wait3A_142 = arith.constant 0 : i32
    %dma_wait3A_143 = arith.constant 0 : i32
    %dma_wait3A_144 = tpu.memref_slice %arg7[%dma_wait3A_130, %dma_wait3A_142, %dma_wait3A_143] : memref<2x64x128xf32, #tpu.memory_space<vmem>> -> memref<1x64x128xf32, #tpu.memory_space<vmem>>
    %dma_wait3A_145 = tpu.memref_squeeze %dma_wait3A_144 : memref<1x64x128xf32, #tpu.memory_space<vmem>> -> memref<64x128xf32, #tpu.memory_space<vmem>>
    tpu.wait_dma2 semaphore(%dma_wait3A_139 : memref<!tpu.dma_semaphore, #tpu.memory_space<semaphore_mem>>) src(%dma_wait3A_145 : memref<64x128xf32, #tpu.memory_space<vmem>>) dst(%dma_wait3A_141 : memref<64x128xf32, #tpu.memory_space<hbm>>)
    return
  }
}

module attributes {stable_mosaic.version = 14 : i64} {
  func.func @_proj_body(%arg0: i32, %arg1: i32, %arg2: memref<64x12800xf32, #tpu.memory_space<vmem>>, %arg3: memref<64x128xf32, #tpu.memory_space<vmem>>, %arg4: memref<1x128xf32, #tpu.memory_space<vmem>>, %arg5: memref<12800x128xf32, #tpu.memory_space<vmem>>) attributes {dimension_semantics = [#tpu.dimension_semantics<arbitrary>, #tpu.dimension_semantics<arbitrary>], iteration_bounds = array<i64: 8, 2>, scalar_prefetch = 0 : i64, scratch_operands = 0 : i64, tpu.core_type = #tpu.core_type<tc>, window_params = [{transform_indices = @transform_0, window_bounds = array<i64: 64, 12800>}, {transform_indices = @transform_1, window_bounds = array<i64: 64, 128>}, {pipeline_mode = #tpu.pipeline_mode<synchronous>, transform_indices = @transform_2, window_bounds = array<i64: 1, 128>}, {transform_indices = @transform_3, window_bounds = array<i64: 12800, 128>}]} {
    %get3A = arith.constant 0 : index
    %get3A_0 = arith.constant 0 : index
    %get3A_1 = vector.load %arg2[%get3A, %get3A_0] : memref<64x12800xf32, #tpu.memory_space<vmem>>, vector<64x12800xf32>
    %get3A_2 = arith.constant 0 : index
    %get3A_3 = arith.constant 0 : index
    %get3A_4 = vector.load %arg3[%get3A_2, %get3A_3] : memref<64x128xf32, #tpu.memory_space<vmem>>, vector<64x128xf32>
    %dot_general3A = arith.constant dense<0.000000e+00> : vector<12800x128xf32>
    %dot_general3A_5 = tpu.matmul %get3A_1, %get3A_4, %dot_general3A {dimension_numbers = #tpu.dot_dimension_numbers<[0], [0], [1], [1], [0, 1, 1, 1], [], []>, transpose_lhs_hint = false} : vector<64x12800xf32>, vector<64x128xf32>, vector<12800x128xf32> -> vector<12800x128xf32>
    %get3A_6 = arith.constant 0 : index
    %get3A_7 = arith.constant 0 : index
    %get3A_8 = vector.load %arg4[%get3A_6, %get3A_7] : memref<1x128xf32, #tpu.memory_space<vmem>>, vector<1x128xf32>
    %add3A = vector.broadcast %get3A_8 : vector<1x128xf32> to vector<12800x128xf32>
    %add3A_9 = arith.addf %dot_general3A_5, %add3A : vector<12800x128xf32>
    %swap3A = arith.constant 0 : index
    %swap3A_10 = arith.constant 0 : index
    %swap3A_11 = vector.load %arg5[%swap3A, %swap3A_10] : memref<12800x128xf32, #tpu.memory_space<vmem>>, vector<12800x128xf32>
    tpu.vector_store %arg5[%swap3A, %swap3A_10], %add3A_9 {strides = array<i32>} : memref<12800x128xf32, #tpu.memory_space<vmem>>, vector<12800x128xf32>,
    return
  }
  func.func @transform_0(%arg0: i32, %arg1: i32) -> (i32, i32) {
    %c0_i32 = arith.constant 0 : i32
    %c0_i32_0 = arith.constant 0 : i32
    return %c0_i32, %arg0 : i32, i32
  }
  func.func @transform_1(%arg0: i32, %arg1: i32) -> (i32, i32) {
    %c0_i32 = arith.constant 0 : i32
    %c0_i32_0 = arith.constant 0 : i32
    return %arg1, %c0_i32 : i32, i32
  }
  func.func @transform_2(%arg0: i32, %arg1: i32) -> (i32, i32) {
    %c0_i32 = arith.constant 0 : i32
    %c0_i32_0 = arith.constant 0 : i32
    %c0_i32_1 = arith.constant 0 : i32
    return %c0_i32, %c0_i32_0 : i32, i32
  }
  func.func @transform_3(%arg0: i32, %arg1: i32) -> (i32, i32) {
    %mul3A = arith.constant 8 : i32
    %mul3A_0 = arith.muli %arg1, %mul3A : i32
    %add3A = arith.addi %mul3A_0, %arg0 : i32
    %c0_i32 = arith.constant 0 : i32
    %c0_i32_1 = arith.constant 0 : i32
    return %add3A, %c0_i32 : i32, i32
  }
}

</mosaic_0001>

<sc_bundles>
// kernel: kernel.4.cloned.1.call-start
scs
__scs_entry_jumppad:
0x0: {  	(pc) =	sbr.rel $0x88, $3  }
0x1: {  	(tag) =	ssettag $0x0;
	lr =	simm.s32 $0x1  }
0x2: {  	[smem:$0x3F9D] =	sst lr;
	_ =	strace $0xD0000000  }
0x3: {  	_ = 	snop  }
0x4: {  	_ = 	snop  }
0x5: {  	_ = 	snop  }
0x6: {  	_ = 	snop  }
0x7: {  	_ = 	snop  }
__scs_overlays_trampoline_lowered:
0x8: {  	[smem:$0x3FAC] =	sst s0  }
0x9: {  	[smem:$0x3FAD] =	sst s1  }
0xa: {  	[smem:$0x3FAE] =	sst s2  }
0xb: {  	[smem:$0x3FAF] =	sst s3  }
0xc: {  	[smem:$0x3FB0] =	sst s4  }
0xd: {  	[smem:$0x3FB1] =	sst s5  }
0xe: {  	[smem:$0x3FB2] =	sst s6  }
0xf: {  	[smem:$0x3FB3] =	sst s7  }
0x10: {  	[smem:$0x3FB4] =	sst s8  }
0x11: {  	[smem:$0x3FB5] =	sst s9;
	s0 =	simm.s32 @!p0 $0x0  }
0x12: {  	s1 =	sld [smem:$0x3F9B];
	s0 =	simm.s32 @p0 $0x1  }
0x13: {  	[smem:$0x3FB6] =	sst s0;
	s0 =	simm.s32 @!p1 $0x0  }
0x14: {  	s2 =	sld [smem:$0x3F9A];
	s0 =	simm.s32 @p1 $0x1  }
0x15: {  	[smem:$0x3FB7] =	sst s0;
	s0 =	simm.s32 @!p2 $0x0  }
0x16: {  	s3 =	sld [smem:$0x3FDB];
	s0 =	simm.s32 @p2 $0x1  }
0x17: {  	s4 =	simm.s32 $0x1BF5;
	[smem:$0x3FB9] =	sst s0  }
0x18: {  	s0 =	sld [smem:$0x3F9C];
	_ =	swait.ge [sflag:s4], $0x0  }
0x19: {  	s7 =	sld [smem:$0x3F9D]  }
0x1a: {  	s8 =	sadd.s32 $0xFFFFE003, lr  }
0x1b: {  	s9 =	sadd.s32 $0xFFFFFEF7, lr;
	s5 =	simm.s32 $0xFFFFFFFF;
	p2 =	slt.u32 s8, $0xFFFFF086  }
0x1c: {  	p1 =	slt.u32 s9, $0xF7A;
	s5 =	simm.s32 @!p2 $0x0  }
0x1d: {  	s5 =	simm.s32 @p1 $0x1;
	p0 =	seq.s32 s7, s2  }
0x1e: {  	s7 =	smul.u32 @!p0 $0xF7A, s2;
	p2 =	seq.s32 @!p0 s5, $0x0  }
0x1f: {  	s9 =	smul.u32 $0xF7A, s1;
	s8 =	simm.s32 @!p0 $0x1BF5;
	p2 =	por !p2, p0  }
0x20: {  	[sflag:s8] =	ssyncset.s32 @!p0 $0xFFFFF086;
	s6 =	sadd.s32 @!p0 s3, s7;
	s7 =	simm.s32 @!p0 $0x108  }
0x21: {  	s3 =	sadd.s32 s3, s9;
	s6 =	sadd.s32 @!p0 $0x88, s6;
	s7 =	simm.s32 @p2 $0x1082  }
0x22: {  	[simem:s7], [sflag:s8] =	dma.local @!p0 [hbm:s6], $0xF7A  }
0x23: {  	s9 =	sor.u32 $0xD0000000, s2;
	s6 =	simm.s32 $0x108;
	_ =	swait.ge @!p0 [sflag:s8], $0x0  }
0x24: {  	s3 =	sadd.s32 $0x88, s3;
	s6 =	simm.s32 @!p1 $0x1082;
	[sflag:s4] =	ssyncset.s32 $0xFFFFF086  }
0x25: {  	[simem:s6], [sflag:s4] =	dma.local [hbm:s3], $0xF7A  }
0x26: {  	[smem:$0x3F9D] =	sst s1;
	(tag) =	ssettag s2;
	_ =	strace s9  }
0x27: {  	s1 =	sld [smem:$0x3FAD]  }
0x28: {  	s2 =	sld [smem:$0x3FAE]  }
0x29: {  	s4 =	sld [smem:$0x3FB0]  }
0x2a: {  	p0 =	seq.s32 s5, $0x0;
	s5 =	sld [smem:$0x3FB1]  }
0x2b: {  	s6 =	sld [smem:$0x3FB2]  }
0x2c: {  	s7 =	sld [smem:$0x3FB3]  }
0x2d: {  	s3 =	simm.s32 $0x108;
	s8 =	sld [smem:$0x3FB4]  }
0x2e: {  	s3 =	simm.s32 @!p0 $0x1082;
	s9 =	sld [smem:$0x3FB5]  }
0x2f: {  	lr =	sadd.s32 s0, s3;
	s0 =	sld [smem:$0x3FAC]  }
0x30: {  	s3 =	sld [smem:$0x3FAF]  }
0x31: {  	[smem:$0x3FB8] =	sst s10  }
0x32: {  	s10 =	sld [smem:$0x3FB6];
	_ =	sdelay $0x3  }
0x33: {  	p0 =	seq.s32 s10, $0x1;
	s10 =	sld [smem:$0x3FB8];
	_ =	sdelay $0x3  }
0x34: {  	[smem:$0x3FB8] =	sst s10  }
0x35: {  	s10 =	sld [smem:$0x3FB7];
	_ =	sdelay $0x3  }
0x36: {  	p1 =	seq.s32 s10, $0x1;
	s10 =	sld [smem:$0x3FB8];
	_ =	sdelay $0x3  }
0x37: {  	[smem:$0x3FB8] =	sst s10  }
0x38: {  	s10 =	sld [smem:$0x3FB9]  }
0x39: {  	_ = 	snop;
	(pc) =	sbr.ind lr, $3  }
0x3a: {  	_ = 	snop  }
0x3b: {  	_ = 	snop  }
0x3c: {  	p2 =	seq.s32 s10, $0x1;
	s10 =	sld [smem:$0x3FB8]  }
0x3d: {  	_ =	shalt  }
0x3e: {  	_ =	shalt  }
0x3f: {  	_ =	shalt  }
0x40: {  	_ =	shalt  }
0x41: {  	_ =	shalt  }
0x42: {  	_ =	shalt  }
0x43: {  	_ =	shalt  }
0x44: {  	_ =	shalt  }
0x45: {  	_ =	shalt  }
0x46: {  	_ =	shalt  }
0x47: {  	_ =	shalt  }
0x48: {  	_ =	shalt  }
0x49: {  	_ =	shalt  }
0x4a: {  	_ =	shalt  }
0x4b: {  	_ =	shalt  }
0x4c: {  	_ =	shalt  }
0x4d: {  	_ =	shalt  }
0x4e: {  	_ =	shalt  }
0x4f: {  	_ =	shalt  }
0x50: {  	_ =	shalt  }
0x51: {  	_ =	shalt  }
0x52: {  	_ =	shalt  }
0x53: {  	_ =	shalt  }
0x54: {  	_ =	shalt  }
0x55: {  	_ =	shalt  }
0x56: {  	_ =	shalt  }
0x57: {  	_ =	shalt  }
0x58: {  	_ =	shalt  }
0x59: {  	_ =	shalt  }
0x5a: {  	_ =	shalt  }
0x5b: {  	_ =	shalt  }
0x5c: {  	_ =	shalt  }
0x5d: {  	_ =	shalt  }
0x5e: {  	_ =	shalt  }
0x5f: {  	_ =	shalt  }
0x60: {  	_ =	shalt  }
0x61: {  	_ =	shalt  }
0x62: {  	_ =	shalt  }
0x63: {  	_ =	shalt  }
0x64: {  	_ =	shalt  }
0x65: {  	_ =	shalt  }
0x66: {  	_ =	shalt  }
0x67: {  	_ =	shalt  }
0x68: {  	_ =	shalt  }
0x69: {  	_ =	shalt  }
0x6a: {  	_ =	shalt  }
0x6b: {  	_ =	shalt  }
0x6c: {  	_ =	shalt  }
0x6d: {  	_ =	shalt  }
0x6e: {  	_ =	shalt  }
0x6f: {  	_ =	shalt  }
0x70: {  	_ =	shalt  }
0x71: {  	_ =	shalt  }
0x72: {  	_ =	shalt  }
0x73: {  	_ =	shalt  }
0x74: {  	_ =	shalt  }
0x75: {  	_ =	shalt  }
0x76: {  	_ =	shalt  }
0x77: {  	_ =	shalt  }
0x78: {  	_ =	shalt  }
0x79: {  	_ =	shalt  }
0x7a: {  	_ =	shalt  }
0x7b: {  	_ =	shalt  }
0x7c: {  	_ =	shalt  }
0x7d: {  	_ =	shalt  }
0x7e: {  	_ =	shalt  }
0x7f: {  	_ =	shalt  }
0x80: {  	_ =	shalt  }
0x81: {  	_ =	shalt  }
0x82: {  	_ =	shalt  }
0x83: {  	_ =	shalt  }
0x84: {  	_ =	shalt  }
0x85: {  	_ =	shalt  }
0x86: {  	_ =	shalt  }
0x87: {  	_ =	shalt  }
.Lfunc_end0:
.L_simem_size_0:
called_computation.1_lowered:
.L_overlay_start_0:
0x88: {  	s2 =	sld [smem:$0x3FD9]  }
0x89: {  	s3 =	sld [smem:$0x3FFE];
	_ =	sdelay $0x1  }
0x8a: {  	s1 =	srdreg.scid  }
0x8b: {  	s0 =	sand.u32 $0x1, s1  }
0x8c: {  	s17 =	sshll.u32 s0, $0xA;
	s2 =	sadd.s32 s3, s2  }
0x8d: {  	s2 =	sadd.s32 s2, s17  }
0x8e: {  	[smem:$0x3FC4] =	sst s2  }
0x8f: {  	_ = 	snop  }
0x90: {  	s2 =	sld [smem:$0x3FD0];
	(tm) =	ssettm $0x1  }
0x91: {  	s18 =	sld [smem:$0x3FFB];
	_ =	sdelay $0x3  }
0x92: {  	_ =	strace s18  }
0x93: {  	s3 =	sld [smem:$0x3FFC];
	_ =	sdelay $0x3  }
0x94: {  	_ =	strace s3  }
0x95: {  	s3 =	sld [smem:$0x3FFD];
	_ =	sdelay $0x3  }
0x96: {  	_ =	strace s3  }
0x97: {  	_ =	strace $0x8FFFFFFF  }
0x98: {  	s19 =	sld [smem:$0x3FDB];
	_ =	sdelay $0x1  }
0x99: {  	s4 =	simm.s32 $_scs_section_size  }
0x9a: {  	s5 =	simm.s32 $_size__tile_overlayer_lowered;
	s6 =	simm.s32 $_tile_overlayer_lowered  }
0x9b: {  	s22 =	simm.s32 $0x1BFF;
	s21 =	sshll.u32 s6, $0x1;
	s3 =	sadd.s32 s4, s19  }
0x9c: {  	s7 =	simm.s32 $0x0;
	s20 =	sshll.u32 s5, $0x1;
	s5 =	sadd.s32 s21, s3  }
0x9d: {  	[timem:s7], [sflag:s22] =	dma.local [hbm:s5], s20  }
0x9e: {  	_ =	swait.ge [sflag:s22], s20  }
0x9f: {  	s4 =	ssub.s32 $0x0, s20;
	[sflag:s22] =	ssyncset.done $0x0  }
0xa0: {  	[sflag:s22] =	ssyncadd.s32 s4;
	_ =	sdelay $0x1  }
0xa1: {  	s23 =	simm.s32 $0x1B8B  }
0xa2: {  	_ =	swait.ge [sflag:s23], $0x1  }
0xa3: {  	[sflag:s23] =	ssyncset.done $0x0  }
0xa4: {  	s25 =	simm.s32 $0x1B8E;
	s24 =	sld [smem:$0x3FFE];
	[sflag:s23] =	ssyncadd.s32 $0xFFFFFFFF  }
0xa5: {  	s26 =	simm.s32 $execute0_lowered;
	[smem:$0x3FD2] =	sst s25  }
0xa6: {  	s5 =	sshll.u32 s26, $0x1;
	_ =	strace $0x80000046;
	[dreg:$0x1] =	wrdreg $0xFFFFFFFF  }
0xa7: {  	s28 =	simm.s32 $_size_execute0_lowered;
	s3 =	sadd.s32 s3, s5;
	[dreg:$0x0] =	wrdreg $0x0  }
0xa8: {  	s5 =	sshll.u32 s28, $0x1;
	[dreg:$0x2] =	wrdreg s3  }
0xa9: {  	[dreg:$0x3] =	wrdreg s5  }
0xaa: {  	[dreg:$0x4] =	wrdreg $0xC0  }
0xab: {  	_ =	task [dreg:s7], $0x5FFFF  }
0xac: {  	[dreg:$0x1] =	wrdreg $0xFFFFFFFF  }
0xad: {  	[dreg:$0x0] =	wrdreg $0x60  }
0xae: {  	[dreg:$0x2] =	wrdreg s24  }
0xaf: {  	[dreg:$0x3] =	wrdreg s2  }
0xb0: {  	[dreg:$0x4] =	wrdreg $0x9  }
0xb1: {  	_ =	task.clear_ibuf [dreg:s7], $0x5FFFF;
	_ =	strace $0x90000046  }
0xb2: {  	s29 =	simm.s32 $0x9;
	_ =	strace $0x80000048  }
0xb3: {  	_ =	swait.ge [sflag:s29], $0x1  }
0xb4: {  	[sflag:s29] =	ssyncadd.s32 $0xFFFFFFFF  }
0xb5: {  	_ =	strace $0x90000048  }
0xb6: {  	_ =	sfence  }
0xb7: {  	s30 =	sld [smem:$0x0];
	_ =	sdelay $0x2  }
0xb8: {  	s31 =	sshll.u32 s1, $0xD;
	s1 =	sshrl.u32 s1, $0x2  }
0xb9: {  	s3 =	sand.u32 $0x4000, s31;
	s1 =	sadd.s32 s1, s30  }
0xba: {  	s0 =	sor.u32 s3, s0;
	s1 =	sshll.u32 s1, $0x11  }
0xbb: {  	s0 =	sor.u32 s1, s0  }
0xbc: {  	s0 =	sadd.s32 $0x8F2B, s0  }
0xbd: {  	[sflag:s0] =	ssyncadd.remote.s32 $0x1  }
0xbe: {  	_ =	sfence.sel $0xFFFF  }
0xbf: {  	[dreg:$0x0] =	wrdreg $0xFFFFFFFF;
	(pc) =	sbr.abs _section_cstart, $3  }
0xc0: {  	[dreg:$0x1] =	wrdreg $0xFFFFFFFF  }
0xc1: {  	_ =	task.clear_ibuf [dreg:s7], $0x2FFFF;
	_ =	strace $0x9FFFFFFF  }
0xc2: {  	(tm) =	ssettm $0x7FFFFFFF  }
0xc3: {  	_ =	shalt  }
tec
execute0_lowered:
.L_overlay_start_1:
0x0: {  	(tag) =	ssettag $0x1  }
0x1: {  	s0 =	rddreg [dreg:$0x0];
	s1 =	srdreg.scid  }
0x2: {  	s3 =	stileid.u32;
	s2 =	rddreg [dreg:$0x1];
	s8 =	simm.s32 $0x1900  }
0x3: {  	s10 =	simm.s32 $0x5;
	s11 =	simm.s32 $0x80;
	s13 =	simm.s32 $0x8400  }
0x4: {  	s14 =	simm.s32 $0x3200;
	s15 =	simm.s32 $0xA400;
	s16 =	simm.s32 $0x4B00  }
0x5: {  	s17 =	simm.s32 $0xC400;
	s18 =	simm.s32 $0xE400;
	s19 =	simm.s32 $0x10400  }
0x6: {  	s20 =	simm.s32 $0x12400;
	s21 =	simm.s32 $0x14400;
	s22 =	simm.s32 $0x1  }
0x7: {  	s23 =	simm.s32 $0x16400;
	s24 =	simm.s32 $0x2;
	s25 =	simm.s32 $0x18400  }
0x8: {  	s26 =	simm.s32 $0x3;
	s1 =	sand.u32 $0x1, s1;
	s4 =	sshll.u32 s3, $0x1  }
0x9: {  	s28 =	simm.s32 $0x4;
	s3 =	simm.s32 $0x0;
	s6 =	sor.u32 s1, s4  }
0xa: {  	[smem:$0x7FF] =	sst s3;
	s1 =	ssub.s32 $0x2, s1;
	s4 =	smul.u32 $0x320, s6  }
0xb: {  	s29 =	simm.s32 $0x0;
	_ =	strace $0x80000047;
	s5 =	sshrl.u32 s1, $0x1  }
0xc: {  	s6 =	smul.u32 $0x64000, s6;
	s31 =	ssub.s32 s1, s5;
	s7 =	sadd.s32 s4, s0  }
0xd: {  	s4 =	sadd.s32 $0x19C00, s0;
	s5 =	sadd.s32 $0xC00, s7;
	s7 =	smax.u32 s31, $0x1  }
.LBB2_1:
0xe: {  	s0 =	simm.s32 $0x32000  }
0xf: {  	[tilespmem:s3], [sflag:$0x5] =	stream.strided.gather [hbm4b:s5+s8], $0x6400, s0, s8, $0x38;
	[tilespmem:$0x1A400] =	vst v63  }
0x10: {  	_ =	swait.ge [sflag:s10], $0x6400  }
0x11: {  	[sflag:s10] =	ssyncset.done $0x0  }
0x12: {  	s31 =	simm.s32 $0x6400;
	[sflag:s10] =	ssyncadd.s32 $0xFFFF9C00  }
0x13: {  	[tilespmem:s31], [sflag:$0x1] =	stream.indirect.gather [hbm4b:s4+s11], $0x40, s3, s11, $0xb8;
	[tilespmem:$0x1A400] =	vst v63  }
0x14: {  	_ = 	snop  }
0x15: {  	[tilespmem:s13], [sflag:$0x1] =	stream.indirect.gather [hbm4b:s4+s11], $0x40, s8, s11, $0xb8;
	[tilespmem:$0x1A400] =	vst v63  }
0x16: {  	_ = 	snop  }
0x17: {  	[tilespmem:s15], [sflag:$0x1] =	stream.indirect.gather [hbm4b:s4+s11], $0x40, s14, s11, $0xb8;
	[tilespmem:$0x1A400] =	vst v63  }
0x18: {  	s30 =	simm.s32 $0x0  }
0x19: {  	[tilespmem:s17], [sflag:$0x1] =	stream.indirect.gather [hbm4b:s4+s11], $0x40, s16, s11, $0xb8;
	[tilespmem:$0x1A400] =	vst v63  }
.LBB2_2:
0x1a: {  	s31 =	sshllo.u32 s30, $0x1  }
0x1b: {  	s0 =	sshll.u32 s31, $0x7  }
0x1c: {  	s0 =	sand.u32 $0x3FFFFF80, s0  }
0x1d: {  	[tilespmem:s18], [sflag:$0x2] =	stream.indirect.gather [hbm4b:s4+s11], $0x40, s0, s11, $0xb8;
	[tilespmem:$0x1A400] =	vst v63  }
0x1e: {  	s1 =	sadd.s32 $0x1900, s0  }
0x1f: {  	[tilespmem:s19], [sflag:$0x2] =	stream.indirect.gather [hbm4b:s4+s11], $0x40, s1, s11, $0xb8;
	[tilespmem:$0x1A400] =	vst v63  }
0x20: {  	s12 =	sadd.s32 $0x3200, s0  }
0x21: {  	[tilespmem:s20], [sflag:$0x2] =	stream.indirect.gather [hbm4b:s4+s11], $0x40, s12, s11, $0xb8;
	[tilespmem:$0x1A400] =	vst v63  }
0x22: {  	s0 =	sadd.s32 $0x4B00, s0  }
0x23: {  	[tilespmem:s21], [sflag:$0x2] =	stream.indirect.gather [hbm4b:s4+s11], $0x40, s0, s11, $0xb8;
	[tilespmem:$0x1A400] =	vst v63  }
0x24: {  	_ =	swait.ge [sflag:s22], $0x2000  }
0x25: {  	[sflag:s22] =	ssyncset.done $0x0  }
0x26: {  	[sflag:s22] =	ssyncadd.s32 $0xFFFFE000  }
0x27: {  	_ =	swait.ge [sflag:s22], $0x2000  }
0x28: {  	[sflag:s22] =	ssyncset.done $0x0  }
0x29: {  	[sflag:s22] =	ssyncadd.s32 $0xFFFFE000  }
0x2a: {  	_ =	swait.ge [sflag:s22], $0x2000  }
0x2b: {  	[sflag:s22] =	ssyncset.done $0x0  }
0x2c: {  	[sflag:s22] =	ssyncadd.s32 $0xFFFFE000  }
0x2d: {  	_ =	swait.ge [sflag:s22], $0x2000  }
0x2e: {  	p0 =	seq.s32 s30, $0x0;
	[sflag:s22] =	ssyncset.done $0x0  }
0x2f: {  	s0 =	simm.s32 @!p0 $0x3;
	[sflag:s22] =	ssyncadd.s32 $0xFFFFE000  }
0x30: {  	_ =	swait.ge @!p0 [sflag:s0], $0x2000  }
0x31: {  	[sflag:s0] =	ssyncset.done @!p0 $0x0  }
0x32: {  	s1 =	simm.s32 $0x0;
	[sflag:s0] =	ssyncadd.s32 @!p0 $0xFFFFE000  }
0x33: {  	v0 =	vld [tilespmem:s1+$0x64F0]  }
0x34: {  	v1 =	vld [tilespmem:s1+$0x84F0]  }
0x35: {  	v2 =	vld [tilespmem:s1+$0x6400]  }
0x36: {  	v3 =	vld [tilespmem:s1+$0xA4F0]  }
0x37: {  	v4 =	vld [tilespmem:s1+$0x8400]  }
0x38: {  	v5 =	vld [tilespmem:s1+$0xC4F0]  }
0x39: {  	v6 =	vld [tilespmem:s1+$0x6410]  }
0x3a: {  	v7 =	vld [tilespmem:s1+$0x6420]  }
0x3b: {  	v8 =	vld [tilespmem:s1+$0x6430]  }
0x3c: {  	v9 =	vld [tilespmem:s1+$0x6440]  }
0x3d: {  	v10 =	vld [tilespmem:s1+$0x6450]  }
0x3e: {  	v11 =	vld [tilespmem:s1+$0x8450]  }
0x3f: {  	v12 =	vld [tilespmem:s1+$0x6460]  }
0x40: {  	v13 =	vld [tilespmem:s1+$0x8460]  }
0x41: {  	v14 =	vld [tilespmem:s1+$0x6470]  }
0x42: {  	v15 =	vld [tilespmem:s1+$0x8470]  }
0x43: {  	v16 =	vld [tilespmem:s1+$0x6480]  }
0x44: {  	v17 =	vld [tilespmem:s1+$0x8480]  }
0x45: {  	v18 =	vld [tilespmem:s1+$0x6490]  }
0x46: {  	v19 =	vld [tilespmem:s1+$0x8490]  }
0x47: {  	v20 =	vld [tilespmem:s1+$0x64A0]  }
0x48: {  	v21 =	vld [tilespmem:s1+$0x84A0]  }
0x49: {  	v22 =	vld [tilespmem:s1+$0x64B0]  }
0x4a: {  	v23 =	vld [tilespmem:s1+$0x84B0]  }
0x4b: {  	v24 =	vld [tilespmem:s1+$0x64C0]  }
0x4c: {  	v25 =	vld [tilespmem:s1+$0x84C0]  }
0x4d: {  	v26 =	vld [tilespmem:s1+$0x64D0]  }
0x4e: {  	v27 =	vld [tilespmem:s1+$0x84D0]  }
0x4f: {  	v28 =	vld [tilespmem:s1+$0x64E0]  }
0x50: {  	v29 =	vld [tilespmem:s1+$0x84E0]  }
0x51: {  	v30 =	vld [tilespmem:s1+$0xA400]  }
0x52: {  	v31 =	vld [tilespmem:s1+$0xA410]  }
0x53: {  	v32 =	vld [tilespmem:s1+$0xA420]  }
0x54: {  	v33 =	vld [tilespmem:s1+$0xA430]  }
0x55: {  	v34 =	vld [tilespmem:s1+$0xA440]  }
0x56: {  	v35 =	vld [tilespmem:s1+$0xA450]  }
0x57: {  	v36 =	vld [tilespmem:s1+$0xA460]  }
0x58: {  	v37 =	vld [tilespmem:s1+$0xA470]  }
0x59: {  	v38 =	vld [tilespmem:s1+$0xA480]  }
0x5a: {  	v39 =	vld [tilespmem:s1+$0xA490];
	v0 =	vadd.f32 v1, v0  }
0x5b: {  	v45 =	vld [tilespmem:s1+$0xC400]  }
0x5c: {  	v1 =	vld [tilespmem:s1+$0x8410];
	v2 =	vadd.f32 v4, v2;
	v0 =	vadd.f32 v3, v0  }
0x5d: {  	v3 =	vld [tilespmem:s1+$0x8420]  }
0x5e: {  	v2 =	vadd.f32 v30, v2;
	v0 =	vadd.f32 v5, v0;
	v5 =	vld [tilespmem:s1+$0x8430]  }
0x5f: {  	v40 =	vld [tilespmem:s1+$0xA4A0];
	v61 =	vadd.f32 v25, v24  }
0x60: {  	v4 =	vld [tilespmem:s1+$0xC410];
	v62 =	vadd.f32 v27, v26;
	v2 =	vadd.f32 v45, v2  }
0x61: {  	v63 =	vadd.f32 v29, v28;
	v1 =	vadd.f32 v1, v6;
	v6 =	vld [tilespmem:s1+$0xC420];
	[tilespmem:s1+$0x164F0] =	vst v0  }
0x62: {  	v0 =	vld [tilespmem:s1+$0x8440];
	[tilespmem:s1+$0x16400] =	vst v2;
	v2 =	vadd.f32 v17, v16;
	v3 =	vadd.f32 v3, v7  }
0x63: {  	v41 =	vld [tilespmem:s1+$0xA4B0];
	v1 =	vadd.f32 v31, v1;
	v5 =	vadd.f32 v5, v8  }
0x64: {  	v42 =	vld [tilespmem:s1+$0xA4C0];
	v8 =	vadd.f32 v11, v10;
	v11 =	vadd.f32 v13, v12  }
0x65: {  	v7 =	vld [tilespmem:s1+$0xC430];
	v12 =	vadd.f32 v15, v14;
	v3 =	vadd.f32 v32, v3  }
0x66: {  	v10 =	vld [tilespmem:s1+$0xC450];
	v1 =	vadd.f32 v4, v1;
	v4 =	vadd.f32 v19, v18  }
0x67: {  	v0 =	vadd.f32 v0, v9;
	v9 =	vld [tilespmem:s1+$0xC440];
	v3 =	vadd.f32 v6, v3  }
0x68: {  	v43 =	vld [tilespmem:s1+$0xA4D0];
	v15 =	vadd.f32 v23, v22;
	v5 =	vadd.f32 v33, v5;
	[tilespmem:s1+$0x16410] =	vst v1  }
0x69: {  	v13 =	vld [tilespmem:s1+$0xC460];
	v1 =	vadd.f32 v21, v20;
	[tilespmem:s1+$0x16420] =	vst v3;
	v3 =	vadd.f32 v35, v8  }
0x6a: {  	v44 =	vld [tilespmem:s1+$0xA4E0];
	v0 =	vadd.f32 v34, v0;
	v5 =	vadd.f32 v7, v5  }
0x6b: {  	v14 =	vld [tilespmem:s1+$0xC470];
	v3 =	vadd.f32 v10, v3;
	v10 =	vadd.f32 v38, v2  }
0x6c: {  	v60 =	vld [tilespmem:s1+$0xC480];
	v0 =	vadd.f32 v9, v0;
	v9 =	vadd.f32 v36, v11  }
0x6d: {  	v6 =	vld [tilespmem:s1+$0xC490];
	[tilespmem:s1+$0x16430] =	vst v5;
	v5 =	vadd.f32 v39, v4;
	v4 =	vadd.f32 v40, v1  }
0x6e: {  	v7 =	vld [tilespmem:s1+$0xC4A0];
	v11 =	vadd.f32 v37, v12;
	v12 =	vadd.f32 v13, v9  }
0x6f: {  	v8 =	vld [tilespmem:s1+$0xC4B0];
	v2 =	vadd.f32 v42, v61;
	v1 =	vadd.f32 v43, v62;
	[tilespmem:s1+$0x16450] =	vst v3  }
0x70: {  	v3 =	vadd.f32 v41, v15;
	v9 =	vld [tilespmem:s1+$0xC4C0];
	[tilespmem:s1+$0x16460] =	vst v12;
	v12 =	vadd.f32 v14, v11  }
0x71: {  	s9 =	simm.s32 $0x400;
	s0 =	simm.s32 $0x0;
	[tilespmem:s1+$0x16440] =	vst v0;
	v0 =	vadd.f32 v44, v63;
	v11 =	vadd.f32 v60, v10;
	v10 =	vld [tilespmem:s1+$0xC4D0]  }
.LBB2_3:
0x72: {  	s12 =	sshra.s32 s9, $0x2;
	[tilespmem:s1+$0x16470] =	vst v12;
	v5 =	vadd.f32 v6, v5;
	v6 =	vld [tilespmem:s1+$0xC4E0]  }
0x73: {  	s0 =	sadd.s32 $0x2, s0;
	v12 =	vld [tilespmem:s12+$0x64F0];
	[tilespmem:s1+$0x16480] =	vst v11;
	v4 =	vadd.f32 v7, v4  }
0x74: {  	p1 =	slt.u32 s0, $0x3E;
	v7 =	vld [tilespmem:s12+$0x84F0];
	[tilespmem:s1+$0x16490] =	vst v5;
	v3 =	vadd.f32 v8, v3  }
0x75: {  	v5 =	vld [tilespmem:s12+$0x6400];
	[tilespmem:s1+$0x164A0] =	vst v4;
	v2 =	vadd.f32 v9, v2  }
0x76: {  	v4 =	vld [tilespmem:s12+$0xA4F0];
	[tilespmem:s1+$0x164B0] =	vst v3;
	v1 =	vadd.f32 v10, v1  }
0x77: {  	v3 =	vld [tilespmem:s12+$0x8400];
	[tilespmem:s1+$0x164C0] =	vst v2;
	v0 =	vadd.f32 v6, v0  }
0x78: {  	v2 =	vld [tilespmem:s12+$0xC4F0];
	[tilespmem:s1+$0x164D0] =	vst v1  }
0x79: {  	v1 =	vld [tilespmem:s12+$0x6410];
	v6 =	vadd.f32 v7, v12;
	[tilespmem:s1+$0x164E0] =	vst v0;
	s1 =	smov.u32 s12  }
0x7a: {  	v0 =	vld [tilespmem:s1+$0x8410]  }
0x7b: {  	v7 =	vld [tilespmem:s1+$0x6420];
	v4 =	vadd.f32 v4, v6  }
0x7c: {  	v3 =	vadd.f32 v3, v5;
	v5 =	vld [tilespmem:s1+$0x8420]  }
0x7d: {  	v6 =	vld [tilespmem:s1+$0x6430];
	v2 =	vadd.f32 v2, v4  }
0x7e: {  	v4 =	vld [tilespmem:s1+$0x8430]  }
0x7f: {  	v0 =	vadd.f32 v0, v1;
	v1 =	vld [tilespmem:s1+$0x6440];
	[tilespmem:s1+$0x164F0] =	vst v2  }
0x80: {  	v2 =	vld [tilespmem:s1+$0x8440]  }
0x81: {  	v5 =	vadd.f32 v5, v7;
	v7 =	vld [tilespmem:s1+$0x6450]  }
0x82: {  	v8 =	vld [tilespmem:s1+$0x8450]  }
0x83: {  	v4 =	vadd.f32 v4, v6;
	v6 =	vld [tilespmem:s1+$0x6460]  }
0x84: {  	v9 =	vld [tilespmem:s1+$0x8460]  }
0x85: {  	v1 =	vadd.f32 v2, v1;
	v2 =	vld [tilespmem:s1+$0x6470]  }
0x86: {  	v10 =	vld [tilespmem:s1+$0x8470]  }
0x87: {  	v7 =	vadd.f32 v8, v7;
	v8 =	vld [tilespmem:s1+$0x6480]  }
0x88: {  	v11 =	vld [tilespmem:s1+$0x8480]  }
0x89: {  	v6 =	vadd.f32 v9, v6;
	v9 =	vld [tilespmem:s1+$0x6490]  }
0x8a: {  	v12 =	vld [tilespmem:s1+$0x8490]  }
0x8b: {  	v2 =	vadd.f32 v10, v2;
	v10 =	vld [tilespmem:s1+$0x64A0]  }
0x8c: {  	v13 =	vld [tilespmem:s1+$0x84A0]  }
0x8d: {  	v8 =	vadd.f32 v11, v8;
	v11 =	vld [tilespmem:s1+$0x64B0]  }
0x8e: {  	v14 =	vld [tilespmem:s1+$0x84B0]  }
0x8f: {  	v9 =	vadd.f32 v12, v9;
	v12 =	vld [tilespmem:s1+$0x64C0]  }
0x90: {  	v15 =	vld [tilespmem:s1+$0x84C0]  }
0x91: {  	v10 =	vadd.f32 v13, v10;
	v13 =	vld [tilespmem:s1+$0x64D0]  }
0x92: {  	v16 =	vld [tilespmem:s1+$0x84D0]  }
0x93: {  	v11 =	vadd.f32 v14, v11;
	v14 =	vld [tilespmem:s1+$0x64E0]  }
0x94: {  	v17 =	vld [tilespmem:s1+$0x84E0]  }
0x95: {  	v18 =	vld [tilespmem:s1+$0xA400];
	v12 =	vadd.f32 v15, v12  }
0x96: {  	v15 =	vld [tilespmem:s1+$0xA410]  }
0x97: {  	v19 =	vld [tilespmem:s1+$0xA420];
	v13 =	vadd.f32 v16, v13  }
0x98: {  	v16 =	vld [tilespmem:s1+$0xA430]  }
0x99: {  	v20 =	vld [tilespmem:s1+$0xA440];
	v14 =	vadd.f32 v17, v14  }
0x9a: {  	v17 =	vadd.f32 v18, v3;
	v3 =	vld [tilespmem:s1+$0xA450]  }
0x9b: {  	v15 =	vadd.f32 v15, v0;
	v0 =	vld [tilespmem:s1+$0xA460]  }
0x9c: {  	v18 =	vadd.f32 v19, v5;
	v5 =	vld [tilespmem:s1+$0xA470]  }
0x9d: {  	v16 =	vadd.f32 v16, v4;
	v4 =	vld [tilespmem:s1+$0xA480]  }
0x9e: {  	v19 =	vadd.f32 v20, v1;
	v1 =	vld [tilespmem:s1+$0xA490]  }
0x9f: {  	v7 =	vadd.f32 v3, v7;
	v3 =	vld [tilespmem:s1+$0xA4A0]  }
0xa0: {  	v20 =	vadd.f32 v0, v6;
	v0 =	vld [tilespmem:s1+$0xA4B0]  }
0xa1: {  	v21 =	vadd.f32 v5, v2;
	v2 =	vld [tilespmem:s1+$0xA4C0]  }
0xa2: {  	v22 =	vadd.f32 v4, v8;
	v6 =	vld [tilespmem:s1+$0xA4D0]  }
0xa3: {  	v5 =	vadd.f32 v1, v9;
	v8 =	vld [tilespmem:s1+$0xA4E0]  }
0xa4: {  	v9 =	vld [tilespmem:s1+$0xC400];
	v4 =	vadd.f32 v3, v10  }
0xa5: {  	v10 =	vld [tilespmem:s1+$0xC410];
	v3 =	vadd.f32 v0, v11  }
0xa6: {  	v11 =	vld [tilespmem:s1+$0xC420];
	v2 =	vadd.f32 v2, v12  }
0xa7: {  	v12 =	vld [tilespmem:s1+$0xC430];
	v1 =	vadd.f32 v6, v13  }
0xa8: {  	v6 =	vld [tilespmem:s1+$0xC440];
	v0 =	vadd.f32 v8, v14  }
0xa9: {  	v8 =	vadd.f32 v9, v17;
	v9 =	vld [tilespmem:s1+$0xC450]  }
0xaa: {  	v10 =	vadd.f32 v10, v15;
	v13 =	vld [tilespmem:s1+$0xC460]  }
0xab: {  	[tilespmem:s1+$0x16400] =	vst v8;
	v8 =	vadd.f32 v11, v18;
	v11 =	vld [tilespmem:s1+$0xC470]  }
0xac: {  	[tilespmem:s1+$0x16410] =	vst v10;
	v10 =	vadd.f32 v12, v16;
	v14 =	vld [tilespmem:s1+$0xC480]  }
.Ltmp0:
0xad: {  	[tilespmem:s1+$0x16420] =	vst v8;
	v8 =	vadd.f32 v6, v19;
	v6 =	vld [tilespmem:s1+$0xC490];
	(pc) =	sbr.rel @p1 .LBB2_3-.Ltmp0, $4  }
0xae: {  	[tilespmem:s1+$0x16430] =	vst v10;
	v9 =	vadd.f32 v9, v7;
	v7 =	vld [tilespmem:s1+$0xC4A0]  }
0xaf: {  	[tilespmem:s1+$0x16440] =	vst v8;
	v10 =	vadd.f32 v13, v20;
	v8 =	vld [tilespmem:s1+$0xC4B0]  }
0xb0: {  	[tilespmem:s1+$0x16450] =	vst v9;
	v12 =	vadd.f32 v11, v21;
	v9 =	vld [tilespmem:s1+$0xC4C0]  }
0xb1: {  	s9 =	sadd.s32 $0x400, s9;
	[tilespmem:s1+$0x16460] =	vst v10;
	v11 =	vadd.f32 v14, v22;
	v10 =	vld [tilespmem:s1+$0xC4D0]  }
0xb2: {  	[tilespmem:s1+$0x16470] =	vst v12;
	v5 =	vadd.f32 v6, v5;
	v6 =	vld [tilespmem:s1+$0xC4E0]  }
0xb3: {  	[tilespmem:s1+$0x16480] =	vst v11;
	v4 =	vadd.f32 v7, v4  }
0xb4: {  	[tilespmem:s1+$0x16490] =	vst v5;
	v3 =	vadd.f32 v8, v3  }
0xb5: {  	[tilespmem:s1+$0x164A0] =	vst v4;
	v2 =	vadd.f32 v9, v2  }
0xb6: {  	s0 =	sshll.u32 s30, $0xE;
	[tilespmem:s1+$0x164B0] =	vst v3;
	v1 =	vadd.f32 v10, v1  }
0xb7: {  	s0 =	sadd.s32 s6, s0;
	[tilespmem:s1+$0x164C0] =	vst v2;
	v0 =	vadd.f32 v6, v0  }
0xb8: {  	s0 =	sshrl.u32 s0, $0x3;
	[tilespmem:s1+$0x164D0] =	vst v1  }
0xb9: {  	p1 =	seq.s32 s30, $0x18;
	s0 =	sadd.s32 s2, s0;
	[tilespmem:s1+$0x164E0] =	vst v0  }
0xba: {  	[hbm4b:s0+s3] =	stream.linear.scatter [tilespmem:s23], [sflag:$0x3], $0x2000, $0x38;
	[tilespmem:$0x1A400] =	vst v63  }
0xbb: {  	s0 =	sshll.u32 @!p1 s30, $0x8  }
0xbc: {  	s0 =	sand.u32 @!p1 $0x3FFFFF00, s0  }
0xbd: {  	s9 =	simm.s32 @!p1 $0x80;
	s12 =	simm.s32 @!p1 $0x6400;
	s1 =	sadd.s32 @!p1 $0x100, s0  }
0xbe: {  	[tilespmem:s12], [sflag:$0x1] =	stream.indirect.gather @!p1 [hbm4b:s4+s9], $0x40, s1, s9, $0xb8;
	[tilespmem:$0x1A400] =	vst v63  }
0xbf: {  	s1 =	sadd.s32 @!p1 $0x1A00, s0;
	s12 =	simm.s32 @!p1 $0x8400  }
0xc0: {  	[tilespmem:s12], [sflag:$0x1] =	stream.indirect.gather @!p1 [hbm4b:s4+s9], $0x40, s1, s9, $0xb8;
	[tilespmem:$0x1A400] =	vst v63  }
0xc1: {  	s1 =	sadd.s32 @!p1 $0x3300, s0;
	s12 =	simm.s32 @!p1 $0xA400  }
0xc2: {  	[tilespmem:s12], [sflag:$0x1] =	stream.indirect.gather @!p1 [hbm4b:s4+s9], $0x40, s1, s9, $0xb8;
	[tilespmem:$0x1A400] =	vst v63  }
0xc3: {  	s0 =	sadd.s32 @!p1 $0x4C00, s0;
	s1 =	simm.s32 @!p1 $0xC400  }
0xc4: {  	[tilespmem:s1], [sflag:$0x1] =	stream.indirect.gather @!p1 [hbm4b:s4+s9], $0x40, s0, s9, $0xb8;
	[tilespmem:$0x1A400] =	vst v63  }
0xc5: {  	_ =	swait.ge [sflag:s24], $0x2000  }
0xc6: {  	[sflag:s24] =	ssyncset.done $0x0  }
0xc7: {  	[sflag:s24] =	ssyncadd.s32 $0xFFFFE000  }
0xc8: {  	_ =	swait.ge [sflag:s24], $0x2000  }
0xc9: {  	[sflag:s24] =	ssyncset.done $0x0  }
0xca: {  	[sflag:s24] =	ssyncadd.s32 $0xFFFFE000  }
0xcb: {  	_ =	swait.ge [sflag:s24], $0x2000  }
0xcc: {  	[sflag:s24] =	ssyncset.done $0x0  }
0xcd: {  	[sflag:s24] =	ssyncadd.s32 $0xFFFFE000  }
0xce: {  	_ =	swait.ge [sflag:s24], $0x2000  }
0xcf: {  	[sflag:s24] =	ssyncset.done $0x0  }
0xd0: {  	s0 =	simm.s32 @!p0 $0x4;
	[sflag:s24] =	ssyncadd.s32 $0xFFFFE000  }
0xd1: {  	_ =	swait.ge @!p0 [sflag:s0], $0x2000  }
0xd2: {  	[sflag:s0] =	ssyncset.done @!p0 $0x0  }
0xd3: {  	s1 =	simm.s32 $0x0;
	[sflag:s0] =	ssyncadd.s32 @!p0 $0xFFFFE000  }
0xd4: {  	v0 =	vld [tilespmem:s1+$0xE4F0]  }
0xd5: {  	v1 =	vld [tilespmem:s1+$0x104F0]  }
0xd6: {  	v2 =	vld [tilespmem:s1+$0xE400]  }
0xd7: {  	v3 =	vld [tilespmem:s1+$0x124F0]  }
0xd8: {  	v4 =	vld [tilespmem:s1+$0x10400]  }
0xd9: {  	v5 =	vld [tilespmem:s1+$0x144F0]  }
0xda: {  	v6 =	vld [tilespmem:s1+$0xE410]  }
0xdb: {  	v7 =	vld [tilespmem:s1+$0xE420]  }
0xdc: {  	v8 =	vld [tilespmem:s1+$0xE430]  }
0xdd: {  	v9 =	vld [tilespmem:s1+$0xE440]  }
0xde: {  	v10 =	vld [tilespmem:s1+$0xE450]  }
0xdf: {  	v11 =	vld [tilespmem:s1+$0x10450]  }
0xe0: {  	v12 =	vld [tilespmem:s1+$0xE460]  }
0xe1: {  	v13 =	vld [tilespmem:s1+$0x10460]  }
0xe2: {  	v14 =	vld [tilespmem:s1+$0xE470]  }
0xe3: {  	v15 =	vld [tilespmem:s1+$0x10470]  }
0xe4: {  	v16 =	vld [tilespmem:s1+$0xE480]  }
0xe5: {  	v17 =	vld [tilespmem:s1+$0x10480]  }
0xe6: {  	v18 =	vld [tilespmem:s1+$0xE490]  }
0xe7: {  	v19 =	vld [tilespmem:s1+$0x10490]  }
0xe8: {  	v20 =	vld [tilespmem:s1+$0xE4A0]  }
0xe9: {  	v21 =	vld [tilespmem:s1+$0x104A0]  }
0xea: {  	v22 =	vld [tilespmem:s1+$0xE4B0]  }
0xeb: {  	v23 =	vld [tilespmem:s1+$0x104B0]  }
0xec: {  	v24 =	vld [tilespmem:s1+$0xE4C0]  }
0xed: {  	v25 =	vld [tilespmem:s1+$0x104C0]  }
0xee: {  	v26 =	vld [tilespmem:s1+$0xE4D0]  }
0xef: {  	v27 =	vld [tilespmem:s1+$0x104D0]  }
0xf0: {  	v28 =	vld [tilespmem:s1+$0xE4E0]  }
0xf1: {  	v29 =	vld [tilespmem:s1+$0x104E0]  }
0xf2: {  	v30 =	vld [tilespmem:s1+$0x12400]  }
0xf3: {  	v31 =	vld [tilespmem:s1+$0x12410]  }
0xf4: {  	v32 =	vld [tilespmem:s1+$0x12420]  }
0xf5: {  	v33 =	vld [tilespmem:s1+$0x12430]  }
0xf6: {  	v34 =	vld [tilespmem:s1+$0x12440]  }
0xf7: {  	v35 =	vld [tilespmem:s1+$0x12450]  }
0xf8: {  	v36 =	vld [tilespmem:s1+$0x12460]  }
0xf9: {  	v37 =	vld [tilespmem:s1+$0x12470]  }
0xfa: {  	v38 =	vld [tilespmem:s1+$0x12480]  }
0xfb: {  	v39 =	vld [tilespmem:s1+$0x12490];
	v0 =	vadd.f32 v1, v0  }
0xfc: {  	v45 =	vld [tilespmem:s1+$0x14400]  }
0xfd: {  	v1 =	vld [tilespmem:s1+$0x10410];
	v2 =	vadd.f32 v4, v2;
	v0 =	vadd.f32 v3, v0  }
0xfe: {  	v3 =	vld [tilespmem:s1+$0x10420]  }
0xff: {  	v2 =	vadd.f32 v30, v2;
	v0 =	vadd.f32 v5, v0;
	v5 =	vld [tilespmem:s1+$0x10430]  }
0x100: {  	v40 =	vld [tilespmem:s1+$0x124A0];
	v61 =	vadd.f32 v25, v24  }
0x101: {  	v4 =	vld [tilespmem:s1+$0x14410];
	v62 =	vadd.f32 v27, v26;
	v2 =	vadd.f32 v45, v2  }
0x102: {  	v63 =	vadd.f32 v29, v28;
	v1 =	vadd.f32 v1, v6;
	v6 =	vld [tilespmem:s1+$0x14420];
	[tilespmem:s1+$0x184F0] =	vst v0  }
0x103: {  	v0 =	vld [tilespmem:s1+$0x10440];
	[tilespmem:s1+$0x18400] =	vst v2;
	v2 =	vadd.f32 v17, v16;
	v3 =	vadd.f32 v3, v7  }
0x104: {  	v41 =	vld [tilespmem:s1+$0x124B0];
	v1 =	vadd.f32 v31, v1;
	v5 =	vadd.f32 v5, v8  }
0x105: {  	v42 =	vld [tilespmem:s1+$0x124C0];
	v8 =	vadd.f32 v11, v10;
	v11 =	vadd.f32 v13, v12  }
0x106: {  	v7 =	vld [tilespmem:s1+$0x14430];
	v12 =	vadd.f32 v15, v14;
	v3 =	vadd.f32 v32, v3  }
0x107: {  	v10 =	vld [tilespmem:s1+$0x14450];
	v1 =	vadd.f32 v4, v1;
	v4 =	vadd.f32 v19, v18  }
0x108: {  	v0 =	vadd.f32 v0, v9;
	v9 =	vld [tilespmem:s1+$0x14440];
	v3 =	vadd.f32 v6, v3  }
0x109: {  	v43 =	vld [tilespmem:s1+$0x124D0];
	v15 =	vadd.f32 v23, v22;
	v5 =	vadd.f32 v33, v5;
	[tilespmem:s1+$0x18410] =	vst v1  }
0x10a: {  	v13 =	vld [tilespmem:s1+$0x14460];
	v1 =	vadd.f32 v21, v20;
	[tilespmem:s1+$0x18420] =	vst v3;
	v3 =	vadd.f32 v35, v8  }
0x10b: {  	v44 =	vld [tilespmem:s1+$0x124E0];
	v0 =	vadd.f32 v34, v0;
	v5 =	vadd.f32 v7, v5  }
0x10c: {  	v14 =	vld [tilespmem:s1+$0x14470];
	v3 =	vadd.f32 v10, v3;
	v10 =	vadd.f32 v38, v2  }
0x10d: {  	v60 =	vld [tilespmem:s1+$0x14480];
	v0 =	vadd.f32 v9, v0;
	v9 =	vadd.f32 v36, v11  }
0x10e: {  	v6 =	vld [tilespmem:s1+$0x14490];
	[tilespmem:s1+$0x18430] =	vst v5;
	v5 =	vadd.f32 v39, v4;
	v4 =	vadd.f32 v40, v1  }
0x10f: {  	v7 =	vld [tilespmem:s1+$0x144A0];
	v11 =	vadd.f32 v37, v12;
	v12 =	vadd.f32 v13, v9  }
0x110: {  	v8 =	vld [tilespmem:s1+$0x144B0];
	v2 =	vadd.f32 v42, v61;
	v1 =	vadd.f32 v43, v62;
	[tilespmem:s1+$0x18450] =	vst v3  }
0x111: {  	v3 =	vadd.f32 v41, v15;
	v9 =	vld [tilespmem:s1+$0x144C0];
	[tilespmem:s1+$0x18460] =	vst v12;
	v12 =	vadd.f32 v14, v11  }
0x112: {  	s9 =	simm.s32 $0x400;
	s0 =	simm.s32 $0x0;
	[tilespmem:s1+$0x18440] =	vst v0;
	v0 =	vadd.f32 v44, v63;
	v11 =	vadd.f32 v60, v10;
	v10 =	vld [tilespmem:s1+$0x144D0]  }
.LBB2_5:
0x113: {  	s12 =	sshra.s32 s9, $0x2;
	[tilespmem:s1+$0x18470] =	vst v12;
	v5 =	vadd.f32 v6, v5;
	v6 =	vld [tilespmem:s1+$0x144E0]  }
0x114: {  	s0 =	sadd.s32 $0x2, s0;
	v12 =	vld [tilespmem:s12+$0xE4F0];
	[tilespmem:s1+$0x18480] =	vst v11;
	v4 =	vadd.f32 v7, v4  }
0x115: {  	p0 =	slt.u32 s0, $0x3E;
	v7 =	vld [tilespmem:s12+$0x104F0];
	[tilespmem:s1+$0x18490] =	vst v5;
	v3 =	vadd.f32 v8, v3  }
0x116: {  	v5 =	vld [tilespmem:s12+$0xE400];
	[tilespmem:s1+$0x184A0] =	vst v4;
	v2 =	vadd.f32 v9, v2  }
0x117: {  	v4 =	vld [tilespmem:s12+$0x124F0];
	[tilespmem:s1+$0x184B0] =	vst v3;
	v1 =	vadd.f32 v10, v1  }
0x118: {  	v3 =	vld [tilespmem:s12+$0x10400];
	[tilespmem:s1+$0x184C0] =	vst v2;
	v0 =	vadd.f32 v6, v0  }
0x119: {  	v2 =	vld [tilespmem:s12+$0x144F0];
	[tilespmem:s1+$0x184D0] =	vst v1  }
0x11a: {  	v1 =	vld [tilespmem:s12+$0xE410];
	v6 =	vadd.f32 v7, v12;
	[tilespmem:s1+$0x184E0] =	vst v0;
	s1 =	smov.u32 s12  }
0x11b: {  	v0 =	vld [tilespmem:s1+$0x10410]  }
0x11c: {  	v7 =	vld [tilespmem:s1+$0xE420];
	v4 =	vadd.f32 v4, v6  }
0x11d: {  	v3 =	vadd.f32 v3, v5;
	v5 =	vld [tilespmem:s1+$0x10420]  }
0x11e: {  	v6 =	vld [tilespmem:s1+$0xE430];
	v2 =	vadd.f32 v2, v4  }
0x11f: {  	v4 =	vld [tilespmem:s1+$0x10430]  }
0x120: {  	v0 =	vadd.f32 v0, v1;
	v1 =	vld [tilespmem:s1+$0xE440];
	[tilespmem:s1+$0x184F0] =	vst v2  }
0x121: {  	v2 =	vld [tilespmem:s1+$0x10440]  }
0x122: {  	v5 =	vadd.f32 v5, v7;
	v7 =	vld [tilespmem:s1+$0xE450]  }
0x123: {  	v8 =	vld [tilespmem:s1+$0x10450]  }
0x124: {  	v4 =	vadd.f32 v4, v6;
	v6 =	vld [tilespmem:s1+$0xE460]  }
0x125: {  	v9 =	vld [tilespmem:s1+$0x10460]  }
0x126: {  	v1 =	vadd.f32 v2, v1;
	v2 =	vld [tilespmem:s1+$0xE470]  }
0x127: {  	v10 =	vld [tilespmem:s1+$0x10470]  }
0x128: {  	v7 =	vadd.f32 v8, v7;
	v8 =	vld [tilespmem:s1+$0xE480]  }
0x129: {  	v11 =	vld [tilespmem:s1+$0x10480]  }
0x12a: {  	v6 =	vadd.f32 v9, v6;
	v9 =	vld [tilespmem:s1+$0xE490]  }
0x12b: {  	v12 =	vld [tilespmem:s1+$0x10490]  }
0x12c: {  	v2 =	vadd.f32 v10, v2;
	v10 =	vld [tilespmem:s1+$0xE4A0]  }
0x12d: {  	v13 =	vld [tilespmem:s1+$0x104A0]  }
0x12e: {  	v8 =	vadd.f32 v11, v8;
	v11 =	vld [tilespmem:s1+$0xE4B0]  }
0x12f: {  	v14 =	vld [tilespmem:s1+$0x104B0]  }
0x130: {  	v9 =	vadd.f32 v12, v9;
	v12 =	vld [tilespmem:s1+$0xE4C0]  }
0x131: {  	v15 =	vld [tilespmem:s1+$0x104C0]  }
0x132: {  	v10 =	vadd.f32 v13, v10;
	v13 =	vld [tilespmem:s1+$0xE4D0]  }
0x133: {  	v16 =	vld [tilespmem:s1+$0x104D0]  }
0x134: {  	v11 =	vadd.f32 v14, v11;
	v14 =	vld [tilespmem:s1+$0xE4E0]  }
0x135: {  	v17 =	vld [tilespmem:s1+$0x104E0]  }
0x136: {  	v18 =	vld [tilespmem:s1+$0x12400];
	v12 =	vadd.f32 v15, v12  }
0x137: {  	v15 =	vld [tilespmem:s1+$0x12410]  }
0x138: {  	v19 =	vld [tilespmem:s1+$0x12420];
	v13 =	vadd.f32 v16, v13  }
0x139: {  	v16 =	vld [tilespmem:s1+$0x12430]  }
0x13a: {  	v20 =	vld [tilespmem:s1+$0x12440];
	v14 =	vadd.f32 v17, v14  }
0x13b: {  	v17 =	vadd.f32 v18, v3;
	v3 =	vld [tilespmem:s1+$0x12450]  }
0x13c: {  	v15 =	vadd.f32 v15, v0;
	v0 =	vld [tilespmem:s1+$0x12460]  }
0x13d: {  	v18 =	vadd.f32 v19, v5;
	v5 =	vld [tilespmem:s1+$0x12470]  }
0x13e: {  	v16 =	vadd.f32 v16, v4;
	v4 =	vld [tilespmem:s1+$0x12480]  }
0x13f: {  	v19 =	vadd.f32 v20, v1;
	v1 =	vld [tilespmem:s1+$0x12490]  }
0x140: {  	v7 =	vadd.f32 v3, v7;
	v3 =	vld [tilespmem:s1+$0x124A0]  }
0x141: {  	v20 =	vadd.f32 v0, v6;
	v0 =	vld [tilespmem:s1+$0x124B0]  }
0x142: {  	v21 =	vadd.f32 v5, v2;
	v2 =	vld [tilespmem:s1+$0x124C0]  }
0x143: {  	v22 =	vadd.f32 v4, v8;
	v6 =	vld [tilespmem:s1+$0x124D0]  }
0x144: {  	v5 =	vadd.f32 v1, v9;
	v8 =	vld [tilespmem:s1+$0x124E0]  }
0x145: {  	v9 =	vld [tilespmem:s1+$0x14400];
	v4 =	vadd.f32 v3, v10  }
0x146: {  	v10 =	vld [tilespmem:s1+$0x14410];
	v3 =	vadd.f32 v0, v11  }
0x147: {  	v11 =	vld [tilespmem:s1+$0x14420];
	v2 =	vadd.f32 v2, v12  }
0x148: {  	v12 =	vld [tilespmem:s1+$0x14430];
	v1 =	vadd.f32 v6, v13  }
0x149: {  	v6 =	vld [tilespmem:s1+$0x14440];
	v0 =	vadd.f32 v8, v14  }
0x14a: {  	v8 =	vadd.f32 v9, v17;
	v9 =	vld [tilespmem:s1+$0x14450]  }
0x14b: {  	v10 =	vadd.f32 v10, v15;
	v13 =	vld [tilespmem:s1+$0x14460]  }
0x14c: {  	[tilespmem:s1+$0x18400] =	vst v8;
	v8 =	vadd.f32 v11, v18;
	v11 =	vld [tilespmem:s1+$0x14470]  }
0x14d: {  	[tilespmem:s1+$0x18410] =	vst v10;
	v10 =	vadd.f32 v12, v16;
	v14 =	vld [tilespmem:s1+$0x14480]  }
.Ltmp1:
0x14e: {  	[tilespmem:s1+$0x18420] =	vst v8;
	v8 =	vadd.f32 v6, v19;
	v6 =	vld [tilespmem:s1+$0x14490];
	(pc) =	sbr.rel @p0 .LBB2_5-.Ltmp1, $4  }
0x14f: {  	[tilespmem:s1+$0x18430] =	vst v10;
	v9 =	vadd.f32 v9, v7;
	v7 =	vld [tilespmem:s1+$0x144A0]  }
0x150: {  	[tilespmem:s1+$0x18440] =	vst v8;
	v10 =	vadd.f32 v13, v20;
	v8 =	vld [tilespmem:s1+$0x144B0]  }
0x151: {  	[tilespmem:s1+$0x18450] =	vst v9;
	v12 =	vadd.f32 v11, v21;
	v9 =	vld [tilespmem:s1+$0x144C0]  }
0x152: {  	s9 =	sadd.s32 $0x400, s9;
	[tilespmem:s1+$0x18460] =	vst v10;
	v11 =	vadd.f32 v14, v22;
	v10 =	vld [tilespmem:s1+$0x144D0]  }
0x153: {  	[tilespmem:s1+$0x18470] =	vst v12;
	v5 =	vadd.f32 v6, v5;
	v63 =	vld [tilespmem:s1+$0x144E0]  }
0x154: {  	[tilespmem:s1+$0x18480] =	vst v11;
	v4 =	vadd.f32 v7, v4  }
0x155: {  	s30 =	sadd.s32 $0x1, s30;
	[tilespmem:s1+$0x18490] =	vst v5;
	v3 =	vadd.f32 v8, v3  }
0x156: {  	p0 =	sne.s32 s30, $0x19;
	[tilespmem:s1+$0x184A0] =	vst v4;
	v2 =	vadd.f32 v9, v2  }
.Ltmp2:
0x157: {  	s0 =	sshll.u32 s31, $0xD;
	[tilespmem:s1+$0x184B0] =	vst v3;
	v1 =	vadd.f32 v10, v1;
	(pc) =	sbr.rel @p0 .LBB2_2-.Ltmp2, $4  }
0x158: {  	s0 =	sadd.s32 s6, s0;
	[tilespmem:s1+$0x184C0] =	vst v2;
	v0 =	vadd.f32 v63, v0  }
0x159: {  	s0 =	sshrl.u32 s0, $0x3;
	[tilespmem:s1+$0x184D0] =	vst v1  }
0x15a: {  	s0 =	sadd.s32 s2, s0;
	[tilespmem:s1+$0x184E0] =	vst v0  }
0x15b: {  	[hbm4b:s0+s3] =	stream.linear.scatter [tilespmem:s25], [sflag:$0x4], $0x2000, $0x38;
	[tilespmem:$0x1A400] =	vst v63  }
0x15c: {  	s29 =	sadd.s32 $0x1, s29  }
0x15d: {  	_ =	swait.ge [sflag:s26], $0x2000;
	p0 =	sne.s32 s29, s7  }
.Ltmp3:
0x15e: {  	[sflag:s26] =	ssyncset.done $0x0;
	(pc) =	sbr.rel @p0 .LBB2_1-.Ltmp3, $4  }
0x15f: {  	[sflag:s26] =	ssyncadd.s32 $0xFFFFE000  }
0x160: {  	_ =	swait.ge [sflag:s28], $0x2000  }
0x161: {  	[sflag:s28] =	ssyncset.done $0x0  }
0x162: {  	[sflag:s28] =	ssyncadd.s32 $0xFFFFE000  }
0x163: {  	_ =	sfence.sel $0x180000  }
0x164: {  	[bflag:$0x0] =	sbarrier.arrive $0xFFFF  }
0x165: {  	_ =	strace $0x90000047  }
0x166: {  	s0 =	stileid.u32;
	[bflag:$0x2] =	sbarrier.arrive $0xFFFF  }
0x167: {  	p0 =	sne.s32 s0, $0x0;
	s0 =	rddreg [dreg:$0x2]  }
0x168: {  	s0 =	sadd.s32 @!p0 $0x100000, s0  }
0x169: {  	[sflag:s0] =	ssyncadd.tile.s32 @!p0 $0x1;
	_ =	shalt  }
.Lfunc_end2:
_tile_overlayer_lowered:
.L_overlay_start_2:
0x16a: {  	(tag) =	ssettag $0x2  }
0x16b: {  	s0 =	rddreg [dreg:$0x0];
	s2 =	stileid.u32  }
0x16c: {  	s1 =	rddreg [dreg:$0x1];
	p0 =	sne.s32 s2, $0x0  }
0x16d: {  	s3 =	rddreg [dreg:$0x2];
	[bflag:$0x3] =	sbarrier.arrive $0xFFFF;
	s2 =	simm.s32 @!p0 $0x1C05  }
0x16e: {  	[timem:s3], [sflag:s2] =	dma.local @!p0 [hbm:s0], s1  }
0x16f: {  	s0 =	simm.s32 @!p0 $0x5  }
0x170: {  	_ =	swait.ge @!p0 [sflag:s0], s1  }
0x171: {  	s1 =	ssub.s32 @!p0 $0x0, s1;
	[sflag:s0] =	ssyncset.done @!p0 $0x0  }
0x172: {  	[sflag:s0] =	ssyncadd.s32 @!p0 s1  }
0x173: {  	[bflag:$0x3] =	sbarrier.arrive $0xFFFF  }
0x174: {  	_ =	shalt  }

// kernel: sparse-core-data-format-call.cloned.1.call-start
scs
called_computation_lowered:
.L_overlay_start_0:
0x0: {  	s2 =	sld [smem:$0x3FD9]  }
0x1: {  	s3 =	sld [smem:$0x3FFE];
	_ =	sdelay $0x1  }
0x2: {  	s1 =	srdreg.scid  }
0x3: {  	s0 =	sand.u32 $0x1, s1  }
0x4: {  	s18 =	sshll.u32 s0, $0xA;
	s2 =	sadd.s32 s3, s2  }
0x5: {  	s2 =	sadd.s32 s2, s18  }
0x6: {  	[smem:$0x3FC4] =	sst s2  }
0x7: {  	_ = 	snop  }
0x8: {  	s2 =	sld [smem:$0x3FD0];
	(tm) =	ssettm $0x1  }
0x9: {  	s19 =	sld [smem:$0x3FFB];
	_ =	sdelay $0x3  }
0xa: {  	_ =	strace s19  }
0xb: {  	s3 =	sld [smem:$0x3FFC];
	_ =	sdelay $0x3  }
0xc: {  	_ =	strace s3  }
0xd: {  	s3 =	sld [smem:$0x3FFD];
	_ =	sdelay $0x3  }
0xe: {  	_ =	strace s3  }
0xf: {  	_ =	strace $0x8FFFFFFF  }
0x10: {  	s20 =	sld [smem:$0x3FDB];
	_ =	sdelay $0x1  }
0x11: {  	s4 =	simm.s32 $_scs_section_size  }
0x12: {  	s5 =	simm.s32 $_size__tile_overlayer_lowered;
	s6 =	simm.s32 $_tile_overlayer_lowered  }
0x13: {  	s23 =	simm.s32 $0x1BFF;
	s22 =	sshll.u32 s6, $0x1;
	s3 =	sadd.s32 s4, s20  }
0x14: {  	s7 =	simm.s32 $0x0;
	s21 =	sshll.u32 s5, $0x1;
	s5 =	sadd.s32 s22, s3  }
0x15: {  	[timem:s7], [sflag:s23] =	dma.local [hbm:s5], s21  }
0x16: {  	_ =	swait.ge [sflag:s23], s21  }
0x17: {  	s4 =	ssub.s32 $0x0, s21;
	[sflag:s23] =	ssyncset.done $0x0  }
0x18: {  	[sflag:s23] =	ssyncadd.s32 s4;
	_ =	sdelay $0x1  }
0x19: {  	s24 =	simm.s32 $0x1B8B  }
0x1a: {  	_ =	swait.ge [sflag:s24], $0x1  }
0x1b: {  	[sflag:s24] =	ssyncset.done $0x0  }
0x1c: {  	s26 =	simm.s32 $0x1B8E;
	s25 =	sld [smem:$0x3FFE];
	[sflag:s24] =	ssyncadd.s32 $0xFFFFFFFF  }
0x1d: {  	s27 =	simm.s32 $execute0_lowered;
	[smem:$0x3FD2] =	sst s26  }
0x1e: {  	s5 =	sshll.u32 s27, $0x1;
	_ =	strace $0x80000049;
	[dreg:$0x1] =	wrdreg $0xFFFFFFFF  }
0x1f: {  	s28 =	simm.s32 $_size_execute0_lowered;
	s3 =	sadd.s32 s3, s5;
	[dreg:$0x0] =	wrdreg $0x0  }
0x20: {  	s5 =	sshll.u32 s28, $0x1;
	[dreg:$0x2] =	wrdreg s3  }
0x21: {  	[dreg:$0x3] =	wrdreg s5  }
0x22: {  	[dreg:$0x4] =	wrdreg $0xC0  }
0x23: {  	_ =	task [dreg:s7], $0x5FFFF  }
0x24: {  	[dreg:$0x1] =	wrdreg $0xFFFFFFFF  }
0x25: {  	[dreg:$0x0] =	wrdreg $0x60  }
0x26: {  	[dreg:$0x2] =	wrdreg s25  }
0x27: {  	[dreg:$0x3] =	wrdreg s2  }
0x28: {  	[dreg:$0x4] =	wrdreg $0x9  }
0x29: {  	_ =	task.clear_ibuf [dreg:s7], $0x5FFFF;
	_ =	strace $0x90000049  }
0x2a: {  	s29 =	simm.s32 $0x9;
	_ =	strace $0x8000004B  }
0x2b: {  	_ =	swait.ge [sflag:s29], $0x1  }
0x2c: {  	[sflag:s29] =	ssyncadd.s32 $0xFFFFFFFF  }
0x2d: {  	_ =	strace $0x9000004B  }
0x2e: {  	_ =	sfence  }
0x2f: {  	s30 =	sld [smem:$0x0];
	_ =	sdelay $0x2  }
0x30: {  	s31 =	sshll.u32 s1, $0xD;
	s1 =	sshrl.u32 s1, $0x2  }
0x31: {  	s3 =	sand.u32 $0x4000, s31;
	s1 =	sadd.s32 s1, s30  }
0x32: {  	s0 =	sor.u32 s3, s0;
	s1 =	sshll.u32 s1, $0x11  }
0x33: {  	s0 =	sor.u32 s1, s0  }
0x34: {  	s0 =	sadd.s32 $0x8F2B, s0  }
0x35: {  	[sflag:s0] =	ssyncadd.remote.s32 $0x1  }
0x36: {  	_ =	sfence.sel $0xFFFF  }
0x37: {  	[dreg:$0x0] =	wrdreg $0xFFFFFFFF;
	(pc) =	sbr.abs _section_cstart, $3  }
0x38: {  	[dreg:$0x1] =	wrdreg $0xFFFFFFFF  }
0x39: {  	_ =	task.clear_ibuf [dreg:s7], $0x2FFFF;
	_ =	strace $0x9FFFFFFF  }
0x3a: {  	(tm) =	ssettm $0x7FFFFFFF  }
0x3b: {  	_ =	shalt  }
tec
execute0_lowered:
.L_overlay_start_1:
0x0: {  	(tag) =	ssettag $0x1  }
0x1: {  	s0 =	stileid.u32;
	s6 =	rddreg [dreg:$0x0]  }
0x2: {  	s2 =	rddreg [dreg:$0x1];
	s5 =	srdreg.scid  }
0x3: {  	s31 =	simm.s32 $0x2;
	s13 =	simm.s32 $0x0;
	s1 =	sshll.u32 s0, $0x7  }
0x4: {  	s14 =	simm.s32 $0x0;
	s12 =	simm.s32 $0x0;
	s3 =	sand.u32 $0x380, s1  }
0x5: {  	s5 =	sshll.u32 s5, $0x4;
	s6 =	sadd.s32 $0xC00, s6;
	s4 =	ssub.s32 $0x400, s3  }
0x6: {  	s1 =	rddreg [dreg:$0x2];
	_ =	strace $0x8000004A;
	s7 =	sand.u32 $0x380, s4  }
0x7: {  	s5 =	sand.u32 $0x10, s5;
	p0 =	sne.s32 s7, $0x0;
	s7 =	simm.s32 $0x1  }
.Ltmp0:
0x8: {  	s8 =	sshrl.u32 s4, $0xA;
	s7 =	simm.s32 @!p0 $0x0;
	(pc) =	sbr.rel .LBB1_1-.Ltmp0, $4  }
0x9: {  	s9 =	sor.u32 s0, s5;
	s4 =	simm.s32 $0x1;
	s30 =	sadd.s32 s7, s8  }
0xa: {  	s11 =	smov.u32 s3;
	[sflag:s4] =	ssyncpa.u1 $0x0;
	s5 =	smul.u32 $0x32, s30  }
0xb: {  	[sflag:s31] =	ssyncpa.u1 $0x0;
	p0 =	por $0x0, $0x0;
	s7 =	sshrl.u32 s9, $0x3  }
0xc: {  	s9 =	simm.s32 $0x2000;
	s10 =	smov.u32 s7;
	s8 =	sor.u32 $0x1, s5  }
.LBB1_4:
0xd: {  	s17 =	sand.u32 $0x1F80, s14;
	s13 =	sshll.u32 s13, $0xD  }
0xe: {  	[tilespmem:s16+$0x810 ss:$0x81] =	vst.msk $0xffff, v2;
	s18 =	sshrl.u32 s14, $0x3;
	s31 =	sand.u32 $0x7, s14;
	s17 =	sadd.s32 s2, s17  }
0xf: {  	[tilespmem:s16+$0x1020 ss:$0x81] =	vst.msk $0xffff, v0;
	s18 =	sand.u32 $0xF, s18;
	s14 =	sshll.u32 s31, $0x12;
	s13 =	sadd.s32 s13, s17  }
0x10: {  	[tilespmem:s16+$0x0 ss:$0x81] =	vst.msk $0xffff, v1;
	s14 =	sor.u32 $0x400, s14;
	s13 =	sadd.s32 s18, s13  }
0x11: {  	[hbm4b:s13+s14] =	stream.strided.scatter [tilespmem:s15], [sflag:$0x2], $0x2000, s9, s14, $0x20;
	[tilespmem:$0x8080] =	vst v63  }
.LBB1_5:
0x12: {  	s15 =	sadd.s32 $0x4, s10  }
0x13: {  	s13 =	sadd.s32 $0x400, s11;
	s17 =	smov.u32 s11;
	p2 =	sgt.s32 s15, $0xC7  }
0x14: {  	s17 =	smov.u32 @p2 s13  }
0x15: {  	s15 =	smov.u32 @p2 s7;
	p2 =	sgt.s32 s17, $0x3FF  }
0x16: {  	s17 =	smov.u32 @p2 s3;
	p2 =	sne.s32 s12, s8  }
.Ltmp1:
0x17: {  	p1 =	slt.u32 s12, $0x2;
	(pc) =	sbr.rel @!p2 .LBB1_6-.Ltmp1, $4  }
0x18: {  	s16 =	simm.s32 @!p1 $0x2  }
0x19: {  	s14 =	smov.u32 s11;
	p0 =	por !p0, !p0;
	_ =	swait.ge @!p1 [sflag:s16], $0x2000  }
0x1a: {  	s13 =	smov.u32 s10;
	[sflag:s16] =	ssyncset.done @!p1 $0x0;
	s10 =	smov.u32 s15  }
0x1b: {  	s12 =	sadd.s32 $0x1, s12;
	[sflag:s16] =	ssyncadd.s32 @!p1 $0xFFFFE000;
	s11 =	smov.u32 s17  }
.LBB1_1:
0x1c: {  	p1 =	sge.u32 s12, s5  }
0x1d: {  	s15 =	sand.u32 @!p1 $0x1FFFFFF, s10  }
0x1e: {  	s16 =	smulhi.u32 @!p1 $0x147AE15, s15;
	_ =	sdelay $0x1  }
0x1f: {  	s16 =	smul.u32 @!p1 $0xC8, s16  }
0x20: {  	s17 =	sxor.u32 @!p1 $0xFFFFFFFF, s12;
	s18 =	smul.u32 @!p1 $0xC80, s11  }
0x21: {  	s31 =	sadd.s32 $0xFFFFFFFF, s12;
	s17 =	sshll.u32 @!p1 s17, $0xD;
	s15 =	ssub.s32 @!p1 s15, s16  }
0x22: {  	s16 =	sand.u32 @!p1 $0x2000, s17;
	s17 =	sadd.s32 @!p1 s6, s18;
	s15 =	sshll.u32 @!p1 s15, $0x4  }
0x23: {  	s18 =	simm.s32 @!p1 $0x6400;
	s15 =	sadd.s32 @!p1 s15, s17;
	s17 =	simm.s32 @!p1 $0x40  }
0x24: {  	[tilespmem:s16], [sflag:$0x1] =	stream.strided.gather @!p1 [hbm4b:s15+s17], $0x2000, s18, s17, $0x38;
	[tilespmem:$0x8080] =	vst v63  }
0x25: {  	p1 =	sge.u32 s31, s5  }
.Ltmp2:
0x26: {  	_ = 	snop;
	(pc) =	sbr.rel @p1 .LBB1_5-.Ltmp2, $1  }
0x27: {  	_ =	sdelay $0x3  }
0x28: {  	s15 =	simm.s32 $0x1  }
0x29: {  	_ =	swait.ge [sflag:s4], $0x2000;
	s15 =	simm.s32 @!p0 $0x0  }
0x2a: {  	[sflag:s4] =	ssyncset.done $0x0;
	s16 =	sshll.u32 s15, $0xD  }
0x2b: {  	[sflag:s4] =	ssyncadd.s32 $0xFFFFE000;
	s19 =	sor.u32 $0x20, s16  }
0x2c: {  	s15 =	smul.u32 $0x8100, s15;
	v3 =	vld [tilespmem:s19+$0x10]  }
0x2d: {  	s30 =	sand.u32 $0x1, s12;
	v2 =	vld [tilespmem:s19+$0xFFFFFFF0]  }
0x2e: {  	s16 =	smul.u32 $0x8100, s30;
	s15 =	sshrl.u32 s15, $0x2;
	v0 =	vld [tilespmem:s19+$0x0]  }
0x2f: {  	v1 =	vld [tilespmem:s19+$0xFFFFFFE0];
	s17 =	sor.u32 $0x4000, s15  }
0x30: {  	s31 =	sshrl.u32 s16, $0x2;
	s16 =	sadd.s32 $0x0, s17  }
0x31: {  	s18 =	simm.s32 $0x4;
	s19 =	sadd.s32 $0x40, s19;
	s15 =	sor.u32 $0x4000, s31;
	[tilespmem:s16+$0x1830 ss:$0x81] =	vst.msk $0xffff, v3  }
.LBB1_3:
0x32: {  	v3 =	vld [tilespmem:s19+$0x10];
	p1 =	sne.s32 s18, $0x1FC;
	[tilespmem:s16+$0x810 ss:$0x81] =	vst.msk $0xffff, v2;
	s20 =	smov.u32 s18;
	s18 =	sadd.s32 $0x4, s18  }
.Ltmp3:
0x33: {  	v2 =	vld [tilespmem:s19+$0xFFFFFFF0];
	[tilespmem:s16+$0x1020 ss:$0x81] =	vst.msk $0xffff, v0;
	(pc) =	sbr.rel @p1 .LBB1_3-.Ltmp3, $4  }
0x34: {  	v0 =	vld [tilespmem:s19+$0x0];
	[tilespmem:s16+$0x0 ss:$0x81] =	vst.msk $0xffff, v1  }
0x35: {  	s16 =	sshra.s32 s20, $0x2;
	v1 =	vld [tilespmem:s19+$0xFFFFFFE0]  }
0x36: {  	s16 =	sadd.s32 s16, s17  }
0x37: {  	s19 =	sadd.s32 $0x40, s19;
	[tilespmem:s16+$0x1830 ss:$0x81] =	vst.msk $0xffff, v3  }
.Ltmp4:
0x38: {  	_ = 	snop;
	(pc) =	sbr.rel .LBB1_4-.Ltmp4, $1  }
0x39: {  	_ =	sdelay $0x3  }
.LBB1_6:
0x3a: {  	_ =	sfence.sel $0x180000  }
0x3b: {  	s2 =	simm.s32 $0x1;
	[bflag:$0x0] =	sbarrier.arrive $0xFFFF  }
0x3c: {  	s31 =	simm.s32 $0x2;
	[sflag:s2] =	ssyncpa.u1 $0x1  }
0x3d: {  	[sflag:s31] =	ssyncpa.u1 $0x1  }
0x3e: {  	p0 =	sne.s32 s0, $0x0;
	_ =	strace $0x9000004A  }
0x3f: {  	s0 =	sadd.s32 @!p0 $0x100000, s1;
	[bflag:$0x2] =	sbarrier.arrive $0xFFFF  }
0x40: {  	[sflag:s0] =	ssyncadd.tile.s32 @!p0 $0x1;
	_ =	shalt  }
.Lfunc_end1:
_tile_overlayer_lowered:
.L_overlay_start_2:
0x41: {  	(tag) =	ssettag $0x2  }
0x42: {  	s0 =	rddreg [dreg:$0x0];
	s2 =	stileid.u32  }
0x43: {  	s1 =	rddreg [dreg:$0x1];
	p0 =	sne.s32 s2, $0x0  }
0x44: {  	s3 =	rddreg [dreg:$0x2];
	[bflag:$0x3] =	sbarrier.arrive $0xFFFF;
	s2 =	simm.s32 @!p0 $0x1C01  }
0x45: {  	[timem:s3], [sflag:s2] =	dma.local @!p0 [hbm:s0], s1  }
0x46: {  	s0 =	simm.s32 @!p0 $0x1  }
0x47: {  	_ =	swait.ge @!p0 [sflag:s0], s1  }
0x48: {  	s1 =	ssub.s32 @!p0 $0x0, s1;
	[sflag:s0] =	ssyncset.done @!p0 $0x0  }
0x49: {  	[sflag:s0] =	ssyncadd.s32 @!p0 s1  }
0x4a: {  	[bflag:$0x3] =	sbarrier.arrive $0xFFFF  }
0x4b: {  	_ =	shalt  }

</sc_bundles>
